<compile_context>
chip_gen: v7x
topology: tpu7x:2x2x1
jax: 0.10.2.dev20260603
libtpu: 0.0.44.dev20260713+nightly
codegen_flags: <defaults>
</compile_context>

<pallas_src>
import functools

import jax
import jax.numpy as jnp
from jax import lax
from jax.experimental import pallas as pl
from jax.experimental.pallas import tpu as pltpu
from jax.experimental.pallas import tpu_sc as plsc

NC = 2
NS = 16
L = 16
NW = NC * NS
R = 16
NSLOT = 3


def _sc_body(T, D, TPW, input_hbm, mask_hbm, source_hbm, out_hbm,
             mask_p, mask_v, idx_m, idx_u,
             idx_g0, idx_g1, idx_g2, idx_s0, idx_s1, idx_s2, buf,
             sem_g0, sem_g1, sem_g2, sem_s0, sem_s1, sem_s2):
    idx_gs = (idx_g0, idx_g1, idx_g2)
    idx_ss = (idx_s0, idx_s1, idx_s2)
    sem_gs = (sem_g0, sem_g1, sem_g2)
    sem_ss = (sem_s0, sem_s1, sem_s2)

    wid = lax.axis_index("s") * NC + lax.axis_index("c")
    base = wid * TPW
    lane = lax.broadcasted_iota(jnp.int32, (L,), 0)

    pltpu.sync_copy(mask_hbm, mask_p)

    for g in range(TPW // (4 * L)):
        w32 = mask_p[pl.ds(base // 4 + g * L, L)]
        for j in range(4):
            plsc.store_scatter(mask_v, [g * 4 * L + 4 * lane + j],
                               (w32 >> (8 * j)) & 0xFF)

    def psum():
        def psum_step(k, accs):
            return tuple(a + mask_p[pl.ds((k * 8 + u) * L, L)]
                         for u, a in enumerate(accs))
        accs = lax.fori_loop(0, base // (8 * 4 * L), psum_step,
                             tuple(jnp.zeros((L,), jnp.int32)
                                   for _ in range(8)))
        s = sum(accs)
        s = (s & 0xFF) + ((s >> 8) & 0xFF) + ((s >> 16) & 0xFF) + \
            ((s >> 24) & 0xFF)
        return jnp.sum(s)

    def build_step(i, carry):
        cnt_m, cnt_u, last_m, last_u = carry
        toks = base + i * L + lane
        m = mask_v[pl.ds(i * L, L)]
        mb = m > 0
        incl = plsc.cumsum(m)
        n_m = jnp.sum(m)
        pos_m = cnt_m + incl - 1
        plsc.store_scatter(idx_m, [pos_m], toks, mask=mb)
        incl_u = lane + 1 - incl
        pos_u = cnt_u + incl_u - 1
        plsc.store_scatter(idx_u, [pos_u], toks, mask=jnp.logical_not(mb))
        last_m = jnp.maximum(last_m, jnp.max(jnp.where(mb, toks, -1)))
        last_u = jnp.maximum(last_u, jnp.max(jnp.where(mb, -1, toks)))
        return cnt_m + n_m, cnt_u + (L - n_m), last_m, last_u

    km, ku, last_m, last_u = lax.fori_loop(
        0, TPW // L, build_step,
        (jnp.int32(0), jnp.int32(0), jnp.int32(-1), jnp.int32(-1)))

    @pl.when((km & (L - 1)) != 0)
    def _():
        p = (km & ~(L - 1)) + lane
        plsc.store_scatter(idx_m, [p], jnp.full((L,), last_m, jnp.int32),
                           mask=p >= km)

    @pl.when((ku & (L - 1)) != 0)
    def _():
        p = (ku & ~(L - 1)) + lane
        plsc.store_scatter(idx_u, [p], jnp.full((L,), last_u, jnp.int32),
                           mask=p >= ku)

    c_start = psum()

    def run_path(src_hbm, nch, make_gidx, make_sidx):
        def bslot(s):
            return buf.at[pl.ds(s * R, R)]

        def start_gather(c, s):
            idx_gs[s][...] = make_gidx(c)
            pltpu.make_async_copy(src_hbm.at[idx_gs[s]], bslot(s),
                                  sem_gs[s]).start()

        def wait_gather(s):
            pltpu.make_async_copy(src_hbm.at[idx_gs[s]], bslot(s),
                                  sem_gs[s]).wait()

        def start_scatter(c, s):
            idx_ss[s][...] = make_sidx(c)
            pltpu.make_async_copy(bslot(s), out_hbm.at[idx_ss[s]],
                                  sem_ss[s]).start()

        def wait_scatter(s):
            pltpu.make_async_copy(bslot(s), out_hbm.at[idx_ss[s]],
                                  sem_ss[s]).wait()

        @pl.when(nch > 0)
        def _():
            start_gather(0, 0)

        @pl.when(nch > 1)
        def _():
            start_gather(1, 1)

        def triple(c3, _):
            for b in range(NSLOT):
                c = c3 * NSLOT + b
                s2 = (b + 2) % NSLOT

                @pl.when(c < nch)
                def _():
                    wait_gather(b)
                    start_scatter(c, b)

                @pl.when((c >= 1) & (c <= nch - 1))
                def _():
                    wait_scatter(s2)

                @pl.when(c + 2 < nch)
                def _():
                    start_gather(c + 2, s2)
            return 0

        lax.fori_loop(0, (nch + NSLOT - 1) // NSLOT, triple, 0)

        for s in range(NSLOT):
            @pl.when((nch > 0) & ((nch - 1) % NSLOT == s))
            def _():
                wait_scatter(s)

    run_path(
        input_hbm, (ku + R - 1) // R,
        lambda c: idx_u[pl.ds(c * R, R)],
        lambda c: idx_u[pl.ds(c * R, R)])

    run_path(
        source_hbm, (km + R - 1) // R,
        lambda c: jnp.minimum(c_start + c * R + lane, c_start + km - 1),
        lambda c: idx_m[pl.ds(c * R, R)])


@functools.partial(jax.jit, static_argnames=("T", "D"))
def _masked_scatter_rows(input_2d, mask32, source_2d, *, T, D):
    TPW = T // NW
    mesh = plsc.VectorSubcoreMesh(core_axis_name="c", subcore_axis_name="s",
                                  num_cores=NC, num_subcores=NS)
    body = functools.partial(_sc_body, T, D, TPW)
    return pl.kernel(
        body,
        out_type=jax.ShapeDtypeStruct((T, D), jnp.float32),
        mesh=mesh,
        compiler_params=pltpu.CompilerParams(needs_layout_passes=False),
        scratch_types=[
            pltpu.VMEM((T // 4,), jnp.int32),
            pltpu.VMEM((TPW,), jnp.int32),
            pltpu.VMEM((TPW,), jnp.int32),
            pltpu.VMEM((TPW,), jnp.int32),
            pltpu.VMEM((R,), jnp.int32),
            pltpu.VMEM((R,), jnp.int32),
            pltpu.VMEM((R,), jnp.int32),
            pltpu.VMEM((R,), jnp.int32),
            pltpu.VMEM((R,), jnp.int32),
            pltpu.VMEM((R,), jnp.int32),
            pltpu.VMEM((NSLOT * R, D), jnp.float32),
            pltpu.SemaphoreType.DMA,
            pltpu.SemaphoreType.DMA,
            pltpu.SemaphoreType.DMA,
            pltpu.SemaphoreType.DMA,
            pltpu.SemaphoreType.DMA,
            pltpu.SemaphoreType.DMA,
        ],
    )(input_2d, mask32, source_2d)


def kernel(inputs_embeds, mask_1d, source):
    B, S, D = inputs_embeds.shape
    T = B * S
    assert T % (NW * 8 * L) == 0
    input_2d = inputs_embeds.reshape(T, D)
    source_2d = source.reshape(T, D)
    mask_p = mask_1d.reshape(T).view(jnp.uint8).view(jnp.int32)
    out = _masked_scatter_rows(input_2d, mask_p, source_2d, T=T, D=D)
    return out.reshape(B, S, D)

# --- scband reference (transcript-rebuilt; emitter-appended) ---
"""Pipeline reference for scband-masked-scatter-old-decomp-4269197492488 (READ-ONLY COPY).

The authoritative reference and input builder live on the scoring server;
editing this copy changes nothing except your own understanding.
"""

import jax, jax.numpy as jnp
import numpy as np

B, S, D = 2, 8192, 2048

def setup_inputs(seed: int = 0) -> dict:
    key = jax.random.key(seed)
    k1, k2, k3 = jax.random.split(key, 3)
    inputs_embeds = jax.random.normal(k1, (B, S, D), dtype=jnp.float32)
    mask_1d = jax.random.randint(k2, (B, S), 0, 2) > 0
    source = jax.random.normal(k3, (B, S, D), dtype=jnp.float32)
    return {"inputs_embeds": inputs_embeds, "mask_1d": mask_1d, "source": source}

def reference(inputs_embeds, mask_1d, source):
    # mask_1d.unsqueeze(-1) then broadcast against inputs_embeds
    mask = mask_1d[..., None]
    mask_broad = jnp.broadcast_to(mask, inputs_embeds.shape)
    mask_flat = mask_broad.reshape(-1)
    data_flat = inputs_embeds.reshape(-1)
    source_flat = source.reshape(-1)
    mask_i = mask_flat.astype(jnp.int32)
    source_idx = jnp.cumsum(mask_i, axis=0) - 1
    source_idx = jnp.clip(source_idx, 0, source_flat.shape[0] - 1)
    gathered = jnp.take(source_flat, source_idx, axis=0)
    result_flat = jnp.where(mask_flat, gathered, data_flat)
    return result_flat.reshape(inputs_embeds.shape)

if __name__ == "__main__":
    import jax
    _d = setup_inputs()
    print(jax.jit(kernel)(*tuple(_d.values())))

</pallas_src>

<mosaic_0001>
#map = affine_map<(d0, d1) -> (0, 0)>
#map1 = affine_map<(d0, d1) -> (0)>
module attributes {stable_mosaic.version = 14 : i64} {
  func.func @_sc_body(%arg0: i32, %arg1: i32, %arg2: memref<16384x2048xf32, #tpu.memory_space<hbm>>, %arg3: memref<4096xi32, #tpu.memory_space<hbm>>, %arg4: memref<16384x2048xf32, #tpu.memory_space<hbm>>, %arg5: memref<16384x2048xf32, #tpu.memory_space<hbm>>, %arg6: memref<4096xi32, #tpu.memory_space<vmem>>, %arg7: memref<512xi32, #tpu.memory_space<vmem>>, %arg8: memref<512xi32, #tpu.memory_space<vmem>>, %arg9: memref<512xi32, #tpu.memory_space<vmem>>, %arg10: memref<16xi32, #tpu.memory_space<vmem>>, %arg11: memref<16xi32, #tpu.memory_space<vmem>>, %arg12: memref<16xi32, #tpu.memory_space<vmem>>, %arg13: memref<16xi32, #tpu.memory_space<vmem>>, %arg14: memref<16xi32, #tpu.memory_space<vmem>>, %arg15: memref<16xi32, #tpu.memory_space<vmem>>, %arg16: memref<48x2048xf32, #tpu.memory_space<vmem>>, %arg17: memref<!tpu.dma_semaphore, #tpu.memory_space<semaphore_mem>>, %arg18: memref<!tpu.dma_semaphore, #tpu.memory_space<semaphore_mem>>, %arg19: memref<!tpu.dma_semaphore, #tpu.memory_space<semaphore_mem>>, %arg20: memref<!tpu.dma_semaphore, #tpu.memory_space<semaphore_mem>>, %arg21: memref<!tpu.dma_semaphore, #tpu.memory_space<semaphore_mem>>, %arg22: memref<!tpu.dma_semaphore, #tpu.memory_space<semaphore_mem>>) attributes {dimension_semantics = [#tpu.dimension_semantics<core_parallel>, #tpu.dimension_semantics<subcore_parallel>], iteration_bounds = array<i64: 2, 16>, scalar_prefetch = 0 : i64, scratch_operands = 17 : i64, tpu.core_type = #tpu.core_type<sc_vector_subcore>, window_params = [{transform_indices = #map}, {transform_indices = #map1}, {transform_indices = #map}, {transform_indices = #map}]} {
    %mul3A = arith.constant 2 : i32
    %mul3A_0 = arith.muli %arg1, %mul3A : i32
    %add3A = arith.addi %mul3A_0, %arg0 : i32
    %mul3A_1 = arith.constant 512 : i32
    %mul3A_2 = arith.muli %add3A, %mul3A_1 : i32
    %iota3A = tpu.iota {dimensions = array<i32: 0>} : vector<16xi32>
    "tpu.region"() ({
      %run_scoped3A = tpu.sem_alloc : memref<!tpu.dma_semaphore, #tpu.memory_space<semaphore_mem>>
      tpu.enqueue_dma source(%arg3 : memref<4096xi32, #tpu.memory_space<hbm>>) target(%arg6 : memref<4096xi32, #tpu.memory_space<vmem>>) target_semaphore(%run_scoped3A : memref<!tpu.dma_semaphore, #tpu.memory_space<semaphore_mem>>)
      tpu.wait_dma2 semaphore(%run_scoped3A : memref<!tpu.dma_semaphore, #tpu.memory_space<semaphore_mem>>) src(%arg3 : memref<4096xi32, #tpu.memory_space<hbm>>) dst(%arg6 : memref<4096xi32, #tpu.memory_space<vmem>>)
      tpu.yield
    }) : () -> ()
    %jit3A = arith.constant 4 : i32
    %div3A = arith.divsi %mul3A_2, %jit3A : i32
    %sign3A = arith.constant 0 : i32
    %sign3A_3 = arith.cmpi sgt, %mul3A_2, %sign3A : i32
    %sign3A_4 = arith.extui %sign3A_3 : i1 to i32
    %sign3A_5 = arith.constant 0 : i32
    %sign3A_6 = arith.cmpi slt, %mul3A_2, %sign3A_5 : i32
    %sign3A_7 = arith.extui %sign3A_6 : i1 to i32
    %sign3A_8 = arith.subi %sign3A_4, %sign3A_7 : i32
    %sign3A_9 = arith.constant 0 : i32
    %sign3A_10 = arith.cmpi sgt, %jit3A, %sign3A_9 : i32
    %sign3A_11 = arith.extui %sign3A_10 : i1 to i32
    %sign3A_12 = arith.constant 0 : i32
    %sign3A_13 = arith.cmpi slt, %jit3A, %sign3A_12 : i32
    %sign3A_14 = arith.extui %sign3A_13 : i1 to i32
    %sign3A_15 = arith.subi %sign3A_11, %sign3A_14 : i32
    %ne3A = arith.cmpi ne, %sign3A_8, %sign3A_15 : i32
    %rem3A = arith.remsi %mul3A_2, %jit3A : i32
    %ne3A_16 = arith.constant 0 : i32
    %ne3A_17 = arith.cmpi ne, %rem3A, %ne3A_16 : i32
    %and3A = arith.andi %ne3A, %ne3A_17 : i1
    %sub3A = arith.constant 1 : i32
    %sub3A_18 = arith.subi %div3A, %sub3A : i32
    %select_n3A = arith.select %and3A, %sub3A_18, %div3A : i32
    %add3A_19 = arith.constant 0 : i32
    %add3A_20 = arith.addi %select_n3A, %add3A_19 : i32
    %get3A = arith.index_cast %add3A_20 : i32 to index
    %get3A_21 = tpu.vector_load %arg6[%get3A] {strides = array<i32>} : memref<4096xi32, #tpu.memory_space<vmem>>, vector<16xi32>,
    %mul3A_22 = arith.constant 4 : i32
    %mul3A_23 = vector.broadcast %mul3A_22 : i32 to vector<16xi32>
    %mul3A_24 = arith.muli %mul3A_23, %iota3A : vector<16xi32>
    %add3A_25 = arith.constant 0 : i32
    %add3A_26 = vector.broadcast %add3A_25 : i32 to vector<16xi32>
    %add3A_27 = arith.addi %add3A_26, %mul3A_24 : vector<16xi32>
    %add3A_28 = arith.constant 0 : i32
    %add3A_29 = vector.broadcast %add3A_28 : i32 to vector<16xi32>
    %add3A_30 = arith.addi %add3A_27, %add3A_29 : vector<16xi32>
    %shift_right_arithmetic3A = arith.constant 0 : i32
    %shift_right_arithmetic3A_31 = vector.broadcast %shift_right_arithmetic3A : i32 to vector<16xi32>
    %shift_right_arithmetic3A_32 = arith.shrsi %get3A_21, %shift_right_arithmetic3A_31 : vector<16xi32>
    %and3A_33 = arith.constant 255 : i32
    %and3A_34 = vector.broadcast %and3A_33 : i32 to vector<16xi32>
    %and3A_35 = arith.andi %shift_right_arithmetic3A_32, %and3A_34 : vector<16xi32>
    tpu.vector_store_idx %arg7[%add3A_30], %and3A_35 : memref<512xi32, #tpu.memory_space<vmem>>[vector<16xi32>], vector<16xi32>,
    %mul3A_36 = arith.constant 4 : i32
    %mul3A_37 = vector.broadcast %mul3A_36 : i32 to vector<16xi32>
    %mul3A_38 = arith.muli %mul3A_37, %iota3A : vector<16xi32>
    %add3A_39 = arith.constant 0 : i32
    %add3A_40 = vector.broadcast %add3A_39 : i32 to vector<16xi32>
    %add3A_41 = arith.addi %add3A_40, %mul3A_38 : vector<16xi32>
    %add3A_42 = arith.constant 1 : i32
    %add3A_43 = vector.broadcast %add3A_42 : i32 to vector<16xi32>
    %add3A_44 = arith.addi %add3A_41, %add3A_43 : vector<16xi32>
    %shift_right_arithmetic3A_45 = arith.constant 8 : i32
    %shift_right_arithmetic3A_46 = vector.broadcast %shift_right_arithmetic3A_45 : i32 to vector<16xi32>
    %shift_right_arithmetic3A_47 = arith.shrsi %get3A_21, %shift_right_arithmetic3A_46 : vector<16xi32>
    %and3A_48 = arith.constant 255 : i32
    %and3A_49 = vector.broadcast %and3A_48 : i32 to vector<16xi32>
    %and3A_50 = arith.andi %shift_right_arithmetic3A_47, %and3A_49 : vector<16xi32>
    tpu.vector_store_idx %arg7[%add3A_44], %and3A_50 : memref<512xi32, #tpu.memory_space<vmem>>[vector<16xi32>], vector<16xi32>,
    %mul3A_51 = arith.constant 4 : i32
    %mul3A_52 = vector.broadcast %mul3A_51 : i32 to vector<16xi32>
    %mul3A_53 = arith.muli %mul3A_52, %iota3A : vector<16xi32>
    %add3A_54 = arith.constant 0 : i32
    %add3A_55 = vector.broadcast %add3A_54 : i32 to vector<16xi32>
    %add3A_56 = arith.addi %add3A_55, %mul3A_53 : vector<16xi32>
    %add3A_57 = arith.constant 2 : i32
    %add3A_58 = vector.broadcast %add3A_57 : i32 to vector<16xi32>
    %add3A_59 = arith.addi %add3A_56, %add3A_58 : vector<16xi32>
    %shift_right_arithmetic3A_60 = arith.constant 16 : i32
    %shift_right_arithmetic3A_61 = vector.broadcast %shift_right_arithmetic3A_60 : i32 to vector<16xi32>
    %shift_right_arithmetic3A_62 = arith.shrsi %get3A_21, %shift_right_arithmetic3A_61 : vector<16xi32>
    %and3A_63 = arith.constant 255 : i32
    %and3A_64 = vector.broadcast %and3A_63 : i32 to vector<16xi32>
    %and3A_65 = arith.andi %shift_right_arithmetic3A_62, %and3A_64 : vector<16xi32>
    tpu.vector_store_idx %arg7[%add3A_59], %and3A_65 : memref<512xi32, #tpu.memory_space<vmem>>[vector<16xi32>], vector<16xi32>,
    %mul3A_66 = arith.constant 4 : i32
    %mul3A_67 = vector.broadcast %mul3A_66 : i32 to vector<16xi32>
    %mul3A_68 = arith.muli %mul3A_67, %iota3A : vector<16xi32>
    %add3A_69 = arith.constant 0 : i32
    %add3A_70 = vector.broadcast %add3A_69 : i32 to vector<16xi32>
    %add3A_71 = arith.addi %add3A_70, %mul3A_68 : vector<16xi32>
    %add3A_72 = arith.constant 3 : i32
    %add3A_73 = vector.broadcast %add3A_72 : i32 to vector<16xi32>
    %add3A_74 = arith.addi %add3A_71, %add3A_73 : vector<16xi32>
    %shift_right_arithmetic3A_75 = arith.constant 24 : i32
    %shift_right_arithmetic3A_76 = vector.broadcast %shift_right_arithmetic3A_75 : i32 to vector<16xi32>
    %shift_right_arithmetic3A_77 = arith.shrsi %get3A_21, %shift_right_arithmetic3A_76 : vector<16xi32>
    %and3A_78 = arith.constant 255 : i32
    %and3A_79 = vector.broadcast %and3A_78 : i32 to vector<16xi32>
    %and3A_80 = arith.andi %shift_right_arithmetic3A_77, %and3A_79 : vector<16xi32>
    tpu.vector_store_idx %arg7[%add3A_74], %and3A_80 : memref<512xi32, #tpu.memory_space<vmem>>[vector<16xi32>], vector<16xi32>,
    %jit3A_81 = arith.constant 4 : i32
    %div3A_82 = arith.divsi %mul3A_2, %jit3A_81 : i32
    %sign3A_83 = arith.constant 0 : i32
    %sign3A_84 = arith.cmpi sgt, %mul3A_2, %sign3A_83 : i32
    %sign3A_85 = arith.extui %sign3A_84 : i1 to i32
    %sign3A_86 = arith.constant 0 : i32
    %sign3A_87 = arith.cmpi slt, %mul3A_2, %sign3A_86 : i32
    %sign3A_88 = arith.extui %sign3A_87 : i1 to i32
    %sign3A_89 = arith.subi %sign3A_85, %sign3A_88 : i32
    %sign3A_90 = arith.constant 0 : i32
    %sign3A_91 = arith.cmpi sgt, %jit3A_81, %sign3A_90 : i32
    %sign3A_92 = arith.extui %sign3A_91 : i1 to i32
    %sign3A_93 = arith.constant 0 : i32
    %sign3A_94 = arith.cmpi slt, %jit3A_81, %sign3A_93 : i32
    %sign3A_95 = arith.extui %sign3A_94 : i1 to i32
    %sign3A_96 = arith.subi %sign3A_92, %sign3A_95 : i32
    %ne3A_97 = arith.cmpi ne, %sign3A_89, %sign3A_96 : i32
    %rem3A_98 = arith.remsi %mul3A_2, %jit3A_81 : i32
    %ne3A_99 = arith.constant 0 : i32
    %ne3A_100 = arith.cmpi ne, %rem3A_98, %ne3A_99 : i32
    %and3A_101 = arith.andi %ne3A_97, %ne3A_100 : i1
    %sub3A_102 = arith.constant 1 : i32
    %sub3A_103 = arith.subi %div3A_82, %sub3A_102 : i32
    %select_n3A_104 = arith.select %and3A_101, %sub3A_103, %div3A_82 : i32
    %add3A_105 = arith.constant 16 : i32
    %add3A_106 = arith.addi %select_n3A_104, %add3A_105 : i32
    %get3A_107 = arith.index_cast %add3A_106 : i32 to index
    %get3A_108 = tpu.vector_load %arg6[%get3A_107] {strides = array<i32>} : memref<4096xi32, #tpu.memory_space<vmem>>, vector<16xi32>,
    %mul3A_109 = arith.constant 4 : i32
    %mul3A_110 = vector.broadcast %mul3A_109 : i32 to vector<16xi32>
    %mul3A_111 = arith.muli %mul3A_110, %iota3A : vector<16xi32>
    %add3A_112 = arith.constant 64 : i32
    %add3A_113 = vector.broadcast %add3A_112 : i32 to vector<16xi32>
    %add3A_114 = arith.addi %add3A_113, %mul3A_111 : vector<16xi32>
    %add3A_115 = arith.constant 0 : i32
    %add3A_116 = vector.broadcast %add3A_115 : i32 to vector<16xi32>
    %add3A_117 = arith.addi %add3A_114, %add3A_116 : vector<16xi32>
    %shift_right_arithmetic3A_118 = arith.constant 0 : i32
    %shift_right_arithmetic3A_119 = vector.broadcast %shift_right_arithmetic3A_118 : i32 to vector<16xi32>
    %shift_right_arithmetic3A_120 = arith.shrsi %get3A_108, %shift_right_arithmetic3A_119 : vector<16xi32>
    %and3A_121 = arith.constant 255 : i32
    %and3A_122 = vector.broadcast %and3A_121 : i32 to vector<16xi32>
    %and3A_123 = arith.andi %shift_right_arithmetic3A_120, %and3A_122 : vector<16xi32>
    tpu.vector_store_idx %arg7[%add3A_117], %and3A_123 : memref<512xi32, #tpu.memory_space<vmem>>[vector<16xi32>], vector<16xi32>,
    %mul3A_124 = arith.constant 4 : i32
    %mul3A_125 = vector.broadcast %mul3A_124 : i32 to vector<16xi32>
    %mul3A_126 = arith.muli %mul3A_125, %iota3A : vector<16xi32>
    %add3A_127 = arith.constant 64 : i32
    %add3A_128 = vector.broadcast %add3A_127 : i32 to vector<16xi32>
    %add3A_129 = arith.addi %add3A_128, %mul3A_126 : vector<16xi32>
    %add3A_130 = arith.constant 1 : i32
    %add3A_131 = vector.broadcast %add3A_130 : i32 to vector<16xi32>
    %add3A_132 = arith.addi %add3A_129, %add3A_131 : vector<16xi32>
    %shift_right_arithmetic3A_133 = arith.constant 8 : i32
    %shift_right_arithmetic3A_134 = vector.broadcast %shift_right_arithmetic3A_133 : i32 to vector<16xi32>
    %shift_right_arithmetic3A_135 = arith.shrsi %get3A_108, %shift_right_arithmetic3A_134 : vector<16xi32>
    %and3A_136 = arith.constant 255 : i32
    %and3A_137 = vector.broadcast %and3A_136 : i32 to vector<16xi32>
    %and3A_138 = arith.andi %shift_right_arithmetic3A_135, %and3A_137 : vector<16xi32>
    tpu.vector_store_idx %arg7[%add3A_132], %and3A_138 : memref<512xi32, #tpu.memory_space<vmem>>[vector<16xi32>], vector<16xi32>,
    %mul3A_139 = arith.constant 4 : i32
    %mul3A_140 = vector.broadcast %mul3A_139 : i32 to vector<16xi32>
    %mul3A_141 = arith.muli %mul3A_140, %iota3A : vector<16xi32>
    %add3A_142 = arith.constant 64 : i32
    %add3A_143 = vector.broadcast %add3A_142 : i32 to vector<16xi32>
    %add3A_144 = arith.addi %add3A_143, %mul3A_141 : vector<16xi32>
    %add3A_145 = arith.constant 2 : i32
    %add3A_146 = vector.broadcast %add3A_145 : i32 to vector<16xi32>
    %add3A_147 = arith.addi %add3A_144, %add3A_146 : vector<16xi32>
    %shift_right_arithmetic3A_148 = arith.constant 16 : i32
    %shift_right_arithmetic3A_149 = vector.broadcast %shift_right_arithmetic3A_148 : i32 to vector<16xi32>
    %shift_right_arithmetic3A_150 = arith.shrsi %get3A_108, %shift_right_arithmetic3A_149 : vector<16xi32>
    %and3A_151 = arith.constant 255 : i32
    %and3A_152 = vector.broadcast %and3A_151 : i32 to vector<16xi32>
    %and3A_153 = arith.andi %shift_right_arithmetic3A_150, %and3A_152 : vector<16xi32>
    tpu.vector_store_idx %arg7[%add3A_147], %and3A_153 : memref<512xi32, #tpu.memory_space<vmem>>[vector<16xi32>], vector<16xi32>,
    %mul3A_154 = arith.constant 4 : i32
    %mul3A_155 = vector.broadcast %mul3A_154 : i32 to vector<16xi32>
    %mul3A_156 = arith.muli %mul3A_155, %iota3A : vector<16xi32>
    %add3A_157 = arith.constant 64 : i32
    %add3A_158 = vector.broadcast %add3A_157 : i32 to vector<16xi32>
    %add3A_159 = arith.addi %add3A_158, %mul3A_156 : vector<16xi32>
    %add3A_160 = arith.constant 3 : i32
    %add3A_161 = vector.broadcast %add3A_160 : i32 to vector<16xi32>
    %add3A_162 = arith.addi %add3A_159, %add3A_161 : vector<16xi32>
    %shift_right_arithmetic3A_163 = arith.constant 24 : i32
    %shift_right_arithmetic3A_164 = vector.broadcast %shift_right_arithmetic3A_163 : i32 to vector<16xi32>
    %shift_right_arithmetic3A_165 = arith.shrsi %get3A_108, %shift_right_arithmetic3A_164 : vector<16xi32>
    %and3A_166 = arith.constant 255 : i32
    %and3A_167 = vector.broadcast %and3A_166 : i32 to vector<16xi32>
    %and3A_168 = arith.andi %shift_right_arithmetic3A_165, %and3A_167 : vector<16xi32>
    tpu.vector_store_idx %arg7[%add3A_162], %and3A_168 : memref<512xi32, #tpu.memory_space<vmem>>[vector<16xi32>], vector<16xi32>,
    %jit3A_169 = arith.constant 4 : i32
    %div3A_170 = arith.divsi %mul3A_2, %jit3A_169 : i32
    %sign3A_171 = arith.constant 0 : i32
    %sign3A_172 = arith.cmpi sgt, %mul3A_2, %sign3A_171 : i32
    %sign3A_173 = arith.extui %sign3A_172 : i1 to i32
    %sign3A_174 = arith.constant 0 : i32
    %sign3A_175 = arith.cmpi slt, %mul3A_2, %sign3A_174 : i32
    %sign3A_176 = arith.extui %sign3A_175 : i1 to i32
    %sign3A_177 = arith.subi %sign3A_173, %sign3A_176 : i32
    %sign3A_178 = arith.constant 0 : i32
    %sign3A_179 = arith.cmpi sgt, %jit3A_169, %sign3A_178 : i32
    %sign3A_180 = arith.extui %sign3A_179 : i1 to i32
    %sign3A_181 = arith.constant 0 : i32
    %sign3A_182 = arith.cmpi slt, %jit3A_169, %sign3A_181 : i32
    %sign3A_183 = arith.extui %sign3A_182 : i1 to i32
    %sign3A_184 = arith.subi %sign3A_180, %sign3A_183 : i32
    %ne3A_185 = arith.cmpi ne, %sign3A_177, %sign3A_184 : i32
    %rem3A_186 = arith.remsi %mul3A_2, %jit3A_169 : i32
    %ne3A_187 = arith.constant 0 : i32
    %ne3A_188 = arith.cmpi ne, %rem3A_186, %ne3A_187 : i32
    %and3A_189 = arith.andi %ne3A_185, %ne3A_188 : i1
    %sub3A_190 = arith.constant 1 : i32
    %sub3A_191 = arith.subi %div3A_170, %sub3A_190 : i32
    %select_n3A_192 = arith.select %and3A_189, %sub3A_191, %div3A_170 : i32
    %add3A_193 = arith.constant 32 : i32
    %add3A_194 = arith.addi %select_n3A_192, %add3A_193 : i32
    %get3A_195 = arith.index_cast %add3A_194 : i32 to index
    %get3A_196 = tpu.vector_load %arg6[%get3A_195] {strides = array<i32>} : memref<4096xi32, #tpu.memory_space<vmem>>, vector<16xi32>,
    %mul3A_197 = arith.constant 4 : i32
    %mul3A_198 = vector.broadcast %mul3A_197 : i32 to vector<16xi32>
    %mul3A_199 = arith.muli %mul3A_198, %iota3A : vector<16xi32>
    %add3A_200 = arith.constant 128 : i32
    %add3A_201 = vector.broadcast %add3A_200 : i32 to vector<16xi32>
    %add3A_202 = arith.addi %add3A_201, %mul3A_199 : vector<16xi32>
    %add3A_203 = arith.constant 0 : i32
    %add3A_204 = vector.broadcast %add3A_203 : i32 to vector<16xi32>
    %add3A_205 = arith.addi %add3A_202, %add3A_204 : vector<16xi32>
    %shift_right_arithmetic3A_206 = arith.constant 0 : i32
    %shift_right_arithmetic3A_207 = vector.broadcast %shift_right_arithmetic3A_206 : i32 to vector<16xi32>
    %shift_right_arithmetic3A_208 = arith.shrsi %get3A_196, %shift_right_arithmetic3A_207 : vector<16xi32>
    %and3A_209 = arith.constant 255 : i32
    %and3A_210 = vector.broadcast %and3A_209 : i32 to vector<16xi32>
    %and3A_211 = arith.andi %shift_right_arithmetic3A_208, %and3A_210 : vector<16xi32>
    tpu.vector_store_idx %arg7[%add3A_205], %and3A_211 : memref<512xi32, #tpu.memory_space<vmem>>[vector<16xi32>], vector<16xi32>,
    %mul3A_212 = arith.constant 4 : i32
    %mul3A_213 = vector.broadcast %mul3A_212 : i32 to vector<16xi32>
    %mul3A_214 = arith.muli %mul3A_213, %iota3A : vector<16xi32>
    %add3A_215 = arith.constant 128 : i32
    %add3A_216 = vector.broadcast %add3A_215 : i32 to vector<16xi32>
    %add3A_217 = arith.addi %add3A_216, %mul3A_214 : vector<16xi32>
    %add3A_218 = arith.constant 1 : i32
    %add3A_219 = vector.broadcast %add3A_218 : i32 to vector<16xi32>
    %add3A_220 = arith.addi %add3A_217, %add3A_219 : vector<16xi32>
    %shift_right_arithmetic3A_221 = arith.constant 8 : i32
    %shift_right_arithmetic3A_222 = vector.broadcast %shift_right_arithmetic3A_221 : i32 to vector<16xi32>
    %shift_right_arithmetic3A_223 = arith.shrsi %get3A_196, %shift_right_arithmetic3A_222 : vector<16xi32>
    %and3A_224 = arith.constant 255 : i32
    %and3A_225 = vector.broadcast %and3A_224 : i32 to vector<16xi32>
    %and3A_226 = arith.andi %shift_right_arithmetic3A_223, %and3A_225 : vector<16xi32>
    tpu.vector_store_idx %arg7[%add3A_220], %and3A_226 : memref<512xi32, #tpu.memory_space<vmem>>[vector<16xi32>], vector<16xi32>,
    %mul3A_227 = arith.constant 4 : i32
    %mul3A_228 = vector.broadcast %mul3A_227 : i32 to vector<16xi32>
    %mul3A_229 = arith.muli %mul3A_228, %iota3A : vector<16xi32>
    %add3A_230 = arith.constant 128 : i32
    %add3A_231 = vector.broadcast %add3A_230 : i32 to vector<16xi32>
    %add3A_232 = arith.addi %add3A_231, %mul3A_229 : vector<16xi32>
    %add3A_233 = arith.constant 2 : i32
    %add3A_234 = vector.broadcast %add3A_233 : i32 to vector<16xi32>
    %add3A_235 = arith.addi %add3A_232, %add3A_234 : vector<16xi32>
    %shift_right_arithmetic3A_236 = arith.constant 16 : i32
    %shift_right_arithmetic3A_237 = vector.broadcast %shift_right_arithmetic3A_236 : i32 to vector<16xi32>
    %shift_right_arithmetic3A_238 = arith.shrsi %get3A_196, %shift_right_arithmetic3A_237 : vector<16xi32>
    %and3A_239 = arith.constant 255 : i32
    %and3A_240 = vector.broadcast %and3A_239 : i32 to vector<16xi32>
    %and3A_241 = arith.andi %shift_right_arithmetic3A_238, %and3A_240 : vector<16xi32>
    tpu.vector_store_idx %arg7[%add3A_235], %and3A_241 : memref<512xi32, #tpu.memory_space<vmem>>[vector<16xi32>], vector<16xi32>,
    %mul3A_242 = arith.constant 4 : i32
    %mul3A_243 = vector.broadcast %mul3A_242 : i32 to vector<16xi32>
    %mul3A_244 = arith.muli %mul3A_243, %iota3A : vector<16xi32>
    %add3A_245 = arith.constant 128 : i32
    %add3A_246 = vector.broadcast %add3A_245 : i32 to vector<16xi32>
    %add3A_247 = arith.addi %add3A_246, %mul3A_244 : vector<16xi32>
    %add3A_248 = arith.constant 3 : i32
    %add3A_249 = vector.broadcast %add3A_248 : i32 to vector<16xi32>
    %add3A_250 = arith.addi %add3A_247, %add3A_249 : vector<16xi32>
    %shift_right_arithmetic3A_251 = arith.constant 24 : i32
    %shift_right_arithmetic3A_252 = vector.broadcast %shift_right_arithmetic3A_251 : i32 to vector<16xi32>
    %shift_right_arithmetic3A_253 = arith.shrsi %get3A_196, %shift_right_arithmetic3A_252 : vector<16xi32>
    %and3A_254 = arith.constant 255 : i32
    %and3A_255 = vector.broadcast %and3A_254 : i32 to vector<16xi32>
    %and3A_256 = arith.andi %shift_right_arithmetic3A_253, %and3A_255 : vector<16xi32>
    tpu.vector_store_idx %arg7[%add3A_250], %and3A_256 : memref<512xi32, #tpu.memory_space<vmem>>[vector<16xi32>], vector<16xi32>,
    %jit3A_257 = arith.constant 4 : i32
    %div3A_258 = arith.divsi %mul3A_2, %jit3A_257 : i32
    %sign3A_259 = arith.constant 0 : i32
    %sign3A_260 = arith.cmpi sgt, %mul3A_2, %sign3A_259 : i32
    %sign3A_261 = arith.extui %sign3A_260 : i1 to i32
    %sign3A_262 = arith.constant 0 : i32
    %sign3A_263 = arith.cmpi slt, %mul3A_2, %sign3A_262 : i32
    %sign3A_264 = arith.extui %sign3A_263 : i1 to i32
    %sign3A_265 = arith.subi %sign3A_261, %sign3A_264 : i32
    %sign3A_266 = arith.constant 0 : i32
    %sign3A_267 = arith.cmpi sgt, %jit3A_257, %sign3A_266 : i32
    %sign3A_268 = arith.extui %sign3A_267 : i1 to i32
    %sign3A_269 = arith.constant 0 : i32
    %sign3A_270 = arith.cmpi slt, %jit3A_257, %sign3A_269 : i32
    %sign3A_271 = arith.extui %sign3A_270 : i1 to i32
    %sign3A_272 = arith.subi %sign3A_268, %sign3A_271 : i32
    %ne3A_273 = arith.cmpi ne, %sign3A_265, %sign3A_272 : i32
    %rem3A_274 = arith.remsi %mul3A_2, %jit3A_257 : i32
    %ne3A_275 = arith.constant 0 : i32
    %ne3A_276 = arith.cmpi ne, %rem3A_274, %ne3A_275 : i32
    %and3A_277 = arith.andi %ne3A_273, %ne3A_276 : i1
    %sub3A_278 = arith.constant 1 : i32
    %sub3A_279 = arith.subi %div3A_258, %sub3A_278 : i32
    %select_n3A_280 = arith.select %and3A_277, %sub3A_279, %div3A_258 : i32
    %add3A_281 = arith.constant 48 : i32
    %add3A_282 = arith.addi %select_n3A_280, %add3A_281 : i32
    %get3A_283 = arith.index_cast %add3A_282 : i32 to index
    %get3A_284 = tpu.vector_load %arg6[%get3A_283] {strides = array<i32>} : memref<4096xi32, #tpu.memory_space<vmem>>, vector<16xi32>,
    %mul3A_285 = arith.constant 4 : i32
    %mul3A_286 = vector.broadcast %mul3A_285 : i32 to vector<16xi32>
    %mul3A_287 = arith.muli %mul3A_286, %iota3A : vector<16xi32>
    %add3A_288 = arith.constant 192 : i32
    %add3A_289 = vector.broadcast %add3A_288 : i32 to vector<16xi32>
    %add3A_290 = arith.addi %add3A_289, %mul3A_287 : vector<16xi32>
    %add3A_291 = arith.constant 0 : i32
    %add3A_292 = vector.broadcast %add3A_291 : i32 to vector<16xi32>
    %add3A_293 = arith.addi %add3A_290, %add3A_292 : vector<16xi32>
    %shift_right_arithmetic3A_294 = arith.constant 0 : i32
    %shift_right_arithmetic3A_295 = vector.broadcast %shift_right_arithmetic3A_294 : i32 to vector<16xi32>
    %shift_right_arithmetic3A_296 = arith.shrsi %get3A_284, %shift_right_arithmetic3A_295 : vector<16xi32>
    %and3A_297 = arith.constant 255 : i32
    %and3A_298 = vector.broadcast %and3A_297 : i32 to vector<16xi32>
    %and3A_299 = arith.andi %shift_right_arithmetic3A_296, %and3A_298 : vector<16xi32>
    tpu.vector_store_idx %arg7[%add3A_293], %and3A_299 : memref<512xi32, #tpu.memory_space<vmem>>[vector<16xi32>], vector<16xi32>,
    %mul3A_300 = arith.constant 4 : i32
    %mul3A_301 = vector.broadcast %mul3A_300 : i32 to vector<16xi32>
    %mul3A_302 = arith.muli %mul3A_301, %iota3A : vector<16xi32>
    %add3A_303 = arith.constant 192 : i32
    %add3A_304 = vector.broadcast %add3A_303 : i32 to vector<16xi32>
    %add3A_305 = arith.addi %add3A_304, %mul3A_302 : vector<16xi32>
    %add3A_306 = arith.constant 1 : i32
    %add3A_307 = vector.broadcast %add3A_306 : i32 to vector<16xi32>
    %add3A_308 = arith.addi %add3A_305, %add3A_307 : vector<16xi32>
    %shift_right_arithmetic3A_309 = arith.constant 8 : i32
    %shift_right_arithmetic3A_310 = vector.broadcast %shift_right_arithmetic3A_309 : i32 to vector<16xi32>
    %shift_right_arithmetic3A_311 = arith.shrsi %get3A_284, %shift_right_arithmetic3A_310 : vector<16xi32>
    %and3A_312 = arith.constant 255 : i32
    %and3A_313 = vector.broadcast %and3A_312 : i32 to vector<16xi32>
    %and3A_314 = arith.andi %shift_right_arithmetic3A_311, %and3A_313 : vector<16xi32>
    tpu.vector_store_idx %arg7[%add3A_308], %and3A_314 : memref<512xi32, #tpu.memory_space<vmem>>[vector<16xi32>], vector<16xi32>,
    %mul3A_315 = arith.constant 4 : i32
    %mul3A_316 = vector.broadcast %mul3A_315 : i32 to vector<16xi32>
    %mul3A_317 = arith.muli %mul3A_316, %iota3A : vector<16xi32>
    %add3A_318 = arith.constant 192 : i32
    %add3A_319 = vector.broadcast %add3A_318 : i32 to vector<16xi32>
    %add3A_320 = arith.addi %add3A_319, %mul3A_317 : vector<16xi32>
    %add3A_321 = arith.constant 2 : i32
    %add3A_322 = vector.broadcast %add3A_321 : i32 to vector<16xi32>
    %add3A_323 = arith.addi %add3A_320, %add3A_322 : vector<16xi32>
    %shift_right_arithmetic3A_324 = arith.constant 16 : i32
    %shift_right_arithmetic3A_325 = vector.broadcast %shift_right_arithmetic3A_324 : i32 to vector<16xi32>
    %shift_right_arithmetic3A_326 = arith.shrsi %get3A_284, %shift_right_arithmetic3A_325 : vector<16xi32>
    %and3A_327 = arith.constant 255 : i32
    %and3A_328 = vector.broadcast %and3A_327 : i32 to vector<16xi32>
    %and3A_329 = arith.andi %shift_right_arithmetic3A_326, %and3A_328 : vector<16xi32>
    tpu.vector_store_idx %arg7[%add3A_323], %and3A_329 : memref<512xi32, #tpu.memory_space<vmem>>[vector<16xi32>], vector<16xi32>,
    %mul3A_330 = arith.constant 4 : i32
    %mul3A_331 = vector.broadcast %mul3A_330 : i32 to vector<16xi32>
    %mul3A_332 = arith.muli %mul3A_331, %iota3A : vector<16xi32>
    %add3A_333 = arith.constant 192 : i32
    %add3A_334 = vector.broadcast %add3A_333 : i32 to vector<16xi32>
    %add3A_335 = arith.addi %add3A_334, %mul3A_332 : vector<16xi32>
    %add3A_336 = arith.constant 3 : i32
    %add3A_337 = vector.broadcast %add3A_336 : i32 to vector<16xi32>
    %add3A_338 = arith.addi %add3A_335, %add3A_337 : vector<16xi32>
    %shift_right_arithmetic3A_339 = arith.constant 24 : i32
    %shift_right_arithmetic3A_340 = vector.broadcast %shift_right_arithmetic3A_339 : i32 to vector<16xi32>
    %shift_right_arithmetic3A_341 = arith.shrsi %get3A_284, %shift_right_arithmetic3A_340 : vector<16xi32>
    %and3A_342 = arith.constant 255 : i32
    %and3A_343 = vector.broadcast %and3A_342 : i32 to vector<16xi32>
    %and3A_344 = arith.andi %shift_right_arithmetic3A_341, %and3A_343 : vector<16xi32>
    tpu.vector_store_idx %arg7[%add3A_338], %and3A_344 : memref<512xi32, #tpu.memory_space<vmem>>[vector<16xi32>], vector<16xi32>,
    %jit3A_345 = arith.constant 4 : i32
    %div3A_346 = arith.divsi %mul3A_2, %jit3A_345 : i32
    %sign3A_347 = arith.constant 0 : i32
    %sign3A_348 = arith.cmpi sgt, %mul3A_2, %sign3A_347 : i32
    %sign3A_349 = arith.extui %sign3A_348 : i1 to i32
    %sign3A_350 = arith.constant 0 : i32
    %sign3A_351 = arith.cmpi slt, %mul3A_2, %sign3A_350 : i32
    %sign3A_352 = arith.extui %sign3A_351 : i1 to i32
    %sign3A_353 = arith.subi %sign3A_349, %sign3A_352 : i32
    %sign3A_354 = arith.constant 0 : i32
    %sign3A_355 = arith.cmpi sgt, %jit3A_345, %sign3A_354 : i32
    %sign3A_356 = arith.extui %sign3A_355 : i1 to i32
    %sign3A_357 = arith.constant 0 : i32
    %sign3A_358 = arith.cmpi slt, %jit3A_345, %sign3A_357 : i32
    %sign3A_359 = arith.extui %sign3A_358 : i1 to i32
    %sign3A_360 = arith.subi %sign3A_356, %sign3A_359 : i32
    %ne3A_361 = arith.cmpi ne, %sign3A_353, %sign3A_360 : i32
    %rem3A_362 = arith.remsi %mul3A_2, %jit3A_345 : i32
    %ne3A_363 = arith.constant 0 : i32
    %ne3A_364 = arith.cmpi ne, %rem3A_362, %ne3A_363 : i32
    %and3A_365 = arith.andi %ne3A_361, %ne3A_364 : i1
    %sub3A_366 = arith.constant 1 : i32
    %sub3A_367 = arith.subi %div3A_346, %sub3A_366 : i32
    %select_n3A_368 = arith.select %and3A_365, %sub3A_367, %div3A_346 : i32
    %add3A_369 = arith.constant 64 : i32
    %add3A_370 = arith.addi %select_n3A_368, %add3A_369 : i32
    %get3A_371 = arith.index_cast %add3A_370 : i32 to index
    %get3A_372 = tpu.vector_load %arg6[%get3A_371] {strides = array<i32>} : memref<4096xi32, #tpu.memory_space<vmem>>, vector<16xi32>,
    %mul3A_373 = arith.constant 4 : i32
    %mul3A_374 = vector.broadcast %mul3A_373 : i32 to vector<16xi32>
    %mul3A_375 = arith.muli %mul3A_374, %iota3A : vector<16xi32>
    %add3A_376 = arith.constant 256 : i32
    %add3A_377 = vector.broadcast %add3A_376 : i32 to vector<16xi32>
    %add3A_378 = arith.addi %add3A_377, %mul3A_375 : vector<16xi32>
    %add3A_379 = arith.constant 0 : i32
    %add3A_380 = vector.broadcast %add3A_379 : i32 to vector<16xi32>
    %add3A_381 = arith.addi %add3A_378, %add3A_380 : vector<16xi32>
    %shift_right_arithmetic3A_382 = arith.constant 0 : i32
    %shift_right_arithmetic3A_383 = vector.broadcast %shift_right_arithmetic3A_382 : i32 to vector<16xi32>
    %shift_right_arithmetic3A_384 = arith.shrsi %get3A_372, %shift_right_arithmetic3A_383 : vector<16xi32>
    %and3A_385 = arith.constant 255 : i32
    %and3A_386 = vector.broadcast %and3A_385 : i32 to vector<16xi32>
    %and3A_387 = arith.andi %shift_right_arithmetic3A_384, %and3A_386 : vector<16xi32>
    tpu.vector_store_idx %arg7[%add3A_381], %and3A_387 : memref<512xi32, #tpu.memory_space<vmem>>[vector<16xi32>], vector<16xi32>,
    %mul3A_388 = arith.constant 4 : i32
    %mul3A_389 = vector.broadcast %mul3A_388 : i32 to vector<16xi32>
    %mul3A_390 = arith.muli %mul3A_389, %iota3A : vector<16xi32>
    %add3A_391 = arith.constant 256 : i32
    %add3A_392 = vector.broadcast %add3A_391 : i32 to vector<16xi32>
    %add3A_393 = arith.addi %add3A_392, %mul3A_390 : vector<16xi32>
    %add3A_394 = arith.constant 1 : i32
    %add3A_395 = vector.broadcast %add3A_394 : i32 to vector<16xi32>
    %add3A_396 = arith.addi %add3A_393, %add3A_395 : vector<16xi32>
    %shift_right_arithmetic3A_397 = arith.constant 8 : i32
    %shift_right_arithmetic3A_398 = vector.broadcast %shift_right_arithmetic3A_397 : i32 to vector<16xi32>
    %shift_right_arithmetic3A_399 = arith.shrsi %get3A_372, %shift_right_arithmetic3A_398 : vector<16xi32>
    %and3A_400 = arith.constant 255 : i32
    %and3A_401 = vector.broadcast %and3A_400 : i32 to vector<16xi32>
    %and3A_402 = arith.andi %shift_right_arithmetic3A_399, %and3A_401 : vector<16xi32>
    tpu.vector_store_idx %arg7[%add3A_396], %and3A_402 : memref<512xi32, #tpu.memory_space<vmem>>[vector<16xi32>], vector<16xi32>,
    %mul3A_403 = arith.constant 4 : i32
    %mul3A_404 = vector.broadcast %mul3A_403 : i32 to vector<16xi32>
    %mul3A_405 = arith.muli %mul3A_404, %iota3A : vector<16xi32>
    %add3A_406 = arith.constant 256 : i32
    %add3A_407 = vector.broadcast %add3A_406 : i32 to vector<16xi32>
    %add3A_408 = arith.addi %add3A_407, %mul3A_405 : vector<16xi32>
    %add3A_409 = arith.constant 2 : i32
    %add3A_410 = vector.broadcast %add3A_409 : i32 to vector<16xi32>
    %add3A_411 = arith.addi %add3A_408, %add3A_410 : vector<16xi32>
    %shift_right_arithmetic3A_412 = arith.constant 16 : i32
    %shift_right_arithmetic3A_413 = vector.broadcast %shift_right_arithmetic3A_412 : i32 to vector<16xi32>
    %shift_right_arithmetic3A_414 = arith.shrsi %get3A_372, %shift_right_arithmetic3A_413 : vector<16xi32>
    %and3A_415 = arith.constant 255 : i32
    %and3A_416 = vector.broadcast %and3A_415 : i32 to vector<16xi32>
    %and3A_417 = arith.andi %shift_right_arithmetic3A_414, %and3A_416 : vector<16xi32>
    tpu.vector_store_idx %arg7[%add3A_411], %and3A_417 : memref<512xi32, #tpu.memory_space<vmem>>[vector<16xi32>], vector<16xi32>,
    %mul3A_418 = arith.constant 4 : i32
    %mul3A_419 = vector.broadcast %mul3A_418 : i32 to vector<16xi32>
    %mul3A_420 = arith.muli %mul3A_419, %iota3A : vector<16xi32>
    %add3A_421 = arith.constant 256 : i32
    %add3A_422 = vector.broadcast %add3A_421 : i32 to vector<16xi32>
    %add3A_423 = arith.addi %add3A_422, %mul3A_420 : vector<16xi32>
    %add3A_424 = arith.constant 3 : i32
    %add3A_425 = vector.broadcast %add3A_424 : i32 to vector<16xi32>
    %add3A_426 = arith.addi %add3A_423, %add3A_425 : vector<16xi32>
    %shift_right_arithmetic3A_427 = arith.constant 24 : i32
    %shift_right_arithmetic3A_428 = vector.broadcast %shift_right_arithmetic3A_427 : i32 to vector<16xi32>
    %shift_right_arithmetic3A_429 = arith.shrsi %get3A_372, %shift_right_arithmetic3A_428 : vector<16xi32>
    %and3A_430 = arith.constant 255 : i32
    %and3A_431 = vector.broadcast %and3A_430 : i32 to vector<16xi32>
    %and3A_432 = arith.andi %shift_right_arithmetic3A_429, %and3A_431 : vector<16xi32>
    tpu.vector_store_idx %arg7[%add3A_426], %and3A_432 : memref<512xi32, #tpu.memory_space<vmem>>[vector<16xi32>], vector<16xi32>,
    %jit3A_433 = arith.constant 4 : i32
    %div3A_434 = arith.divsi %mul3A_2, %jit3A_433 : i32
    %sign3A_435 = arith.constant 0 : i32
    %sign3A_436 = arith.cmpi sgt, %mul3A_2, %sign3A_435 : i32
    %sign3A_437 = arith.extui %sign3A_436 : i1 to i32
    %sign3A_438 = arith.constant 0 : i32
    %sign3A_439 = arith.cmpi slt, %mul3A_2, %sign3A_438 : i32
    %sign3A_440 = arith.extui %sign3A_439 : i1 to i32
    %sign3A_441 = arith.subi %sign3A_437, %sign3A_440 : i32
    %sign3A_442 = arith.constant 0 : i32
    %sign3A_443 = arith.cmpi sgt, %jit3A_433, %sign3A_442 : i32
    %sign3A_444 = arith.extui %sign3A_443 : i1 to i32
    %sign3A_445 = arith.constant 0 : i32
    %sign3A_446 = arith.cmpi slt, %jit3A_433, %sign3A_445 : i32
    %sign3A_447 = arith.extui %sign3A_446 : i1 to i32
    %sign3A_448 = arith.subi %sign3A_444, %sign3A_447 : i32
    %ne3A_449 = arith.cmpi ne, %sign3A_441, %sign3A_448 : i32
    %rem3A_450 = arith.remsi %mul3A_2, %jit3A_433 : i32
    %ne3A_451 = arith.constant 0 : i32
    %ne3A_452 = arith.cmpi ne, %rem3A_450, %ne3A_451 : i32
    %and3A_453 = arith.andi %ne3A_449, %ne3A_452 : i1
    %sub3A_454 = arith.constant 1 : i32
    %sub3A_455 = arith.subi %div3A_434, %sub3A_454 : i32
    %select_n3A_456 = arith.select %and3A_453, %sub3A_455, %div3A_434 : i32
    %add3A_457 = arith.constant 80 : i32
    %add3A_458 = arith.addi %select_n3A_456, %add3A_457 : i32
    %get3A_459 = arith.index_cast %add3A_458 : i32 to index
    %get3A_460 = tpu.vector_load %arg6[%get3A_459] {strides = array<i32>} : memref<4096xi32, #tpu.memory_space<vmem>>, vector<16xi32>,
    %mul3A_461 = arith.constant 4 : i32
    %mul3A_462 = vector.broadcast %mul3A_461 : i32 to vector<16xi32>
    %mul3A_463 = arith.muli %mul3A_462, %iota3A : vector<16xi32>
    %add3A_464 = arith.constant 320 : i32
    %add3A_465 = vector.broadcast %add3A_464 : i32 to vector<16xi32>
    %add3A_466 = arith.addi %add3A_465, %mul3A_463 : vector<16xi32>
    %add3A_467 = arith.constant 0 : i32
    %add3A_468 = vector.broadcast %add3A_467 : i32 to vector<16xi32>
    %add3A_469 = arith.addi %add3A_466, %add3A_468 : vector<16xi32>
    %shift_right_arithmetic3A_470 = arith.constant 0 : i32
    %shift_right_arithmetic3A_471 = vector.broadcast %shift_right_arithmetic3A_470 : i32 to vector<16xi32>
    %shift_right_arithmetic3A_472 = arith.shrsi %get3A_460, %shift_right_arithmetic3A_471 : vector<16xi32>
    %and3A_473 = arith.constant 255 : i32
    %and3A_474 = vector.broadcast %and3A_473 : i32 to vector<16xi32>
    %and3A_475 = arith.andi %shift_right_arithmetic3A_472, %and3A_474 : vector<16xi32>
    tpu.vector_store_idx %arg7[%add3A_469], %and3A_475 : memref<512xi32, #tpu.memory_space<vmem>>[vector<16xi32>], vector<16xi32>,
    %mul3A_476 = arith.constant 4 : i32
    %mul3A_477 = vector.broadcast %mul3A_476 : i32 to vector<16xi32>
    %mul3A_478 = arith.muli %mul3A_477, %iota3A : vector<16xi32>
    %add3A_479 = arith.constant 320 : i32
    %add3A_480 = vector.broadcast %add3A_479 : i32 to vector<16xi32>
    %add3A_481 = arith.addi %add3A_480, %mul3A_478 : vector<16xi32>
    %add3A_482 = arith.constant 1 : i32
    %add3A_483 = vector.broadcast %add3A_482 : i32 to vector<16xi32>
    %add3A_484 = arith.addi %add3A_481, %add3A_483 : vector<16xi32>
    %shift_right_arithmetic3A_485 = arith.constant 8 : i32
    %shift_right_arithmetic3A_486 = vector.broadcast %shift_right_arithmetic3A_485 : i32 to vector<16xi32>
    %shift_right_arithmetic3A_487 = arith.shrsi %get3A_460, %shift_right_arithmetic3A_486 : vector<16xi32>
    %and3A_488 = arith.constant 255 : i32
    %and3A_489 = vector.broadcast %and3A_488 : i32 to vector<16xi32>
    %and3A_490 = arith.andi %shift_right_arithmetic3A_487, %and3A_489 : vector<16xi32>
    tpu.vector_store_idx %arg7[%add3A_484], %and3A_490 : memref<512xi32, #tpu.memory_space<vmem>>[vector<16xi32>], vector<16xi32>,
    %mul3A_491 = arith.constant 4 : i32
    %mul3A_492 = vector.broadcast %mul3A_491 : i32 to vector<16xi32>
    %mul3A_493 = arith.muli %mul3A_492, %iota3A : vector<16xi32>
    %add3A_494 = arith.constant 320 : i32
    %add3A_495 = vector.broadcast %add3A_494 : i32 to vector<16xi32>
    %add3A_496 = arith.addi %add3A_495, %mul3A_493 : vector<16xi32>
    %add3A_497 = arith.constant 2 : i32
    %add3A_498 = vector.broadcast %add3A_497 : i32 to vector<16xi32>
    %add3A_499 = arith.addi %add3A_496, %add3A_498 : vector<16xi32>
    %shift_right_arithmetic3A_500 = arith.constant 16 : i32
    %shift_right_arithmetic3A_501 = vector.broadcast %shift_right_arithmetic3A_500 : i32 to vector<16xi32>
    %shift_right_arithmetic3A_502 = arith.shrsi %get3A_460, %shift_right_arithmetic3A_501 : vector<16xi32>
    %and3A_503 = arith.constant 255 : i32
    %and3A_504 = vector.broadcast %and3A_503 : i32 to vector<16xi32>
    %and3A_505 = arith.andi %shift_right_arithmetic3A_502, %and3A_504 : vector<16xi32>
    tpu.vector_store_idx %arg7[%add3A_499], %and3A_505 : memref<512xi32, #tpu.memory_space<vmem>>[vector<16xi32>], vector<16xi32>,
    %mul3A_506 = arith.constant 4 : i32
    %mul3A_507 = vector.broadcast %mul3A_506 : i32 to vector<16xi32>
    %mul3A_508 = arith.muli %mul3A_507, %iota3A : vector<16xi32>
    %add3A_509 = arith.constant 320 : i32
    %add3A_510 = vector.broadcast %add3A_509 : i32 to vector<16xi32>
    %add3A_511 = arith.addi %add3A_510, %mul3A_508 : vector<16xi32>
    %add3A_512 = arith.constant 3 : i32
    %add3A_513 = vector.broadcast %add3A_512 : i32 to vector<16xi32>
    %add3A_514 = arith.addi %add3A_511, %add3A_513 : vector<16xi32>
    %shift_right_arithmetic3A_515 = arith.constant 24 : i32
    %shift_right_arithmetic3A_516 = vector.broadcast %shift_right_arithmetic3A_515 : i32 to vector<16xi32>
    %shift_right_arithmetic3A_517 = arith.shrsi %get3A_460, %shift_right_arithmetic3A_516 : vector<16xi32>
    %and3A_518 = arith.constant 255 : i32
    %and3A_519 = vector.broadcast %and3A_518 : i32 to vector<16xi32>
    %and3A_520 = arith.andi %shift_right_arithmetic3A_517, %and3A_519 : vector<16xi32>
    tpu.vector_store_idx %arg7[%add3A_514], %and3A_520 : memref<512xi32, #tpu.memory_space<vmem>>[vector<16xi32>], vector<16xi32>,
    %jit3A_521 = arith.constant 4 : i32
    %div3A_522 = arith.divsi %mul3A_2, %jit3A_521 : i32
    %sign3A_523 = arith.constant 0 : i32
    %sign3A_524 = arith.cmpi sgt, %mul3A_2, %sign3A_523 : i32
    %sign3A_525 = arith.extui %sign3A_524 : i1 to i32
    %sign3A_526 = arith.constant 0 : i32
    %sign3A_527 = arith.cmpi slt, %mul3A_2, %sign3A_526 : i32
    %sign3A_528 = arith.extui %sign3A_527 : i1 to i32
    %sign3A_529 = arith.subi %sign3A_525, %sign3A_528 : i32
    %sign3A_530 = arith.constant 0 : i32
    %sign3A_531 = arith.cmpi sgt, %jit3A_521, %sign3A_530 : i32
    %sign3A_532 = arith.extui %sign3A_531 : i1 to i32
    %sign3A_533 = arith.constant 0 : i32
    %sign3A_534 = arith.cmpi slt, %jit3A_521, %sign3A_533 : i32
    %sign3A_535 = arith.extui %sign3A_534 : i1 to i32
    %sign3A_536 = arith.subi %sign3A_532, %sign3A_535 : i32
    %ne3A_537 = arith.cmpi ne, %sign3A_529, %sign3A_536 : i32
    %rem3A_538 = arith.remsi %mul3A_2, %jit3A_521 : i32
    %ne3A_539 = arith.constant 0 : i32
    %ne3A_540 = arith.cmpi ne, %rem3A_538, %ne3A_539 : i32
    %and3A_541 = arith.andi %ne3A_537, %ne3A_540 : i1
    %sub3A_542 = arith.constant 1 : i32
    %sub3A_543 = arith.subi %div3A_522, %sub3A_542 : i32
    %select_n3A_544 = arith.select %and3A_541, %sub3A_543, %div3A_522 : i32
    %add3A_545 = arith.constant 96 : i32
    %add3A_546 = arith.addi %select_n3A_544, %add3A_545 : i32
    %get3A_547 = arith.index_cast %add3A_546 : i32 to index
    %get3A_548 = tpu.vector_load %arg6[%get3A_547] {strides = array<i32>} : memref<4096xi32, #tpu.memory_space<vmem>>, vector<16xi32>,
    %mul3A_549 = arith.constant 4 : i32
    %mul3A_550 = vector.broadcast %mul3A_549 : i32 to vector<16xi32>
    %mul3A_551 = arith.muli %mul3A_550, %iota3A : vector<16xi32>
    %add3A_552 = arith.constant 384 : i32
    %add3A_553 = vector.broadcast %add3A_552 : i32 to vector<16xi32>
    %add3A_554 = arith.addi %add3A_553, %mul3A_551 : vector<16xi32>
    %add3A_555 = arith.constant 0 : i32
    %add3A_556 = vector.broadcast %add3A_555 : i32 to vector<16xi32>
    %add3A_557 = arith.addi %add3A_554, %add3A_556 : vector<16xi32>
    %shift_right_arithmetic3A_558 = arith.constant 0 : i32
    %shift_right_arithmetic3A_559 = vector.broadcast %shift_right_arithmetic3A_558 : i32 to vector<16xi32>
    %shift_right_arithmetic3A_560 = arith.shrsi %get3A_548, %shift_right_arithmetic3A_559 : vector<16xi32>
    %and3A_561 = arith.constant 255 : i32
    %and3A_562 = vector.broadcast %and3A_561 : i32 to vector<16xi32>
    %and3A_563 = arith.andi %shift_right_arithmetic3A_560, %and3A_562 : vector<16xi32>
    tpu.vector_store_idx %arg7[%add3A_557], %and3A_563 : memref<512xi32, #tpu.memory_space<vmem>>[vector<16xi32>], vector<16xi32>,
    %mul3A_564 = arith.constant 4 : i32
    %mul3A_565 = vector.broadcast %mul3A_564 : i32 to vector<16xi32>
    %mul3A_566 = arith.muli %mul3A_565, %iota3A : vector<16xi32>
    %add3A_567 = arith.constant 384 : i32
    %add3A_568 = vector.broadcast %add3A_567 : i32 to vector<16xi32>
    %add3A_569 = arith.addi %add3A_568, %mul3A_566 : vector<16xi32>
    %add3A_570 = arith.constant 1 : i32
    %add3A_571 = vector.broadcast %add3A_570 : i32 to vector<16xi32>
    %add3A_572 = arith.addi %add3A_569, %add3A_571 : vector<16xi32>
    %shift_right_arithmetic3A_573 = arith.constant 8 : i32
    %shift_right_arithmetic3A_574 = vector.broadcast %shift_right_arithmetic3A_573 : i32 to vector<16xi32>
    %shift_right_arithmetic3A_575 = arith.shrsi %get3A_548, %shift_right_arithmetic3A_574 : vector<16xi32>
    %and3A_576 = arith.constant 255 : i32
    %and3A_577 = vector.broadcast %and3A_576 : i32 to vector<16xi32>
    %and3A_578 = arith.andi %shift_right_arithmetic3A_575, %and3A_577 : vector<16xi32>
    tpu.vector_store_idx %arg7[%add3A_572], %and3A_578 : memref<512xi32, #tpu.memory_space<vmem>>[vector<16xi32>], vector<16xi32>,
    %mul3A_579 = arith.constant 4 : i32
    %mul3A_580 = vector.broadcast %mul3A_579 : i32 to vector<16xi32>
    %mul3A_581 = arith.muli %mul3A_580, %iota3A : vector<16xi32>
    %add3A_582 = arith.constant 384 : i32
    %add3A_583 = vector.broadcast %add3A_582 : i32 to vector<16xi32>
    %add3A_584 = arith.addi %add3A_583, %mul3A_581 : vector<16xi32>
    %add3A_585 = arith.constant 2 : i32
    %add3A_586 = vector.broadcast %add3A_585 : i32 to vector<16xi32>
    %add3A_587 = arith.addi %add3A_584, %add3A_586 : vector<16xi32>
    %shift_right_arithmetic3A_588 = arith.constant 16 : i32
    %shift_right_arithmetic3A_589 = vector.broadcast %shift_right_arithmetic3A_588 : i32 to vector<16xi32>
    %shift_right_arithmetic3A_590 = arith.shrsi %get3A_548, %shift_right_arithmetic3A_589 : vector<16xi32>
    %and3A_591 = arith.constant 255 : i32
    %and3A_592 = vector.broadcast %and3A_591 : i32 to vector<16xi32>
    %and3A_593 = arith.andi %shift_right_arithmetic3A_590, %and3A_592 : vector<16xi32>
    tpu.vector_store_idx %arg7[%add3A_587], %and3A_593 : memref<512xi32, #tpu.memory_space<vmem>>[vector<16xi32>], vector<16xi32>,
    %mul3A_594 = arith.constant 4 : i32
    %mul3A_595 = vector.broadcast %mul3A_594 : i32 to vector<16xi32>
    %mul3A_596 = arith.muli %mul3A_595, %iota3A : vector<16xi32>
    %add3A_597 = arith.constant 384 : i32
    %add3A_598 = vector.broadcast %add3A_597 : i32 to vector<16xi32>
    %add3A_599 = arith.addi %add3A_598, %mul3A_596 : vector<16xi32>
    %add3A_600 = arith.constant 3 : i32
    %add3A_601 = vector.broadcast %add3A_600 : i32 to vector<16xi32>
    %add3A_602 = arith.addi %add3A_599, %add3A_601 : vector<16xi32>
    %shift_right_arithmetic3A_603 = arith.constant 24 : i32
    %shift_right_arithmetic3A_604 = vector.broadcast %shift_right_arithmetic3A_603 : i32 to vector<16xi32>
    %shift_right_arithmetic3A_605 = arith.shrsi %get3A_548, %shift_right_arithmetic3A_604 : vector<16xi32>
    %and3A_606 = arith.constant 255 : i32
    %and3A_607 = vector.broadcast %and3A_606 : i32 to vector<16xi32>
    %and3A_608 = arith.andi %shift_right_arithmetic3A_605, %and3A_607 : vector<16xi32>
    tpu.vector_store_idx %arg7[%add3A_602], %and3A_608 : memref<512xi32, #tpu.memory_space<vmem>>[vector<16xi32>], vector<16xi32>,
    %jit3A_609 = arith.constant 4 : i32
    %div3A_610 = arith.divsi %mul3A_2, %jit3A_609 : i32
    %sign3A_611 = arith.constant 0 : i32
    %sign3A_612 = arith.cmpi sgt, %mul3A_2, %sign3A_611 : i32
    %sign3A_613 = arith.extui %sign3A_612 : i1 to i32
    %sign3A_614 = arith.constant 0 : i32
    %sign3A_615 = arith.cmpi slt, %mul3A_2, %sign3A_614 : i32
    %sign3A_616 = arith.extui %sign3A_615 : i1 to i32
    %sign3A_617 = arith.subi %sign3A_613, %sign3A_616 : i32
    %sign3A_618 = arith.constant 0 : i32
    %sign3A_619 = arith.cmpi sgt, %jit3A_609, %sign3A_618 : i32
    %sign3A_620 = arith.extui %sign3A_619 : i1 to i32
    %sign3A_621 = arith.constant 0 : i32
    %sign3A_622 = arith.cmpi slt, %jit3A_609, %sign3A_621 : i32
    %sign3A_623 = arith.extui %sign3A_622 : i1 to i32
    %sign3A_624 = arith.subi %sign3A_620, %sign3A_623 : i32
    %ne3A_625 = arith.cmpi ne, %sign3A_617, %sign3A_624 : i32
    %rem3A_626 = arith.remsi %mul3A_2, %jit3A_609 : i32
    %ne3A_627 = arith.constant 0 : i32
    %ne3A_628 = arith.cmpi ne, %rem3A_626, %ne3A_627 : i32
    %and3A_629 = arith.andi %ne3A_625, %ne3A_628 : i1
    %sub3A_630 = arith.constant 1 : i32
    %sub3A_631 = arith.subi %div3A_610, %sub3A_630 : i32
    %select_n3A_632 = arith.select %and3A_629, %sub3A_631, %div3A_610 : i32
    %add3A_633 = arith.constant 112 : i32
    %add3A_634 = arith.addi %select_n3A_632, %add3A_633 : i32
    %get3A_635 = arith.index_cast %add3A_634 : i32 to index
    %get3A_636 = tpu.vector_load %arg6[%get3A_635] {strides = array<i32>} : memref<4096xi32, #tpu.memory_space<vmem>>, vector<16xi32>,
    %mul3A_637 = arith.constant 4 : i32
    %mul3A_638 = vector.broadcast %mul3A_637 : i32 to vector<16xi32>
    %mul3A_639 = arith.muli %mul3A_638, %iota3A : vector<16xi32>
    %add3A_640 = arith.constant 448 : i32
    %add3A_641 = vector.broadcast %add3A_640 : i32 to vector<16xi32>
    %add3A_642 = arith.addi %add3A_641, %mul3A_639 : vector<16xi32>
    %add3A_643 = arith.constant 0 : i32
    %add3A_644 = vector.broadcast %add3A_643 : i32 to vector<16xi32>
    %add3A_645 = arith.addi %add3A_642, %add3A_644 : vector<16xi32>
    %shift_right_arithmetic3A_646 = arith.constant 0 : i32
    %shift_right_arithmetic3A_647 = vector.broadcast %shift_right_arithmetic3A_646 : i32 to vector<16xi32>
    %shift_right_arithmetic3A_648 = arith.shrsi %get3A_636, %shift_right_arithmetic3A_647 : vector<16xi32>
    %and3A_649 = arith.constant 255 : i32
    %and3A_650 = vector.broadcast %and3A_649 : i32 to vector<16xi32>
    %and3A_651 = arith.andi %shift_right_arithmetic3A_648, %and3A_650 : vector<16xi32>
    tpu.vector_store_idx %arg7[%add3A_645], %and3A_651 : memref<512xi32, #tpu.memory_space<vmem>>[vector<16xi32>], vector<16xi32>,
    %mul3A_652 = arith.constant 4 : i32
    %mul3A_653 = vector.broadcast %mul3A_652 : i32 to vector<16xi32>
    %mul3A_654 = arith.muli %mul3A_653, %iota3A : vector<16xi32>
    %add3A_655 = arith.constant 448 : i32
    %add3A_656 = vector.broadcast %add3A_655 : i32 to vector<16xi32>
    %add3A_657 = arith.addi %add3A_656, %mul3A_654 : vector<16xi32>
    %add3A_658 = arith.constant 1 : i32
    %add3A_659 = vector.broadcast %add3A_658 : i32 to vector<16xi32>
    %add3A_660 = arith.addi %add3A_657, %add3A_659 : vector<16xi32>
    %shift_right_arithmetic3A_661 = arith.constant 8 : i32
    %shift_right_arithmetic3A_662 = vector.broadcast %shift_right_arithmetic3A_661 : i32 to vector<16xi32>
    %shift_right_arithmetic3A_663 = arith.shrsi %get3A_636, %shift_right_arithmetic3A_662 : vector<16xi32>
    %and3A_664 = arith.constant 255 : i32
    %and3A_665 = vector.broadcast %and3A_664 : i32 to vector<16xi32>
    %and3A_666 = arith.andi %shift_right_arithmetic3A_663, %and3A_665 : vector<16xi32>
    tpu.vector_store_idx %arg7[%add3A_660], %and3A_666 : memref<512xi32, #tpu.memory_space<vmem>>[vector<16xi32>], vector<16xi32>,
    %mul3A_667 = arith.constant 4 : i32
    %mul3A_668 = vector.broadcast %mul3A_667 : i32 to vector<16xi32>
    %mul3A_669 = arith.muli %mul3A_668, %iota3A : vector<16xi32>
    %add3A_670 = arith.constant 448 : i32
    %add3A_671 = vector.broadcast %add3A_670 : i32 to vector<16xi32>
    %add3A_672 = arith.addi %add3A_671, %mul3A_669 : vector<16xi32>
    %add3A_673 = arith.constant 2 : i32
    %add3A_674 = vector.broadcast %add3A_673 : i32 to vector<16xi32>
    %add3A_675 = arith.addi %add3A_672, %add3A_674 : vector<16xi32>
    %shift_right_arithmetic3A_676 = arith.constant 16 : i32
    %shift_right_arithmetic3A_677 = vector.broadcast %shift_right_arithmetic3A_676 : i32 to vector<16xi32>
    %shift_right_arithmetic3A_678 = arith.shrsi %get3A_636, %shift_right_arithmetic3A_677 : vector<16xi32>
    %and3A_679 = arith.constant 255 : i32
    %and3A_680 = vector.broadcast %and3A_679 : i32 to vector<16xi32>
    %and3A_681 = arith.andi %shift_right_arithmetic3A_678, %and3A_680 : vector<16xi32>
    tpu.vector_store_idx %arg7[%add3A_675], %and3A_681 : memref<512xi32, #tpu.memory_space<vmem>>[vector<16xi32>], vector<16xi32>,
    %mul3A_682 = arith.constant 4 : i32
    %mul3A_683 = vector.broadcast %mul3A_682 : i32 to vector<16xi32>
    %mul3A_684 = arith.muli %mul3A_683, %iota3A : vector<16xi32>
    %add3A_685 = arith.constant 448 : i32
    %add3A_686 = vector.broadcast %add3A_685 : i32 to vector<16xi32>
    %add3A_687 = arith.addi %add3A_686, %mul3A_684 : vector<16xi32>
    %add3A_688 = arith.constant 3 : i32
    %add3A_689 = vector.broadcast %add3A_688 : i32 to vector<16xi32>
    %add3A_690 = arith.addi %add3A_687, %add3A_689 : vector<16xi32>
    %shift_right_arithmetic3A_691 = arith.constant 24 : i32
    %shift_right_arithmetic3A_692 = vector.broadcast %shift_right_arithmetic3A_691 : i32 to vector<16xi32>
    %shift_right_arithmetic3A_693 = arith.shrsi %get3A_636, %shift_right_arithmetic3A_692 : vector<16xi32>
    %and3A_694 = arith.constant 255 : i32
    %and3A_695 = vector.broadcast %and3A_694 : i32 to vector<16xi32>
    %and3A_696 = arith.andi %shift_right_arithmetic3A_693, %and3A_695 : vector<16xi32>
    tpu.vector_store_idx %arg7[%add3A_690], %and3A_696 : memref<512xi32, #tpu.memory_space<vmem>>[vector<16xi32>], vector<16xi32>,
    %scan3A = arith.constant 0 : i32
    %scan3A_697 = arith.constant 0 : i32
    %scan3A_698 = arith.constant -1 : i32
    %scan3A_699 = arith.constant -1 : i32
    %scan3A_700 = arith.constant 0 : i32
    %scan3A_701 = arith.constant 32 : i32
    %scan3A_702 = arith.addi %scan3A_700, %scan3A_701 : i32
    %scan3A_703 = arith.constant 1 : i32
    %scan3A_704:4 = scf.for %scan3A_1113 = %scan3A_700 to %scan3A_702 step %scan3A_703 iter_args(%scan3A_1114 = %scan3A, %scan3A_1115 = %scan3A_697, %scan3A_1116 = %scan3A_698, %scan3A_1117 = %scan3A_699) -> (i32, i32, i32, i32)  : i32 {
      %mul3A_1118 = arith.constant 16 : i32
      %mul3A_1119 = arith.muli %scan3A_1113, %mul3A_1118 : i32
      %add3A_1120 = arith.addi %mul3A_2, %mul3A_1119 : i32
      %add3A_1121 = vector.broadcast %add3A_1120 : i32 to vector<16xi32>
      %add3A_1122 = arith.addi %add3A_1121, %iota3A : vector<16xi32>
      %mul3A_1123 = arith.constant 16 : i32
      %mul3A_1124 = arith.muli %scan3A_1113, %mul3A_1123 : i32
      %get3A_1125 = arith.index_cast %mul3A_1124 : i32 to index
      %get3A_1126 = tpu.vector_load %arg7[%get3A_1125] {strides = array<i32>} : memref<512xi32, #tpu.memory_space<vmem>>, vector<16xi32>,
      %gt3A_1127 = arith.constant 0 : i32
      %gt3A_1128 = vector.broadcast %gt3A_1127 : i32 to vector<16xi32>
      %gt3A_1129 = arith.cmpi sgt, %get3A_1126, %gt3A_1128 : vector<16xi32>
      %broadcast_in_dim3A_1130 = arith.constant true
      %broadcast_in_dim3A_1131 = vector.broadcast %broadcast_in_dim3A_1130 : i1 to vector<16xi1>
      %masked_cumsum3A = tpu.scan <sum>, %get3A_1126 masked %broadcast_in_dim3A_1131 : vector<16xi32>, vector<16xi1> -> vector<16xi32>
      %reduce_sum3A_1132 = arith.constant true
      %reduce_sum3A_1133 = vector.broadcast %reduce_sum3A_1132 : i1 to vector<16xi1>
      %reduce_sum3A_1134 = tpu.scan <sum>, %get3A_1126 masked %reduce_sum3A_1133 : vector<16xi32>, vector<16xi1> -> vector<16xi32>
      %reduce_sum3A_1135 = vector.extract %reduce_sum3A_1134[15] : i32 from vector<16xi32>
      %add3A_1136 = vector.broadcast %scan3A_1114 : i32 to vector<16xi32>
      %add3A_1137 = arith.addi %add3A_1136, %masked_cumsum3A : vector<16xi32>
      %sub3A_1138 = arith.constant 1 : i32
      %sub3A_1139 = vector.broadcast %sub3A_1138 : i32 to vector<16xi32>
      %sub3A_1140 = arith.subi %add3A_1137, %sub3A_1139 : vector<16xi32>
      tpu.vector_store_idx %arg8[%sub3A_1140], %add3A_1122 masked %gt3A_1129 : memref<512xi32, #tpu.memory_space<vmem>>[vector<16xi32>], vector<16xi32>, vector<16xi1>
      %add3A_1141 = arith.constant 1 : i32
      %add3A_1142 = vector.broadcast %add3A_1141 : i32 to vector<16xi32>
      %add3A_1143 = arith.addi %iota3A, %add3A_1142 : vector<16xi32>
      %sub3A_1144 = arith.subi %add3A_1143, %masked_cumsum3A : vector<16xi32>
      %add3A_1145 = vector.broadcast %scan3A_1115 : i32 to vector<16xi32>
      %add3A_1146 = arith.addi %add3A_1145, %sub3A_1144 : vector<16xi32>
      %sub3A_1147 = arith.constant 1 : i32
      %sub3A_1148 = vector.broadcast %sub3A_1147 : i32 to vector<16xi32>
      %sub3A_1149 = arith.subi %add3A_1146, %sub3A_1148 : vector<16xi32>
      %not3A = arith.constant dense<true> : vector<16xi1>
      %not3A_1150 = arith.xori %gt3A_1129, %not3A : vector<16xi1>
      tpu.vector_store_idx %arg9[%sub3A_1149], %add3A_1122 masked %not3A_1150 : memref<512xi32, #tpu.memory_space<vmem>>[vector<16xi32>], vector<16xi32>, vector<16xi1>
      %jit3A_1151 = arith.constant -1 : i32
      %broadcast_in_dim3A_1152 = vector.broadcast %jit3A_1151 : i32 to vector<16xi32>
      %select_n3A_1153 = arith.select %gt3A_1129, %add3A_1122, %broadcast_in_dim3A_1152 : vector<16xi1>, vector<16xi32>
      %reduce_max3A = arith.constant true
      %reduce_max3A_1154 = vector.broadcast %reduce_max3A : i1 to vector<16xi1>
      %reduce_max3A_1155 = arith.constant -2147483648 : i32
      %reduce_max3A_1156 = vector.broadcast %reduce_max3A_1155 : i32 to vector<16xi32>
      %reduce_max3A_1157 = arith.xori %select_n3A_1153, %reduce_max3A_1156 : vector<16xi32>
      %reduce_max3A_1158 = tpu.scan <max>, %reduce_max3A_1157 masked %reduce_max3A_1154 : vector<16xi32>, vector<16xi1> -> vector<16xi32>
      %reduce_max3A_1159 = arith.xori %reduce_max3A_1158, %reduce_max3A_1156 : vector<16xi32>
      %reduce_max3A_1160 = vector.extract %reduce_max3A_1159[15] : i32 from vector<16xi32>
      %max3A = arith.maxsi %scan3A_1116, %reduce_max3A_1160 : i32
      %jit3A_1161 = arith.constant -1 : i32
      %broadcast_in_dim3A_1162 = vector.broadcast %jit3A_1161 : i32 to vector<16xi32>
      %select_n3A_1163 = arith.select %gt3A_1129, %broadcast_in_dim3A_1162, %add3A_1122 : vector<16xi1>, vector<16xi32>
      %reduce_max3A_1164 = arith.constant true
      %reduce_max3A_1165 = vector.broadcast %reduce_max3A_1164 : i1 to vector<16xi1>
      %reduce_max3A_1166 = arith.constant -2147483648 : i32
      %reduce_max3A_1167 = vector.broadcast %reduce_max3A_1166 : i32 to vector<16xi32>
      %reduce_max3A_1168 = arith.xori %select_n3A_1163, %reduce_max3A_1167 : vector<16xi32>
      %reduce_max3A_1169 = tpu.scan <max>, %reduce_max3A_1168 masked %reduce_max3A_1165 : vector<16xi32>, vector<16xi1> -> vector<16xi32>
      %reduce_max3A_1170 = arith.xori %reduce_max3A_1169, %reduce_max3A_1167 : vector<16xi32>
      %reduce_max3A_1171 = vector.extract %reduce_max3A_1170[15] : i32 from vector<16xi32>
      %max3A_1172 = arith.maxsi %scan3A_1117, %reduce_max3A_1171 : i32
      %add3A_1173 = arith.addi %scan3A_1114, %reduce_sum3A_1135 : i32
      %sub3A_1174 = arith.constant 16 : i32
      %sub3A_1175 = arith.subi %sub3A_1174, %reduce_sum3A_1135 : i32
      %add3A_1176 = arith.addi %scan3A_1115, %sub3A_1175 : i32
      scf.yield %add3A_1173, %add3A_1176, %max3A, %max3A_1172 : i32, i32, i32, i32
    }
    %scan3A_705 = arith.constant 32 : i32
    %and3A_706 = arith.constant 15 : i32
    %and3A_707 = arith.andi %scan3A_704#0, %and3A_706 : i32
    %ne3A_708 = arith.constant 0 : i32
    %ne3A_709 = arith.cmpi ne, %and3A_707, %ne3A_708 : i32
    %convert_element_type3A = arith.extui %ne3A_709 : i1 to i32
    %cond3A = arith.constant 0 : i32
    %cond3A_710 = arith.cmpi ne, %convert_element_type3A, %cond3A : i32
    scf.if %cond3A_710 {
      %and3A_1113 = arith.constant -16 : i32
      %and3A_1114 = arith.andi %scan3A_704#0, %and3A_1113 : i32
      %add3A_1115 = vector.broadcast %and3A_1114 : i32 to vector<16xi32>
      %add3A_1116 = arith.addi %add3A_1115, %iota3A : vector<16xi32>
      %broadcast_in_dim3A_1117 = vector.broadcast %scan3A_704#2 : i32 to vector<16xi32>
      %ge3A = vector.broadcast %scan3A_704#0 : i32 to vector<16xi32>
      %ge3A_1118 = arith.cmpi sge, %add3A_1116, %ge3A : vector<16xi32>
      tpu.vector_store_idx %arg8[%add3A_1116], %broadcast_in_dim3A_1117 masked %ge3A_1118 : memref<512xi32, #tpu.memory_space<vmem>>[vector<16xi32>], vector<16xi32>, vector<16xi1>
    } else {
    }
    %and3A_711 = arith.constant 15 : i32
    %and3A_712 = arith.andi %scan3A_704#1, %and3A_711 : i32
    %ne3A_713 = arith.constant 0 : i32
    %ne3A_714 = arith.cmpi ne, %and3A_712, %ne3A_713 : i32
    %convert_element_type3A_715 = arith.extui %ne3A_714 : i1 to i32
    %cond3A_716 = arith.constant 0 : i32
    %cond3A_717 = arith.cmpi ne, %convert_element_type3A_715, %cond3A_716 : i32
    scf.if %cond3A_717 {
      %and3A_1113 = arith.constant -16 : i32
      %and3A_1114 = arith.andi %scan3A_704#1, %and3A_1113 : i32
      %add3A_1115 = vector.broadcast %and3A_1114 : i32 to vector<16xi32>
      %add3A_1116 = arith.addi %add3A_1115, %iota3A : vector<16xi32>
      %broadcast_in_dim3A_1117 = vector.broadcast %scan3A_704#3 : i32 to vector<16xi32>
      %ge3A = vector.broadcast %scan3A_704#1 : i32 to vector<16xi32>
      %ge3A_1118 = arith.cmpi sge, %add3A_1116, %ge3A : vector<16xi32>
      tpu.vector_store_idx %arg9[%add3A_1116], %broadcast_in_dim3A_1117 masked %ge3A_1118 : memref<512xi32, #tpu.memory_space<vmem>>[vector<16xi32>], vector<16xi32>, vector<16xi1>
    } else {
    }
    %jit3A_718 = arith.constant 512 : i32
    %div3A_719 = arith.divsi %mul3A_2, %jit3A_718 : i32
    %sign3A_720 = arith.constant 0 : i32
    %sign3A_721 = arith.cmpi sgt, %mul3A_2, %sign3A_720 : i32
    %sign3A_722 = arith.extui %sign3A_721 : i1 to i32
    %sign3A_723 = arith.constant 0 : i32
    %sign3A_724 = arith.cmpi slt, %mul3A_2, %sign3A_723 : i32
    %sign3A_725 = arith.extui %sign3A_724 : i1 to i32
    %sign3A_726 = arith.subi %sign3A_722, %sign3A_725 : i32
    %sign3A_727 = arith.constant 0 : i32
    %sign3A_728 = arith.cmpi sgt, %jit3A_718, %sign3A_727 : i32
    %sign3A_729 = arith.extui %sign3A_728 : i1 to i32
    %sign3A_730 = arith.constant 0 : i32
    %sign3A_731 = arith.cmpi slt, %jit3A_718, %sign3A_730 : i32
    %sign3A_732 = arith.extui %sign3A_731 : i1 to i32
    %sign3A_733 = arith.subi %sign3A_729, %sign3A_732 : i32
    %ne3A_734 = arith.cmpi ne, %sign3A_726, %sign3A_733 : i32
    %rem3A_735 = arith.remsi %mul3A_2, %jit3A_718 : i32
    %ne3A_736 = arith.constant 0 : i32
    %ne3A_737 = arith.cmpi ne, %rem3A_735, %ne3A_736 : i32
    %and3A_738 = arith.andi %ne3A_734, %ne3A_737 : i1
    %sub3A_739 = arith.constant 1 : i32
    %sub3A_740 = arith.subi %div3A_719, %sub3A_739 : i32
    %select_n3A_741 = arith.select %and3A_738, %sub3A_740, %div3A_719 : i32
    %broadcast_in_dim3A = arith.constant 0 : i32
    %broadcast_in_dim3A_742 = vector.broadcast %broadcast_in_dim3A : i32 to vector<16xi32>
    %broadcast_in_dim3A_743 = arith.constant 0 : i32
    %broadcast_in_dim3A_744 = vector.broadcast %broadcast_in_dim3A_743 : i32 to vector<16xi32>
    %broadcast_in_dim3A_745 = arith.constant 0 : i32
    %broadcast_in_dim3A_746 = vector.broadcast %broadcast_in_dim3A_745 : i32 to vector<16xi32>
    %broadcast_in_dim3A_747 = arith.constant 0 : i32
    %broadcast_in_dim3A_748 = vector.broadcast %broadcast_in_dim3A_747 : i32 to vector<16xi32>
    %broadcast_in_dim3A_749 = arith.constant 0 : i32
    %broadcast_in_dim3A_750 = vector.broadcast %broadcast_in_dim3A_749 : i32 to vector<16xi32>
    %broadcast_in_dim3A_751 = arith.constant 0 : i32
    %broadcast_in_dim3A_752 = vector.broadcast %broadcast_in_dim3A_751 : i32 to vector<16xi32>
    %broadcast_in_dim3A_753 = arith.constant 0 : i32
    %broadcast_in_dim3A_754 = vector.broadcast %broadcast_in_dim3A_753 : i32 to vector<16xi32>
    %broadcast_in_dim3A_755 = arith.constant 0 : i32
    %broadcast_in_dim3A_756 = vector.broadcast %broadcast_in_dim3A_755 : i32 to vector<16xi32>
    %while3A = arith.constant 0 : i32
    %while3A_757 = arith.subi %select_n3A_741, %while3A : i32
    %while3A_758 = arith.addi %while3A, %while3A_757 : i32
    %while3A_759 = arith.constant 1 : i32
    %while3A_760 = arith.divsi %while3A_757, %while3A_759 : i32
    %while3A_761 = arith.muli %while3A_760, %while3A_759 : i32
    %while3A_762 = arith.addi %while3A, %while3A_761 : i32
    %while3A_763 = arith.constant 1 : i32
    %while3A_764:8 = scf.for %while3A_1113 = %while3A to %while3A_762 step %while3A_763 iter_args(%while3A_1114 = %broadcast_in_dim3A_742, %while3A_1115 = %broadcast_in_dim3A_744, %while3A_1116 = %broadcast_in_dim3A_746, %while3A_1117 = %broadcast_in_dim3A_748, %while3A_1118 = %broadcast_in_dim3A_750, %while3A_1119 = %broadcast_in_dim3A_752, %while3A_1120 = %broadcast_in_dim3A_754, %while3A_1121 = %broadcast_in_dim3A_756) -> (vector<16xi32>, vector<16xi32>, vector<16xi32>, vector<16xi32>, vector<16xi32>, vector<16xi32>, vector<16xi32>, vector<16xi32>)  : i32 {
      %mul3A_1122 = arith.constant 8 : i32
      %mul3A_1123 = arith.muli %while3A_1113, %mul3A_1122 : i32
      %add3A_1124 = arith.constant 0 : i32
      %add3A_1125 = arith.addi %mul3A_1123, %add3A_1124 : i32
      %mul3A_1126 = arith.constant 16 : i32
      %mul3A_1127 = arith.muli %add3A_1125, %mul3A_1126 : i32
      %get3A_1128 = arith.index_cast %mul3A_1127 : i32 to index
      %get3A_1129 = tpu.vector_load %arg6[%get3A_1128] {strides = array<i32>} : memref<4096xi32, #tpu.memory_space<vmem>>, vector<16xi32>,
      %add3A_1130 = arith.addi %while3A_1114, %get3A_1129 : vector<16xi32>
      %mul3A_1131 = arith.constant 8 : i32
      %mul3A_1132 = arith.muli %while3A_1113, %mul3A_1131 : i32
      %add3A_1133 = arith.constant 1 : i32
      %add3A_1134 = arith.addi %mul3A_1132, %add3A_1133 : i32
      %mul3A_1135 = arith.constant 16 : i32
      %mul3A_1136 = arith.muli %add3A_1134, %mul3A_1135 : i32
      %get3A_1137 = arith.index_cast %mul3A_1136 : i32 to index
      %get3A_1138 = tpu.vector_load %arg6[%get3A_1137] {strides = array<i32>} : memref<4096xi32, #tpu.memory_space<vmem>>, vector<16xi32>,
      %add3A_1139 = arith.addi %while3A_1115, %get3A_1138 : vector<16xi32>
      %mul3A_1140 = arith.constant 8 : i32
      %mul3A_1141 = arith.muli %while3A_1113, %mul3A_1140 : i32
      %add3A_1142 = arith.constant 2 : i32
      %add3A_1143 = arith.addi %mul3A_1141, %add3A_1142 : i32
      %mul3A_1144 = arith.constant 16 : i32
      %mul3A_1145 = arith.muli %add3A_1143, %mul3A_1144 : i32
      %get3A_1146 = arith.index_cast %mul3A_1145 : i32 to index
      %get3A_1147 = tpu.vector_load %arg6[%get3A_1146] {strides = array<i32>} : memref<4096xi32, #tpu.memory_space<vmem>>, vector<16xi32>,
      %add3A_1148 = arith.addi %while3A_1116, %get3A_1147 : vector<16xi32>
      %mul3A_1149 = arith.constant 8 : i32
      %mul3A_1150 = arith.muli %while3A_1113, %mul3A_1149 : i32
      %add3A_1151 = arith.constant 3 : i32
      %add3A_1152 = arith.addi %mul3A_1150, %add3A_1151 : i32
      %mul3A_1153 = arith.constant 16 : i32
      %mul3A_1154 = arith.muli %add3A_1152, %mul3A_1153 : i32
      %get3A_1155 = arith.index_cast %mul3A_1154 : i32 to index
      %get3A_1156 = tpu.vector_load %arg6[%get3A_1155] {strides = array<i32>} : memref<4096xi32, #tpu.memory_space<vmem>>, vector<16xi32>,
      %add3A_1157 = arith.addi %while3A_1117, %get3A_1156 : vector<16xi32>
      %mul3A_1158 = arith.constant 8 : i32
      %mul3A_1159 = arith.muli %while3A_1113, %mul3A_1158 : i32
      %add3A_1160 = arith.constant 4 : i32
      %add3A_1161 = arith.addi %mul3A_1159, %add3A_1160 : i32
      %mul3A_1162 = arith.constant 16 : i32
      %mul3A_1163 = arith.muli %add3A_1161, %mul3A_1162 : i32
      %get3A_1164 = arith.index_cast %mul3A_1163 : i32 to index
      %get3A_1165 = tpu.vector_load %arg6[%get3A_1164] {strides = array<i32>} : memref<4096xi32, #tpu.memory_space<vmem>>, vector<16xi32>,
      %add3A_1166 = arith.addi %while3A_1118, %get3A_1165 : vector<16xi32>
      %mul3A_1167 = arith.constant 8 : i32
      %mul3A_1168 = arith.muli %while3A_1113, %mul3A_1167 : i32
      %add3A_1169 = arith.constant 5 : i32
      %add3A_1170 = arith.addi %mul3A_1168, %add3A_1169 : i32
      %mul3A_1171 = arith.constant 16 : i32
      %mul3A_1172 = arith.muli %add3A_1170, %mul3A_1171 : i32
      %get3A_1173 = arith.index_cast %mul3A_1172 : i32 to index
      %get3A_1174 = tpu.vector_load %arg6[%get3A_1173] {strides = array<i32>} : memref<4096xi32, #tpu.memory_space<vmem>>, vector<16xi32>,
      %add3A_1175 = arith.addi %while3A_1119, %get3A_1174 : vector<16xi32>
      %mul3A_1176 = arith.constant 8 : i32
      %mul3A_1177 = arith.muli %while3A_1113, %mul3A_1176 : i32
      %add3A_1178 = arith.constant 6 : i32
      %add3A_1179 = arith.addi %mul3A_1177, %add3A_1178 : i32
      %mul3A_1180 = arith.constant 16 : i32
      %mul3A_1181 = arith.muli %add3A_1179, %mul3A_1180 : i32
      %get3A_1182 = arith.index_cast %mul3A_1181 : i32 to index
      %get3A_1183 = tpu.vector_load %arg6[%get3A_1182] {strides = array<i32>} : memref<4096xi32, #tpu.memory_space<vmem>>, vector<16xi32>,
      %add3A_1184 = arith.addi %while3A_1120, %get3A_1183 : vector<16xi32>
      %mul3A_1185 = arith.constant 8 : i32
      %mul3A_1186 = arith.muli %while3A_1113, %mul3A_1185 : i32
      %add3A_1187 = arith.constant 7 : i32
      %add3A_1188 = arith.addi %mul3A_1186, %add3A_1187 : i32
      %mul3A_1189 = arith.constant 16 : i32
      %mul3A_1190 = arith.muli %add3A_1188, %mul3A_1189 : i32
      %get3A_1191 = arith.index_cast %mul3A_1190 : i32 to index
      %get3A_1192 = tpu.vector_load %arg6[%get3A_1191] {strides = array<i32>} : memref<4096xi32, #tpu.memory_space<vmem>>, vector<16xi32>,
      %add3A_1193 = arith.addi %while3A_1121, %get3A_1192 : vector<16xi32>
      scf.yield %add3A_1130, %add3A_1139, %add3A_1148, %add3A_1157, %add3A_1166, %add3A_1175, %add3A_1184, %add3A_1193 : vector<16xi32>, vector<16xi32>, vector<16xi32>, vector<16xi32>, vector<16xi32>, vector<16xi32>, vector<16xi32>, vector<16xi32>
    }
    %while3A_765 = arith.constant 1 : i32
    %while3A_766:8 = scf.for %while3A_1113 = %while3A_762 to %while3A_758 step %while3A_765 iter_args(%while3A_1114 = %while3A_764#0, %while3A_1115 = %while3A_764#1, %while3A_1116 = %while3A_764#2, %while3A_1117 = %while3A_764#3, %while3A_1118 = %while3A_764#4, %while3A_1119 = %while3A_764#5, %while3A_1120 = %while3A_764#6, %while3A_1121 = %while3A_764#7) -> (vector<16xi32>, vector<16xi32>, vector<16xi32>, vector<16xi32>, vector<16xi32>, vector<16xi32>, vector<16xi32>, vector<16xi32>)  : i32 {
      %mul3A_1122 = arith.constant 8 : i32
      %mul3A_1123 = arith.muli %while3A_1113, %mul3A_1122 : i32
      %add3A_1124 = arith.constant 0 : i32
      %add3A_1125 = arith.addi %mul3A_1123, %add3A_1124 : i32
      %mul3A_1126 = arith.constant 16 : i32
      %mul3A_1127 = arith.muli %add3A_1125, %mul3A_1126 : i32
      %get3A_1128 = arith.index_cast %mul3A_1127 : i32 to index
      %get3A_1129 = tpu.vector_load %arg6[%get3A_1128] {strides = array<i32>} : memref<4096xi32, #tpu.memory_space<vmem>>, vector<16xi32>,
      %add3A_1130 = arith.addi %while3A_1114, %get3A_1129 : vector<16xi32>
      %mul3A_1131 = arith.constant 8 : i32
      %mul3A_1132 = arith.muli %while3A_1113, %mul3A_1131 : i32
      %add3A_1133 = arith.constant 1 : i32
      %add3A_1134 = arith.addi %mul3A_1132, %add3A_1133 : i32
      %mul3A_1135 = arith.constant 16 : i32
      %mul3A_1136 = arith.muli %add3A_1134, %mul3A_1135 : i32
      %get3A_1137 = arith.index_cast %mul3A_1136 : i32 to index
      %get3A_1138 = tpu.vector_load %arg6[%get3A_1137] {strides = array<i32>} : memref<4096xi32, #tpu.memory_space<vmem>>, vector<16xi32>,
      %add3A_1139 = arith.addi %while3A_1115, %get3A_1138 : vector<16xi32>
      %mul3A_1140 = arith.constant 8 : i32
      %mul3A_1141 = arith.muli %while3A_1113, %mul3A_1140 : i32
      %add3A_1142 = arith.constant 2 : i32
      %add3A_1143 = arith.addi %mul3A_1141, %add3A_1142 : i32
      %mul3A_1144 = arith.constant 16 : i32
      %mul3A_1145 = arith.muli %add3A_1143, %mul3A_1144 : i32
      %get3A_1146 = arith.index_cast %mul3A_1145 : i32 to index
      %get3A_1147 = tpu.vector_load %arg6[%get3A_1146] {strides = array<i32>} : memref<4096xi32, #tpu.memory_space<vmem>>, vector<16xi32>,
      %add3A_1148 = arith.addi %while3A_1116, %get3A_1147 : vector<16xi32>
      %mul3A_1149 = arith.constant 8 : i32
      %mul3A_1150 = arith.muli %while3A_1113, %mul3A_1149 : i32
      %add3A_1151 = arith.constant 3 : i32
      %add3A_1152 = arith.addi %mul3A_1150, %add3A_1151 : i32
      %mul3A_1153 = arith.constant 16 : i32
      %mul3A_1154 = arith.muli %add3A_1152, %mul3A_1153 : i32
      %get3A_1155 = arith.index_cast %mul3A_1154 : i32 to index
      %get3A_1156 = tpu.vector_load %arg6[%get3A_1155] {strides = array<i32>} : memref<4096xi32, #tpu.memory_space<vmem>>, vector<16xi32>,
      %add3A_1157 = arith.addi %while3A_1117, %get3A_1156 : vector<16xi32>
      %mul3A_1158 = arith.constant 8 : i32
      %mul3A_1159 = arith.muli %while3A_1113, %mul3A_1158 : i32
      %add3A_1160 = arith.constant 4 : i32
      %add3A_1161 = arith.addi %mul3A_1159, %add3A_1160 : i32
      %mul3A_1162 = arith.constant 16 : i32
      %mul3A_1163 = arith.muli %add3A_1161, %mul3A_1162 : i32
      %get3A_1164 = arith.index_cast %mul3A_1163 : i32 to index
      %get3A_1165 = tpu.vector_load %arg6[%get3A_1164] {strides = array<i32>} : memref<4096xi32, #tpu.memory_space<vmem>>, vector<16xi32>,
      %add3A_1166 = arith.addi %while3A_1118, %get3A_1165 : vector<16xi32>
      %mul3A_1167 = arith.constant 8 : i32
      %mul3A_1168 = arith.muli %while3A_1113, %mul3A_1167 : i32
      %add3A_1169 = arith.constant 5 : i32
      %add3A_1170 = arith.addi %mul3A_1168, %add3A_1169 : i32
      %mul3A_1171 = arith.constant 16 : i32
      %mul3A_1172 = arith.muli %add3A_1170, %mul3A_1171 : i32
      %get3A_1173 = arith.index_cast %mul3A_1172 : i32 to index
      %get3A_1174 = tpu.vector_load %arg6[%get3A_1173] {strides = array<i32>} : memref<4096xi32, #tpu.memory_space<vmem>>, vector<16xi32>,
      %add3A_1175 = arith.addi %while3A_1119, %get3A_1174 : vector<16xi32>
      %mul3A_1176 = arith.constant 8 : i32
      %mul3A_1177 = arith.muli %while3A_1113, %mul3A_1176 : i32
      %add3A_1178 = arith.constant 6 : i32
      %add3A_1179 = arith.addi %mul3A_1177, %add3A_1178 : i32
      %mul3A_1180 = arith.constant 16 : i32
      %mul3A_1181 = arith.muli %add3A_1179, %mul3A_1180 : i32
      %get3A_1182 = arith.index_cast %mul3A_1181 : i32 to index
      %get3A_1183 = tpu.vector_load %arg6[%get3A_1182] {strides = array<i32>} : memref<4096xi32, #tpu.memory_space<vmem>>, vector<16xi32>,
      %add3A_1184 = arith.addi %while3A_1120, %get3A_1183 : vector<16xi32>
      %mul3A_1185 = arith.constant 8 : i32
      %mul3A_1186 = arith.muli %while3A_1113, %mul3A_1185 : i32
      %add3A_1187 = arith.constant 7 : i32
      %add3A_1188 = arith.addi %mul3A_1186, %add3A_1187 : i32
      %mul3A_1189 = arith.constant 16 : i32
      %mul3A_1190 = arith.muli %add3A_1188, %mul3A_1189 : i32
      %get3A_1191 = arith.index_cast %mul3A_1190 : i32 to index
      %get3A_1192 = tpu.vector_load %arg6[%get3A_1191] {strides = array<i32>} : memref<4096xi32, #tpu.memory_space<vmem>>, vector<16xi32>,
      %add3A_1193 = arith.addi %while3A_1121, %get3A_1192 : vector<16xi32>
      scf.yield %add3A_1130, %add3A_1139, %add3A_1148, %add3A_1157, %add3A_1166, %add3A_1175, %add3A_1184, %add3A_1193 : vector<16xi32>, vector<16xi32>, vector<16xi32>, vector<16xi32>, vector<16xi32>, vector<16xi32>, vector<16xi32>, vector<16xi32>
    }
    %add3A_767 = arith.constant 0 : i32
    %add3A_768 = vector.broadcast %add3A_767 : i32 to vector<16xi32>
    %add3A_769 = arith.addi %add3A_768, %while3A_766#0 : vector<16xi32>
    %add3A_770 = arith.addi %add3A_769, %while3A_766#1 : vector<16xi32>
    %add3A_771 = arith.addi %add3A_770, %while3A_766#2 : vector<16xi32>
    %add3A_772 = arith.addi %add3A_771, %while3A_766#3 : vector<16xi32>
    %add3A_773 = arith.addi %add3A_772, %while3A_766#4 : vector<16xi32>
    %add3A_774 = arith.addi %add3A_773, %while3A_766#5 : vector<16xi32>
    %add3A_775 = arith.addi %add3A_774, %while3A_766#6 : vector<16xi32>
    %add3A_776 = arith.addi %add3A_775, %while3A_766#7 : vector<16xi32>
    %and3A_777 = arith.constant 255 : i32
    %and3A_778 = vector.broadcast %and3A_777 : i32 to vector<16xi32>
    %and3A_779 = arith.andi %add3A_776, %and3A_778 : vector<16xi32>
    %shift_right_arithmetic3A_780 = arith.constant 8 : i32
    %shift_right_arithmetic3A_781 = vector.broadcast %shift_right_arithmetic3A_780 : i32 to vector<16xi32>
    %shift_right_arithmetic3A_782 = arith.shrsi %add3A_776, %shift_right_arithmetic3A_781 : vector<16xi32>
    %and3A_783 = arith.constant 255 : i32
    %and3A_784 = vector.broadcast %and3A_783 : i32 to vector<16xi32>
    %and3A_785 = arith.andi %shift_right_arithmetic3A_782, %and3A_784 : vector<16xi32>
    %add3A_786 = arith.addi %and3A_779, %and3A_785 : vector<16xi32>
    %shift_right_arithmetic3A_787 = arith.constant 16 : i32
    %shift_right_arithmetic3A_788 = vector.broadcast %shift_right_arithmetic3A_787 : i32 to vector<16xi32>
    %shift_right_arithmetic3A_789 = arith.shrsi %add3A_776, %shift_right_arithmetic3A_788 : vector<16xi32>
    %and3A_790 = arith.constant 255 : i32
    %and3A_791 = vector.broadcast %and3A_790 : i32 to vector<16xi32>
    %and3A_792 = arith.andi %shift_right_arithmetic3A_789, %and3A_791 : vector<16xi32>
    %add3A_793 = arith.addi %add3A_786, %and3A_792 : vector<16xi32>
    %shift_right_arithmetic3A_794 = arith.constant 24 : i32
    %shift_right_arithmetic3A_795 = vector.broadcast %shift_right_arithmetic3A_794 : i32 to vector<16xi32>
    %shift_right_arithmetic3A_796 = arith.shrsi %add3A_776, %shift_right_arithmetic3A_795 : vector<16xi32>
    %and3A_797 = arith.constant 255 : i32
    %and3A_798 = vector.broadcast %and3A_797 : i32 to vector<16xi32>
    %and3A_799 = arith.andi %shift_right_arithmetic3A_796, %and3A_798 : vector<16xi32>
    %add3A_800 = arith.addi %add3A_793, %and3A_799 : vector<16xi32>
    %reduce_sum3A = arith.constant true
    %reduce_sum3A_801 = vector.broadcast %reduce_sum3A : i1 to vector<16xi1>
    %reduce_sum3A_802 = tpu.scan <sum>, %add3A_800 masked %reduce_sum3A_801 : vector<16xi32>, vector<16xi1> -> vector<16xi32>
    %reduce_sum3A_803 = vector.extract %reduce_sum3A_802[15] : i32 from vector<16xi32>
    %add3A_804 = arith.constant 16 : i32
    %add3A_805 = arith.addi %scan3A_704#1, %add3A_804 : i32
    %sub3A_806 = arith.constant 1 : i32
    %sub3A_807 = arith.subi %add3A_805, %sub3A_806 : i32
    %jit3A_808 = arith.constant 16 : i32
    %div3A_809 = arith.divsi %sub3A_807, %jit3A_808 : i32
    %sign3A_810 = arith.constant 0 : i32
    %sign3A_811 = arith.cmpi sgt, %sub3A_807, %sign3A_810 : i32
    %sign3A_812 = arith.extui %sign3A_811 : i1 to i32
    %sign3A_813 = arith.constant 0 : i32
    %sign3A_814 = arith.cmpi slt, %sub3A_807, %sign3A_813 : i32
    %sign3A_815 = arith.extui %sign3A_814 : i1 to i32
    %sign3A_816 = arith.subi %sign3A_812, %sign3A_815 : i32
    %sign3A_817 = arith.constant 0 : i32
    %sign3A_818 = arith.cmpi sgt, %jit3A_808, %sign3A_817 : i32
    %sign3A_819 = arith.extui %sign3A_818 : i1 to i32
    %sign3A_820 = arith.constant 0 : i32
    %sign3A_821 = arith.cmpi slt, %jit3A_808, %sign3A_820 : i32
    %sign3A_822 = arith.extui %sign3A_821 : i1 to i32
    %sign3A_823 = arith.subi %sign3A_819, %sign3A_822 : i32
    %ne3A_824 = arith.cmpi ne, %sign3A_816, %sign3A_823 : i32
    %rem3A_825 = arith.remsi %sub3A_807, %jit3A_808 : i32
    %ne3A_826 = arith.constant 0 : i32
    %ne3A_827 = arith.cmpi ne, %rem3A_825, %ne3A_826 : i32
    %and3A_828 = arith.andi %ne3A_824, %ne3A_827 : i1
    %sub3A_829 = arith.constant 1 : i32
    %sub3A_830 = arith.subi %div3A_809, %sub3A_829 : i32
    %select_n3A_831 = arith.select %and3A_828, %sub3A_830, %div3A_809 : i32
    %gt3A = arith.constant 0 : i32
    %gt3A_832 = arith.cmpi sgt, %select_n3A_831, %gt3A : i32
    %convert_element_type3A_833 = arith.extui %gt3A_832 : i1 to i32
    %cond3A_834 = arith.constant 0 : i32
    %cond3A_835 = arith.cmpi ne, %convert_element_type3A_833, %cond3A_834 : i32
    scf.if %cond3A_835 {
      %get3A_1113 = arith.constant 0 : index
      %get3A_1114 = tpu.vector_load %arg9[%get3A_1113] {strides = array<i32>} : memref<512xi32, #tpu.memory_space<vmem>>, vector<16xi32>,
      %swap3A = arith.constant 0 : index
      %swap3A_1115 = tpu.vector_load %arg10[%swap3A] {strides = array<i32>} : memref<16xi32, #tpu.memory_space<vmem>>, vector<16xi32>,
      tpu.vector_store %arg10[%swap3A], %get3A_1114 {strides = array<i32>} : memref<16xi32, #tpu.memory_space<vmem>>, vector<16xi32>,
      %dma_start3A = arith.constant 0 : i32
      %dma_start3A_1116 = arith.constant 0 : i32
      %dma_start3A_1117 = tpu.memref_slice %arg16[%dma_start3A, %dma_start3A_1116] : memref<48x2048xf32, #tpu.memory_space<vmem>> -> memref<16x2048xf32, #tpu.memory_space<vmem>>
      %dma_start3A_1118 = arith.constant 0 : i32
      %dma_start3A_1119 = arith.constant 0 : i32
      %dma_start3A_1120 = tpu.memref_slice %arg2[%dma_start3A_1118, %dma_start3A_1119] : memref<16384x2048xf32, #tpu.memory_space<hbm>> -> memref<16384x2048xf32, #tpu.memory_space<hbm>>
      tpu.enqueue_indirect_dma source(%dma_start3A_1120 : memref<16384x2048xf32, #tpu.memory_space<hbm>>) target(%dma_start3A_1117 : memref<16x2048xf32, #tpu.memory_space<vmem>>) offsets(%arg10 : memref<16xi32, #tpu.memory_space<vmem>>) semaphore(%arg17 : memref<!tpu.dma_semaphore, #tpu.memory_space<semaphore_mem>>)
    } else {
    }
    %gt3A_836 = arith.constant 1 : i32
    %gt3A_837 = arith.cmpi sgt, %select_n3A_831, %gt3A_836 : i32
    %convert_element_type3A_838 = arith.extui %gt3A_837 : i1 to i32
    %cond3A_839 = arith.constant 0 : i32
    %cond3A_840 = arith.cmpi ne, %convert_element_type3A_838, %cond3A_839 : i32
    scf.if %cond3A_840 {
      %get3A_1113 = arith.constant 16 : index
      %get3A_1114 = tpu.vector_load %arg9[%get3A_1113] {strides = array<i32>} : memref<512xi32, #tpu.memory_space<vmem>>, vector<16xi32>,
      %swap3A = arith.constant 0 : index
      %swap3A_1115 = tpu.vector_load %arg11[%swap3A] {strides = array<i32>} : memref<16xi32, #tpu.memory_space<vmem>>, vector<16xi32>,
      tpu.vector_store %arg11[%swap3A], %get3A_1114 {strides = array<i32>} : memref<16xi32, #tpu.memory_space<vmem>>, vector<16xi32>,
      %dma_start3A = arith.constant 16 : i32
      %dma_start3A_1116 = arith.constant 0 : i32
      %dma_start3A_1117 = tpu.memref_slice %arg16[%dma_start3A, %dma_start3A_1116] : memref<48x2048xf32, #tpu.memory_space<vmem>> -> memref<16x2048xf32, #tpu.memory_space<vmem>>
      %dma_start3A_1118 = arith.constant 0 : i32
      %dma_start3A_1119 = arith.constant 0 : i32
      %dma_start3A_1120 = tpu.memref_slice %arg2[%dma_start3A_1118, %dma_start3A_1119] : memref<16384x2048xf32, #tpu.memory_space<hbm>> -> memref<16384x2048xf32, #tpu.memory_space<hbm>>
      tpu.enqueue_indirect_dma source(%dma_start3A_1120 : memref<16384x2048xf32, #tpu.memory_space<hbm>>) target(%dma_start3A_1117 : memref<16x2048xf32, #tpu.memory_space<vmem>>) offsets(%arg11 : memref<16xi32, #tpu.memory_space<vmem>>) semaphore(%arg18 : memref<!tpu.dma_semaphore, #tpu.memory_space<semaphore_mem>>)
    } else {
    }
    %add3A_841 = arith.constant 3 : i32
    %add3A_842 = arith.addi %select_n3A_831, %add3A_841 : i32
    %sub3A_843 = arith.constant 1 : i32
    %sub3A_844 = arith.subi %add3A_842, %sub3A_843 : i32
    %jit3A_845 = arith.constant 3 : i32
    %div3A_846 = arith.divsi %sub3A_844, %jit3A_845 : i32
    %sign3A_847 = arith.constant 0 : i32
    %sign3A_848 = arith.cmpi sgt, %sub3A_844, %sign3A_847 : i32
    %sign3A_849 = arith.extui %sign3A_848 : i1 to i32
    %sign3A_850 = arith.constant 0 : i32
    %sign3A_851 = arith.cmpi slt, %sub3A_844, %sign3A_850 : i32
    %sign3A_852 = arith.extui %sign3A_851 : i1 to i32
    %sign3A_853 = arith.subi %sign3A_849, %sign3A_852 : i32
    %sign3A_854 = arith.constant 0 : i32
    %sign3A_855 = arith.cmpi sgt, %jit3A_845, %sign3A_854 : i32
    %sign3A_856 = arith.extui %sign3A_855 : i1 to i32
    %sign3A_857 = arith.constant 0 : i32
    %sign3A_858 = arith.cmpi slt, %jit3A_845, %sign3A_857 : i32
    %sign3A_859 = arith.extui %sign3A_858 : i1 to i32
    %sign3A_860 = arith.subi %sign3A_856, %sign3A_859 : i32
    %ne3A_861 = arith.cmpi ne, %sign3A_853, %sign3A_860 : i32
    %rem3A_862 = arith.remsi %sub3A_844, %jit3A_845 : i32
    %ne3A_863 = arith.constant 0 : i32
    %ne3A_864 = arith.cmpi ne, %rem3A_862, %ne3A_863 : i32
    %and3A_865 = arith.andi %ne3A_861, %ne3A_864 : i1
    %sub3A_866 = arith.constant 1 : i32
    %sub3A_867 = arith.subi %div3A_846, %sub3A_866 : i32
    %select_n3A_868 = arith.select %and3A_865, %sub3A_867, %div3A_846 : i32
    %while3A_869 = arith.constant 0 : i32
    %while3A_870 = arith.constant 0 : i32
    %while3A_871 = arith.subi %select_n3A_868, %while3A_869 : i32
    %while3A_872 = arith.addi %while3A_869, %while3A_871 : i32
    %while3A_873 = arith.constant 1 : i32
    %while3A_874 = arith.divsi %while3A_871, %while3A_873 : i32
    %while3A_875 = arith.muli %while3A_874, %while3A_873 : i32
    %while3A_876 = arith.addi %while3A_869, %while3A_875 : i32
    %while3A_877 = arith.constant 1 : i32
    %while3A_878 = scf.for %while3A_1113 = %while3A_869 to %while3A_876 step %while3A_877 iter_args(%while3A_1114 = %while3A_870) -> (i32)  : i32 {
      %mul3A_1115 = arith.constant 3 : i32
      %mul3A_1116 = arith.muli %while3A_1113, %mul3A_1115 : i32
      %add3A_1117 = arith.constant 0 : i32
      %add3A_1118 = arith.addi %mul3A_1116, %add3A_1117 : i32
      %lt3A_1119 = arith.cmpi slt, %add3A_1118, %select_n3A_831 : i32
      %convert_element_type3A_1120 = arith.extui %lt3A_1119 : i1 to i32
      %cond3A_1121 = arith.constant 0 : i32
      %cond3A_1122 = arith.cmpi ne, %convert_element_type3A_1120, %cond3A_1121 : i32
      scf.if %cond3A_1122 {
        %dma_wait3A = arith.constant 0 : i32
        %dma_wait3A_1183 = arith.constant 0 : i32
        %dma_wait3A_1184 = tpu.memref_slice %arg16[%dma_wait3A, %dma_wait3A_1183] : memref<48x2048xf32, #tpu.memory_space<vmem>> -> memref<16x2048xf32, #tpu.memory_space<vmem>>
        %dma_wait3A_1185 = arith.constant 0 : i32
        %dma_wait3A_1186 = arith.constant 0 : i32
        %dma_wait3A_1187 = tpu.memref_slice %arg2[%dma_wait3A_1185, %dma_wait3A_1186] : memref<16384x2048xf32, #tpu.memory_space<hbm>> -> memref<16384x2048xf32, #tpu.memory_space<hbm>>
        tpu.wait_indirect_dma semaphore(%arg17 : memref<!tpu.dma_semaphore, #tpu.memory_space<semaphore_mem>>) src(%dma_wait3A_1187 : memref<16384x2048xf32, #tpu.memory_space<hbm>>) dst(%dma_wait3A_1184 : memref<16x2048xf32, #tpu.memory_space<vmem>>)
        %mul3A_1188 = arith.constant 16 : i32
        %mul3A_1189 = arith.muli %add3A_1118, %mul3A_1188 : i32
        %get3A_1190 = arith.index_cast %mul3A_1189 : i32 to index
        %get3A_1191 = tpu.vector_load %arg9[%get3A_1190] {strides = array<i32>} : memref<512xi32, #tpu.memory_space<vmem>>, vector<16xi32>,
        %swap3A = arith.constant 0 : index
        %swap3A_1192 = tpu.vector_load %arg13[%swap3A] {strides = array<i32>} : memref<16xi32, #tpu.memory_space<vmem>>, vector<16xi32>,
        tpu.vector_store %arg13[%swap3A], %get3A_1191 {strides = array<i32>} : memref<16xi32, #tpu.memory_space<vmem>>, vector<16xi32>,
        %dma_start3A = arith.constant 0 : i32
        %dma_start3A_1193 = arith.constant 0 : i32
        %dma_start3A_1194 = tpu.memref_slice %arg16[%dma_start3A, %dma_start3A_1193] : memref<48x2048xf32, #tpu.memory_space<vmem>> -> memref<16x2048xf32, #tpu.memory_space<vmem>>
        %dma_start3A_1195 = arith.constant 0 : i32
        %dma_start3A_1196 = arith.constant 0 : i32
        %dma_start3A_1197 = tpu.memref_slice %arg5[%dma_start3A_1195, %dma_start3A_1196] : memref<16384x2048xf32, #tpu.memory_space<hbm>> -> memref<16384x2048xf32, #tpu.memory_space<hbm>>
        tpu.enqueue_indirect_dma source(%dma_start3A_1194 : memref<16x2048xf32, #tpu.memory_space<vmem>>) target(%dma_start3A_1197 : memref<16384x2048xf32, #tpu.memory_space<hbm>>) offsets(%arg13 : memref<16xi32, #tpu.memory_space<vmem>>) semaphore(%arg20 : memref<!tpu.dma_semaphore, #tpu.memory_space<semaphore_mem>>)
      } else {
      }
      %ge3A = arith.constant 1 : i32
      %ge3A_1123 = arith.cmpi sge, %add3A_1118, %ge3A : i32
      %sub3A_1124 = arith.constant 1 : i32
      %sub3A_1125 = arith.subi %select_n3A_831, %sub3A_1124 : i32
      %le3A = arith.cmpi sle, %add3A_1118, %sub3A_1125 : i32
      %and3A_1126 = arith.andi %ge3A_1123, %le3A : i1
      %convert_element_type3A_1127 = arith.extui %and3A_1126 : i1 to i32
      %cond3A_1128 = arith.constant 0 : i32
      %cond3A_1129 = arith.cmpi ne, %convert_element_type3A_1127, %cond3A_1128 : i32
      scf.if %cond3A_1129 {
        %dma_wait3A = arith.constant 32 : i32
        %dma_wait3A_1183 = arith.constant 0 : i32
        %dma_wait3A_1184 = tpu.memref_slice %arg16[%dma_wait3A, %dma_wait3A_1183] : memref<48x2048xf32, #tpu.memory_space<vmem>> -> memref<16x2048xf32, #tpu.memory_space<vmem>>
        %dma_wait3A_1185 = arith.constant 0 : i32
        %dma_wait3A_1186 = arith.constant 0 : i32
        %dma_wait3A_1187 = tpu.memref_slice %arg5[%dma_wait3A_1185, %dma_wait3A_1186] : memref<16384x2048xf32, #tpu.memory_space<hbm>> -> memref<16384x2048xf32, #tpu.memory_space<hbm>>
        tpu.wait_indirect_dma semaphore(%arg22 : memref<!tpu.dma_semaphore, #tpu.memory_space<semaphore_mem>>) src(%dma_wait3A_1184 : memref<16x2048xf32, #tpu.memory_space<vmem>>) dst(%dma_wait3A_1187 : memref<16384x2048xf32, #tpu.memory_space<hbm>>)
      } else {
      }
      %add3A_1130 = arith.constant 2 : i32
      %add3A_1131 = arith.addi %add3A_1118, %add3A_1130 : i32
      %lt3A_1132 = arith.cmpi slt, %add3A_1131, %select_n3A_831 : i32
      %convert_element_type3A_1133 = arith.extui %lt3A_1132 : i1 to i32
      %cond3A_1134 = arith.constant 0 : i32
      %cond3A_1135 = arith.cmpi ne, %convert_element_type3A_1133, %cond3A_1134 : i32
      scf.if %cond3A_1135 {
        %add3A_1183 = arith.constant 2 : i32
        %add3A_1184 = arith.addi %add3A_1118, %add3A_1183 : i32
        %mul3A_1185 = arith.constant 16 : i32
        %mul3A_1186 = arith.muli %add3A_1184, %mul3A_1185 : i32
        %get3A_1187 = arith.index_cast %mul3A_1186 : i32 to index
        %get3A_1188 = tpu.vector_load %arg9[%get3A_1187] {strides = array<i32>} : memref<512xi32, #tpu.memory_space<vmem>>, vector<16xi32>,
        %swap3A = arith.constant 0 : index
        %swap3A_1189 = tpu.vector_load %arg12[%swap3A] {strides = array<i32>} : memref<16xi32, #tpu.memory_space<vmem>>, vector<16xi32>,
        tpu.vector_store %arg12[%swap3A], %get3A_1188 {strides = array<i32>} : memref<16xi32, #tpu.memory_space<vmem>>, vector<16xi32>,
        %dma_start3A = arith.constant 32 : i32
        %dma_start3A_1190 = arith.constant 0 : i32
        %dma_start3A_1191 = tpu.memref_slice %arg16[%dma_start3A, %dma_start3A_1190] : memref<48x2048xf32, #tpu.memory_space<vmem>> -> memref<16x2048xf32, #tpu.memory_space<vmem>>
        %dma_start3A_1192 = arith.constant 0 : i32
        %dma_start3A_1193 = arith.constant 0 : i32
        %dma_start3A_1194 = tpu.memref_slice %arg2[%dma_start3A_1192, %dma_start3A_1193] : memref<16384x2048xf32, #tpu.memory_space<hbm>> -> memref<16384x2048xf32, #tpu.memory_space<hbm>>
        tpu.enqueue_indirect_dma source(%dma_start3A_1194 : memref<16384x2048xf32, #tpu.memory_space<hbm>>) target(%dma_start3A_1191 : memref<16x2048xf32, #tpu.memory_space<vmem>>) offsets(%arg12 : memref<16xi32, #tpu.memory_space<vmem>>) semaphore(%arg19 : memref<!tpu.dma_semaphore, #tpu.memory_space<semaphore_mem>>)
      } else {
      }
      %mul3A_1136 = arith.constant 3 : i32
      %mul3A_1137 = arith.muli %while3A_1113, %mul3A_1136 : i32
      %add3A_1138 = arith.constant 1 : i32
      %add3A_1139 = arith.addi %mul3A_1137, %add3A_1138 : i32
      %lt3A_1140 = arith.cmpi slt, %add3A_1139, %select_n3A_831 : i32
      %convert_element_type3A_1141 = arith.extui %lt3A_1140 : i1 to i32
      %cond3A_1142 = arith.constant 0 : i32
      %cond3A_1143 = arith.cmpi ne, %convert_element_type3A_1141, %cond3A_1142 : i32
      scf.if %cond3A_1143 {
        %dma_wait3A = arith.constant 16 : i32
        %dma_wait3A_1183 = arith.constant 0 : i32
        %dma_wait3A_1184 = tpu.memref_slice %arg16[%dma_wait3A, %dma_wait3A_1183] : memref<48x2048xf32, #tpu.memory_space<vmem>> -> memref<16x2048xf32, #tpu.memory_space<vmem>>
        %dma_wait3A_1185 = arith.constant 0 : i32
        %dma_wait3A_1186 = arith.constant 0 : i32
        %dma_wait3A_1187 = tpu.memref_slice %arg2[%dma_wait3A_1185, %dma_wait3A_1186] : memref<16384x2048xf32, #tpu.memory_space<hbm>> -> memref<16384x2048xf32, #tpu.memory_space<hbm>>
        tpu.wait_indirect_dma semaphore(%arg18 : memref<!tpu.dma_semaphore, #tpu.memory_space<semaphore_mem>>) src(%dma_wait3A_1187 : memref<16384x2048xf32, #tpu.memory_space<hbm>>) dst(%dma_wait3A_1184 : memref<16x2048xf32, #tpu.memory_space<vmem>>)
        %mul3A_1188 = arith.constant 16 : i32
        %mul3A_1189 = arith.muli %add3A_1139, %mul3A_1188 : i32
        %get3A_1190 = arith.index_cast %mul3A_1189 : i32 to index
        %get3A_1191 = tpu.vector_load %arg9[%get3A_1190] {strides = array<i32>} : memref<512xi32, #tpu.memory_space<vmem>>, vector<16xi32>,
        %swap3A = arith.constant 0 : index
        %swap3A_1192 = tpu.vector_load %arg14[%swap3A] {strides = array<i32>} : memref<16xi32, #tpu.memory_space<vmem>>, vector<16xi32>,
        tpu.vector_store %arg14[%swap3A], %get3A_1191 {strides = array<i32>} : memref<16xi32, #tpu.memory_space<vmem>>, vector<16xi32>,
        %dma_start3A = arith.constant 16 : i32
        %dma_start3A_1193 = arith.constant 0 : i32
        %dma_start3A_1194 = tpu.memref_slice %arg16[%dma_start3A, %dma_start3A_1193] : memref<48x2048xf32, #tpu.memory_space<vmem>> -> memref<16x2048xf32, #tpu.memory_space<vmem>>
        %dma_start3A_1195 = arith.constant 0 : i32
        %dma_start3A_1196 = arith.constant 0 : i32
        %dma_start3A_1197 = tpu.memref_slice %arg5[%dma_start3A_1195, %dma_start3A_1196] : memref<16384x2048xf32, #tpu.memory_space<hbm>> -> memref<16384x2048xf32, #tpu.memory_space<hbm>>
        tpu.enqueue_indirect_dma source(%dma_start3A_1194 : memref<16x2048xf32, #tpu.memory_space<vmem>>) target(%dma_start3A_1197 : memref<16384x2048xf32, #tpu.memory_space<hbm>>) offsets(%arg14 : memref<16xi32, #tpu.memory_space<vmem>>) semaphore(%arg21 : memref<!tpu.dma_semaphore, #tpu.memory_space<semaphore_mem>>)
      } else {
      }
      %ge3A_1144 = arith.constant 1 : i32
      %ge3A_1145 = arith.cmpi sge, %add3A_1139, %ge3A_1144 : i32
      %sub3A_1146 = arith.constant 1 : i32
      %sub3A_1147 = arith.subi %select_n3A_831, %sub3A_1146 : i32
      %le3A_1148 = arith.cmpi sle, %add3A_1139, %sub3A_1147 : i32
      %and3A_1149 = arith.andi %ge3A_1145, %le3A_1148 : i1
      %convert_element_type3A_1150 = arith.extui %and3A_1149 : i1 to i32
      %cond3A_1151 = arith.constant 0 : i32
      %cond3A_1152 = arith.cmpi ne, %convert_element_type3A_1150, %cond3A_1151 : i32
      scf.if %cond3A_1152 {
        %dma_wait3A = arith.constant 0 : i32
        %dma_wait3A_1183 = arith.constant 0 : i32
        %dma_wait3A_1184 = tpu.memref_slice %arg16[%dma_wait3A, %dma_wait3A_1183] : memref<48x2048xf32, #tpu.memory_space<vmem>> -> memref<16x2048xf32, #tpu.memory_space<vmem>>
        %dma_wait3A_1185 = arith.constant 0 : i32
        %dma_wait3A_1186 = arith.constant 0 : i32
        %dma_wait3A_1187 = tpu.memref_slice %arg5[%dma_wait3A_1185, %dma_wait3A_1186] : memref<16384x2048xf32, #tpu.memory_space<hbm>> -> memref<16384x2048xf32, #tpu.memory_space<hbm>>
        tpu.wait_indirect_dma semaphore(%arg20 : memref<!tpu.dma_semaphore, #tpu.memory_space<semaphore_mem>>) src(%dma_wait3A_1184 : memref<16x2048xf32, #tpu.memory_space<vmem>>) dst(%dma_wait3A_1187 : memref<16384x2048xf32, #tpu.memory_space<hbm>>)
      } else {
      }
      %add3A_1153 = arith.constant 2 : i32
      %add3A_1154 = arith.addi %add3A_1139, %add3A_1153 : i32
      %lt3A_1155 = arith.cmpi slt, %add3A_1154, %select_n3A_831 : i32
      %convert_element_type3A_1156 = arith.extui %lt3A_1155 : i1 to i32
      %cond3A_1157 = arith.constant 0 : i32
      %cond3A_1158 = arith.cmpi ne, %convert_element_type3A_1156, %cond3A_1157 : i32
      scf.if %cond3A_1158 {
        %add3A_1183 = arith.constant 2 : i32
        %add3A_1184 = arith.addi %add3A_1139, %add3A_1183 : i32
        %mul3A_1185 = arith.constant 16 : i32
        %mul3A_1186 = arith.muli %add3A_1184, %mul3A_1185 : i32
        %get3A_1187 = arith.index_cast %mul3A_1186 : i32 to index
        %get3A_1188 = tpu.vector_load %arg9[%get3A_1187] {strides = array<i32>} : memref<512xi32, #tpu.memory_space<vmem>>, vector<16xi32>,
        %swap3A = arith.constant 0 : index
        %swap3A_1189 = tpu.vector_load %arg10[%swap3A] {strides = array<i32>} : memref<16xi32, #tpu.memory_space<vmem>>, vector<16xi32>,
        tpu.vector_store %arg10[%swap3A], %get3A_1188 {strides = array<i32>} : memref<16xi32, #tpu.memory_space<vmem>>, vector<16xi32>,
        %dma_start3A = arith.constant 0 : i32
        %dma_start3A_1190 = arith.constant 0 : i32
        %dma_start3A_1191 = tpu.memref_slice %arg16[%dma_start3A, %dma_start3A_1190] : memref<48x2048xf32, #tpu.memory_space<vmem>> -> memref<16x2048xf32, #tpu.memory_space<vmem>>
        %dma_start3A_1192 = arith.constant 0 : i32
        %dma_start3A_1193 = arith.constant 0 : i32
        %dma_start3A_1194 = tpu.memref_slice %arg2[%dma_start3A_1192, %dma_start3A_1193] : memref<16384x2048xf32, #tpu.memory_space<hbm>> -> memref<16384x2048xf32, #tpu.memory_space<hbm>>
        tpu.enqueue_indirect_dma source(%dma_start3A_1194 : memref<16384x2048xf32, #tpu.memory_space<hbm>>) target(%dma_start3A_1191 : memref<16x2048xf32, #tpu.memory_space<vmem>>) offsets(%arg10 : memref<16xi32, #tpu.memory_space<vmem>>) semaphore(%arg17 : memref<!tpu.dma_semaphore, #tpu.memory_space<semaphore_mem>>)
      } else {
      }
      %mul3A_1159 = arith.constant 3 : i32
      %mul3A_1160 = arith.muli %while3A_1113, %mul3A_1159 : i32
      %add3A_1161 = arith.constant 2 : i32
      %add3A_1162 = arith.addi %mul3A_1160, %add3A_1161 : i32
      %lt3A_1163 = arith.cmpi slt, %add3A_1162, %select_n3A_831 : i32
      %convert_element_type3A_1164 = arith.extui %lt3A_1163 : i1 to i32
      %cond3A_1165 = arith.constant 0 : i32
      %cond3A_1166 = arith.cmpi ne, %convert_element_type3A_1164, %cond3A_1165 : i32
      scf.if %cond3A_1166 {
        %dma_wait3A = arith.constant 32 : i32
        %dma_wait3A_1183 = arith.constant 0 : i32
        %dma_wait3A_1184 = tpu.memref_slice %arg16[%dma_wait3A, %dma_wait3A_1183] : memref<48x2048xf32, #tpu.memory_space<vmem>> -> memref<16x2048xf32, #tpu.memory_space<vmem>>
        %dma_wait3A_1185 = arith.constant 0 : i32
        %dma_wait3A_1186 = arith.constant 0 : i32
        %dma_wait3A_1187 = tpu.memref_slice %arg2[%dma_wait3A_1185, %dma_wait3A_1186] : memref<16384x2048xf32, #tpu.memory_space<hbm>> -> memref<16384x2048xf32, #tpu.memory_space<hbm>>
        tpu.wait_indirect_dma semaphore(%arg19 : memref<!tpu.dma_semaphore, #tpu.memory_space<semaphore_mem>>) src(%dma_wait3A_1187 : memref<16384x2048xf32, #tpu.memory_space<hbm>>) dst(%dma_wait3A_1184 : memref<16x2048xf32, #tpu.memory_space<vmem>>)
        %mul3A_1188 = arith.constant 16 : i32
        %mul3A_1189 = arith.muli %add3A_1162, %mul3A_1188 : i32
        %get3A_1190 = arith.index_cast %mul3A_1189 : i32 to index
        %get3A_1191 = tpu.vector_load %arg9[%get3A_1190] {strides = array<i32>} : memref<512xi32, #tpu.memory_space<vmem>>, vector<16xi32>,
        %swap3A = arith.constant 0 : index
        %swap3A_1192 = tpu.vector_load %arg15[%swap3A] {strides = array<i32>} : memref<16xi32, #tpu.memory_space<vmem>>, vector<16xi32>,
        tpu.vector_store %arg15[%swap3A], %get3A_1191 {strides = array<i32>} : memref<16xi32, #tpu.memory_space<vmem>>, vector<16xi32>,
        %dma_start3A = arith.constant 32 : i32
        %dma_start3A_1193 = arith.constant 0 : i32
        %dma_start3A_1194 = tpu.memref_slice %arg16[%dma_start3A, %dma_start3A_1193] : memref<48x2048xf32, #tpu.memory_space<vmem>> -> memref<16x2048xf32, #tpu.memory_space<vmem>>
        %dma_start3A_1195 = arith.constant 0 : i32
        %dma_start3A_1196 = arith.constant 0 : i32
        %dma_start3A_1197 = tpu.memref_slice %arg5[%dma_start3A_1195, %dma_start3A_1196] : memref<16384x2048xf32, #tpu.memory_space<hbm>> -> memref<16384x2048xf32, #tpu.memory_space<hbm>>
        tpu.enqueue_indirect_dma source(%dma_start3A_1194 : memref<16x2048xf32, #tpu.memory_space<vmem>>) target(%dma_start3A_1197 : memref<16384x2048xf32, #tpu.memory_space<hbm>>) offsets(%arg15 : memref<16xi32, #tpu.memory_space<vmem>>) semaphore(%arg22 : memref<!tpu.dma_semaphore, #tpu.memory_space<semaphore_mem>>)
      } else {
      }
      %ge3A_1167 = arith.constant 1 : i32
      %ge3A_1168 = arith.cmpi sge, %add3A_1162, %ge3A_1167 : i32
      %sub3A_1169 = arith.constant 1 : i32
      %sub3A_1170 = arith.subi %select_n3A_831, %sub3A_1169 : i32
      %le3A_1171 = arith.cmpi sle, %add3A_1162, %sub3A_1170 : i32
      %and3A_1172 = arith.andi %ge3A_1168, %le3A_1171 : i1
      %convert_element_type3A_1173 = arith.extui %and3A_1172 : i1 to i32
      %cond3A_1174 = arith.constant 0 : i32
      %cond3A_1175 = arith.cmpi ne, %convert_element_type3A_1173, %cond3A_1174 : i32
      scf.if %cond3A_1175 {
        %dma_wait3A = arith.constant 16 : i32
        %dma_wait3A_1183 = arith.constant 0 : i32
        %dma_wait3A_1184 = tpu.memref_slice %arg16[%dma_wait3A, %dma_wait3A_1183] : memref<48x2048xf32, #tpu.memory_space<vmem>> -> memref<16x2048xf32, #tpu.memory_space<vmem>>
        %dma_wait3A_1185 = arith.constant 0 : i32
        %dma_wait3A_1186 = arith.constant 0 : i32
        %dma_wait3A_1187 = tpu.memref_slice %arg5[%dma_wait3A_1185, %dma_wait3A_1186] : memref<16384x2048xf32, #tpu.memory_space<hbm>> -> memref<16384x2048xf32, #tpu.memory_space<hbm>>
        tpu.wait_indirect_dma semaphore(%arg21 : memref<!tpu.dma_semaphore, #tpu.memory_space<semaphore_mem>>) src(%dma_wait3A_1184 : memref<16x2048xf32, #tpu.memory_space<vmem>>) dst(%dma_wait3A_1187 : memref<16384x2048xf32, #tpu.memory_space<hbm>>)
      } else {
      }
      %add3A_1176 = arith.constant 2 : i32
      %add3A_1177 = arith.addi %add3A_1162, %add3A_1176 : i32
      %lt3A_1178 = arith.cmpi slt, %add3A_1177, %select_n3A_831 : i32
      %convert_element_type3A_1179 = arith.extui %lt3A_1178 : i1 to i32
      %cond3A_1180 = arith.constant 0 : i32
      %cond3A_1181 = arith.cmpi ne, %convert_element_type3A_1179, %cond3A_1180 : i32
      scf.if %cond3A_1181 {
        %add3A_1183 = arith.constant 2 : i32
        %add3A_1184 = arith.addi %add3A_1162, %add3A_1183 : i32
        %mul3A_1185 = arith.constant 16 : i32
        %mul3A_1186 = arith.muli %add3A_1184, %mul3A_1185 : i32
        %get3A_1187 = arith.index_cast %mul3A_1186 : i32 to index
        %get3A_1188 = tpu.vector_load %arg9[%get3A_1187] {strides = array<i32>} : memref<512xi32, #tpu.memory_space<vmem>>, vector<16xi32>,
        %swap3A = arith.constant 0 : index
        %swap3A_1189 = tpu.vector_load %arg11[%swap3A] {strides = array<i32>} : memref<16xi32, #tpu.memory_space<vmem>>, vector<16xi32>,
        tpu.vector_store %arg11[%swap3A], %get3A_1188 {strides = array<i32>} : memref<16xi32, #tpu.memory_space<vmem>>, vector<16xi32>,
        %dma_start3A = arith.constant 16 : i32
        %dma_start3A_1190 = arith.constant 0 : i32
        %dma_start3A_1191 = tpu.memref_slice %arg16[%dma_start3A, %dma_start3A_1190] : memref<48x2048xf32, #tpu.memory_space<vmem>> -> memref<16x2048xf32, #tpu.memory_space<vmem>>
        %dma_start3A_1192 = arith.constant 0 : i32
        %dma_start3A_1193 = arith.constant 0 : i32
        %dma_start3A_1194 = tpu.memref_slice %arg2[%dma_start3A_1192, %dma_start3A_1193] : memref<16384x2048xf32, #tpu.memory_space<hbm>> -> memref<16384x2048xf32, #tpu.memory_space<hbm>>
        tpu.enqueue_indirect_dma source(%dma_start3A_1194 : memref<16384x2048xf32, #tpu.memory_space<hbm>>) target(%dma_start3A_1191 : memref<16x2048xf32, #tpu.memory_space<vmem>>) offsets(%arg11 : memref<16xi32, #tpu.memory_space<vmem>>) semaphore(%arg18 : memref<!tpu.dma_semaphore, #tpu.memory_space<semaphore_mem>>)
      } else {
      }
      %while3A_1182 = arith.constant 0 : i32
      scf.yield %while3A_1182 : i32
    }
    %while3A_879 = arith.constant 1 : i32
    %while3A_880 = scf.for %while3A_1113 = %while3A_876 to %while3A_872 step %while3A_879 iter_args(%while3A_1114 = %while3A_878) -> (i32)  : i32 {
      %mul3A_1115 = arith.constant 3 : i32
      %mul3A_1116 = arith.muli %while3A_1113, %mul3A_1115 : i32
      %add3A_1117 = arith.constant 0 : i32
      %add3A_1118 = arith.addi %mul3A_1116, %add3A_1117 : i32
      %lt3A_1119 = arith.cmpi slt, %add3A_1118, %select_n3A_831 : i32
      %convert_element_type3A_1120 = arith.extui %lt3A_1119 : i1 to i32
      %cond3A_1121 = arith.constant 0 : i32
      %cond3A_1122 = arith.cmpi ne, %convert_element_type3A_1120, %cond3A_1121 : i32
      scf.if %cond3A_1122 {
        %dma_wait3A = arith.constant 0 : i32
        %dma_wait3A_1183 = arith.constant 0 : i32
        %dma_wait3A_1184 = tpu.memref_slice %arg16[%dma_wait3A, %dma_wait3A_1183] : memref<48x2048xf32, #tpu.memory_space<vmem>> -> memref<16x2048xf32, #tpu.memory_space<vmem>>
        %dma_wait3A_1185 = arith.constant 0 : i32
        %dma_wait3A_1186 = arith.constant 0 : i32
        %dma_wait3A_1187 = tpu.memref_slice %arg2[%dma_wait3A_1185, %dma_wait3A_1186] : memref<16384x2048xf32, #tpu.memory_space<hbm>> -> memref<16384x2048xf32, #tpu.memory_space<hbm>>
        tpu.wait_indirect_dma semaphore(%arg17 : memref<!tpu.dma_semaphore, #tpu.memory_space<semaphore_mem>>) src(%dma_wait3A_1187 : memref<16384x2048xf32, #tpu.memory_space<hbm>>) dst(%dma_wait3A_1184 : memref<16x2048xf32, #tpu.memory_space<vmem>>)
        %mul3A_1188 = arith.constant 16 : i32
        %mul3A_1189 = arith.muli %add3A_1118, %mul3A_1188 : i32
        %get3A_1190 = arith.index_cast %mul3A_1189 : i32 to index
        %get3A_1191 = tpu.vector_load %arg9[%get3A_1190] {strides = array<i32>} : memref<512xi32, #tpu.memory_space<vmem>>, vector<16xi32>,
        %swap3A = arith.constant 0 : index
        %swap3A_1192 = tpu.vector_load %arg13[%swap3A] {strides = array<i32>} : memref<16xi32, #tpu.memory_space<vmem>>, vector<16xi32>,
        tpu.vector_store %arg13[%swap3A], %get3A_1191 {strides = array<i32>} : memref<16xi32, #tpu.memory_space<vmem>>, vector<16xi32>,
        %dma_start3A = arith.constant 0 : i32
        %dma_start3A_1193 = arith.constant 0 : i32
        %dma_start3A_1194 = tpu.memref_slice %arg16[%dma_start3A, %dma_start3A_1193] : memref<48x2048xf32, #tpu.memory_space<vmem>> -> memref<16x2048xf32, #tpu.memory_space<vmem>>
        %dma_start3A_1195 = arith.constant 0 : i32
        %dma_start3A_1196 = arith.constant 0 : i32
        %dma_start3A_1197 = tpu.memref_slice %arg5[%dma_start3A_1195, %dma_start3A_1196] : memref<16384x2048xf32, #tpu.memory_space<hbm>> -> memref<16384x2048xf32, #tpu.memory_space<hbm>>
        tpu.enqueue_indirect_dma source(%dma_start3A_1194 : memref<16x2048xf32, #tpu.memory_space<vmem>>) target(%dma_start3A_1197 : memref<16384x2048xf32, #tpu.memory_space<hbm>>) offsets(%arg13 : memref<16xi32, #tpu.memory_space<vmem>>) semaphore(%arg20 : memref<!tpu.dma_semaphore, #tpu.memory_space<semaphore_mem>>)
      } else {
      }
      %ge3A = arith.constant 1 : i32
      %ge3A_1123 = arith.cmpi sge, %add3A_1118, %ge3A : i32
      %sub3A_1124 = arith.constant 1 : i32
      %sub3A_1125 = arith.subi %select_n3A_831, %sub3A_1124 : i32
      %le3A = arith.cmpi sle, %add3A_1118, %sub3A_1125 : i32
      %and3A_1126 = arith.andi %ge3A_1123, %le3A : i1
      %convert_element_type3A_1127 = arith.extui %and3A_1126 : i1 to i32
      %cond3A_1128 = arith.constant 0 : i32
      %cond3A_1129 = arith.cmpi ne, %convert_element_type3A_1127, %cond3A_1128 : i32
      scf.if %cond3A_1129 {
        %dma_wait3A = arith.constant 32 : i32
        %dma_wait3A_1183 = arith.constant 0 : i32
        %dma_wait3A_1184 = tpu.memref_slice %arg16[%dma_wait3A, %dma_wait3A_1183] : memref<48x2048xf32, #tpu.memory_space<vmem>> -> memref<16x2048xf32, #tpu.memory_space<vmem>>
        %dma_wait3A_1185 = arith.constant 0 : i32
        %dma_wait3A_1186 = arith.constant 0 : i32
        %dma_wait3A_1187 = tpu.memref_slice %arg5[%dma_wait3A_1185, %dma_wait3A_1186] : memref<16384x2048xf32, #tpu.memory_space<hbm>> -> memref<16384x2048xf32, #tpu.memory_space<hbm>>
        tpu.wait_indirect_dma semaphore(%arg22 : memref<!tpu.dma_semaphore, #tpu.memory_space<semaphore_mem>>) src(%dma_wait3A_1184 : memref<16x2048xf32, #tpu.memory_space<vmem>>) dst(%dma_wait3A_1187 : memref<16384x2048xf32, #tpu.memory_space<hbm>>)
      } else {
      }
      %add3A_1130 = arith.constant 2 : i32
      %add3A_1131 = arith.addi %add3A_1118, %add3A_1130 : i32
      %lt3A_1132 = arith.cmpi slt, %add3A_1131, %select_n3A_831 : i32
      %convert_element_type3A_1133 = arith.extui %lt3A_1132 : i1 to i32
      %cond3A_1134 = arith.constant 0 : i32
      %cond3A_1135 = arith.cmpi ne, %convert_element_type3A_1133, %cond3A_1134 : i32
      scf.if %cond3A_1135 {
        %add3A_1183 = arith.constant 2 : i32
        %add3A_1184 = arith.addi %add3A_1118, %add3A_1183 : i32
        %mul3A_1185 = arith.constant 16 : i32
        %mul3A_1186 = arith.muli %add3A_1184, %mul3A_1185 : i32
        %get3A_1187 = arith.index_cast %mul3A_1186 : i32 to index
        %get3A_1188 = tpu.vector_load %arg9[%get3A_1187] {strides = array<i32>} : memref<512xi32, #tpu.memory_space<vmem>>, vector<16xi32>,
        %swap3A = arith.constant 0 : index
        %swap3A_1189 = tpu.vector_load %arg12[%swap3A] {strides = array<i32>} : memref<16xi32, #tpu.memory_space<vmem>>, vector<16xi32>,
        tpu.vector_store %arg12[%swap3A], %get3A_1188 {strides = array<i32>} : memref<16xi32, #tpu.memory_space<vmem>>, vector<16xi32>,
        %dma_start3A = arith.constant 32 : i32
        %dma_start3A_1190 = arith.constant 0 : i32
        %dma_start3A_1191 = tpu.memref_slice %arg16[%dma_start3A, %dma_start3A_1190] : memref<48x2048xf32, #tpu.memory_space<vmem>> -> memref<16x2048xf32, #tpu.memory_space<vmem>>
        %dma_start3A_1192 = arith.constant 0 : i32
        %dma_start3A_1193 = arith.constant 0 : i32
        %dma_start3A_1194 = tpu.memref_slice %arg2[%dma_start3A_1192, %dma_start3A_1193] : memref<16384x2048xf32, #tpu.memory_space<hbm>> -> memref<16384x2048xf32, #tpu.memory_space<hbm>>
        tpu.enqueue_indirect_dma source(%dma_start3A_1194 : memref<16384x2048xf32, #tpu.memory_space<hbm>>) target(%dma_start3A_1191 : memref<16x2048xf32, #tpu.memory_space<vmem>>) offsets(%arg12 : memref<16xi32, #tpu.memory_space<vmem>>) semaphore(%arg19 : memref<!tpu.dma_semaphore, #tpu.memory_space<semaphore_mem>>)
      } else {
      }
      %mul3A_1136 = arith.constant 3 : i32
      %mul3A_1137 = arith.muli %while3A_1113, %mul3A_1136 : i32
      %add3A_1138 = arith.constant 1 : i32
      %add3A_1139 = arith.addi %mul3A_1137, %add3A_1138 : i32
      %lt3A_1140 = arith.cmpi slt, %add3A_1139, %select_n3A_831 : i32
      %convert_element_type3A_1141 = arith.extui %lt3A_1140 : i1 to i32
      %cond3A_1142 = arith.constant 0 : i32
      %cond3A_1143 = arith.cmpi ne, %convert_element_type3A_1141, %cond3A_1142 : i32
      scf.if %cond3A_1143 {
        %dma_wait3A = arith.constant 16 : i32
        %dma_wait3A_1183 = arith.constant 0 : i32
        %dma_wait3A_1184 = tpu.memref_slice %arg16[%dma_wait3A, %dma_wait3A_1183] : memref<48x2048xf32, #tpu.memory_space<vmem>> -> memref<16x2048xf32, #tpu.memory_space<vmem>>
        %dma_wait3A_1185 = arith.constant 0 : i32
        %dma_wait3A_1186 = arith.constant 0 : i32
        %dma_wait3A_1187 = tpu.memref_slice %arg2[%dma_wait3A_1185, %dma_wait3A_1186] : memref<16384x2048xf32, #tpu.memory_space<hbm>> -> memref<16384x2048xf32, #tpu.memory_space<hbm>>
        tpu.wait_indirect_dma semaphore(%arg18 : memref<!tpu.dma_semaphore, #tpu.memory_space<semaphore_mem>>) src(%dma_wait3A_1187 : memref<16384x2048xf32, #tpu.memory_space<hbm>>) dst(%dma_wait3A_1184 : memref<16x2048xf32, #tpu.memory_space<vmem>>)
        %mul3A_1188 = arith.constant 16 : i32
        %mul3A_1189 = arith.muli %add3A_1139, %mul3A_1188 : i32
        %get3A_1190 = arith.index_cast %mul3A_1189 : i32 to index
        %get3A_1191 = tpu.vector_load %arg9[%get3A_1190] {strides = array<i32>} : memref<512xi32, #tpu.memory_space<vmem>>, vector<16xi32>,
        %swap3A = arith.constant 0 : index
        %swap3A_1192 = tpu.vector_load %arg14[%swap3A] {strides = array<i32>} : memref<16xi32, #tpu.memory_space<vmem>>, vector<16xi32>,
        tpu.vector_store %arg14[%swap3A], %get3A_1191 {strides = array<i32>} : memref<16xi32, #tpu.memory_space<vmem>>, vector<16xi32>,
        %dma_start3A = arith.constant 16 : i32
        %dma_start3A_1193 = arith.constant 0 : i32
        %dma_start3A_1194 = tpu.memref_slice %arg16[%dma_start3A, %dma_start3A_1193] : memref<48x2048xf32, #tpu.memory_space<vmem>> -> memref<16x2048xf32, #tpu.memory_space<vmem>>
        %dma_start3A_1195 = arith.constant 0 : i32
        %dma_start3A_1196 = arith.constant 0 : i32
        %dma_start3A_1197 = tpu.memref_slice %arg5[%dma_start3A_1195, %dma_start3A_1196] : memref<16384x2048xf32, #tpu.memory_space<hbm>> -> memref<16384x2048xf32, #tpu.memory_space<hbm>>
        tpu.enqueue_indirect_dma source(%dma_start3A_1194 : memref<16x2048xf32, #tpu.memory_space<vmem>>) target(%dma_start3A_1197 : memref<16384x2048xf32, #tpu.memory_space<hbm>>) offsets(%arg14 : memref<16xi32, #tpu.memory_space<vmem>>) semaphore(%arg21 : memref<!tpu.dma_semaphore, #tpu.memory_space<semaphore_mem>>)
      } else {
      }
      %ge3A_1144 = arith.constant 1 : i32
      %ge3A_1145 = arith.cmpi sge, %add3A_1139, %ge3A_1144 : i32
      %sub3A_1146 = arith.constant 1 : i32
      %sub3A_1147 = arith.subi %select_n3A_831, %sub3A_1146 : i32
      %le3A_1148 = arith.cmpi sle, %add3A_1139, %sub3A_1147 : i32
      %and3A_1149 = arith.andi %ge3A_1145, %le3A_1148 : i1
      %convert_element_type3A_1150 = arith.extui %and3A_1149 : i1 to i32
      %cond3A_1151 = arith.constant 0 : i32
      %cond3A_1152 = arith.cmpi ne, %convert_element_type3A_1150, %cond3A_1151 : i32
      scf.if %cond3A_1152 {
        %dma_wait3A = arith.constant 0 : i32
        %dma_wait3A_1183 = arith.constant 0 : i32
        %dma_wait3A_1184 = tpu.memref_slice %arg16[%dma_wait3A, %dma_wait3A_1183] : memref<48x2048xf32, #tpu.memory_space<vmem>> -> memref<16x2048xf32, #tpu.memory_space<vmem>>
        %dma_wait3A_1185 = arith.constant 0 : i32
        %dma_wait3A_1186 = arith.constant 0 : i32
        %dma_wait3A_1187 = tpu.memref_slice %arg5[%dma_wait3A_1185, %dma_wait3A_1186] : memref<16384x2048xf32, #tpu.memory_space<hbm>> -> memref<16384x2048xf32, #tpu.memory_space<hbm>>
        tpu.wait_indirect_dma semaphore(%arg20 : memref<!tpu.dma_semaphore, #tpu.memory_space<semaphore_mem>>) src(%dma_wait3A_1184 : memref<16x2048xf32, #tpu.memory_space<vmem>>) dst(%dma_wait3A_1187 : memref<16384x2048xf32, #tpu.memory_space<hbm>>)
      } else {
      }
      %add3A_1153 = arith.constant 2 : i32
      %add3A_1154 = arith.addi %add3A_1139, %add3A_1153 : i32
      %lt3A_1155 = arith.cmpi slt, %add3A_1154, %select_n3A_831 : i32
      %convert_element_type3A_1156 = arith.extui %lt3A_1155 : i1 to i32
      %cond3A_1157 = arith.constant 0 : i32
      %cond3A_1158 = arith.cmpi ne, %convert_element_type3A_1156, %cond3A_1157 : i32
      scf.if %cond3A_1158 {
        %add3A_1183 = arith.constant 2 : i32
        %add3A_1184 = arith.addi %add3A_1139, %add3A_1183 : i32
        %mul3A_1185 = arith.constant 16 : i32
        %mul3A_1186 = arith.muli %add3A_1184, %mul3A_1185 : i32
        %get3A_1187 = arith.index_cast %mul3A_1186 : i32 to index
        %get3A_1188 = tpu.vector_load %arg9[%get3A_1187] {strides = array<i32>} : memref<512xi32, #tpu.memory_space<vmem>>, vector<16xi32>,
        %swap3A = arith.constant 0 : index
        %swap3A_1189 = tpu.vector_load %arg10[%swap3A] {strides = array<i32>} : memref<16xi32, #tpu.memory_space<vmem>>, vector<16xi32>,
        tpu.vector_store %arg10[%swap3A], %get3A_1188 {strides = array<i32>} : memref<16xi32, #tpu.memory_space<vmem>>, vector<16xi32>,
        %dma_start3A = arith.constant 0 : i32
        %dma_start3A_1190 = arith.constant 0 : i32
        %dma_start3A_1191 = tpu.memref_slice %arg16[%dma_start3A, %dma_start3A_1190] : memref<48x2048xf32, #tpu.memory_space<vmem>> -> memref<16x2048xf32, #tpu.memory_space<vmem>>
        %dma_start3A_1192 = arith.constant 0 : i32
        %dma_start3A_1193 = arith.constant 0 : i32
        %dma_start3A_1194 = tpu.memref_slice %arg2[%dma_start3A_1192, %dma_start3A_1193] : memref<16384x2048xf32, #tpu.memory_space<hbm>> -> memref<16384x2048xf32, #tpu.memory_space<hbm>>
        tpu.enqueue_indirect_dma source(%dma_start3A_1194 : memref<16384x2048xf32, #tpu.memory_space<hbm>>) target(%dma_start3A_1191 : memref<16x2048xf32, #tpu.memory_space<vmem>>) offsets(%arg10 : memref<16xi32, #tpu.memory_space<vmem>>) semaphore(%arg17 : memref<!tpu.dma_semaphore, #tpu.memory_space<semaphore_mem>>)
      } else {
      }
      %mul3A_1159 = arith.constant 3 : i32
      %mul3A_1160 = arith.muli %while3A_1113, %mul3A_1159 : i32
      %add3A_1161 = arith.constant 2 : i32
      %add3A_1162 = arith.addi %mul3A_1160, %add3A_1161 : i32
      %lt3A_1163 = arith.cmpi slt, %add3A_1162, %select_n3A_831 : i32
      %convert_element_type3A_1164 = arith.extui %lt3A_1163 : i1 to i32
      %cond3A_1165 = arith.constant 0 : i32
      %cond3A_1166 = arith.cmpi ne, %convert_element_type3A_1164, %cond3A_1165 : i32
      scf.if %cond3A_1166 {
        %dma_wait3A = arith.constant 32 : i32
        %dma_wait3A_1183 = arith.constant 0 : i32
        %dma_wait3A_1184 = tpu.memref_slice %arg16[%dma_wait3A, %dma_wait3A_1183] : memref<48x2048xf32, #tpu.memory_space<vmem>> -> memref<16x2048xf32, #tpu.memory_space<vmem>>
        %dma_wait3A_1185 = arith.constant 0 : i32
        %dma_wait3A_1186 = arith.constant 0 : i32
        %dma_wait3A_1187 = tpu.memref_slice %arg2[%dma_wait3A_1185, %dma_wait3A_1186] : memref<16384x2048xf32, #tpu.memory_space<hbm>> -> memref<16384x2048xf32, #tpu.memory_space<hbm>>
        tpu.wait_indirect_dma semaphore(%arg19 : memref<!tpu.dma_semaphore, #tpu.memory_space<semaphore_mem>>) src(%dma_wait3A_1187 : memref<16384x2048xf32, #tpu.memory_space<hbm>>) dst(%dma_wait3A_1184 : memref<16x2048xf32, #tpu.memory_space<vmem>>)
        %mul3A_1188 = arith.constant 16 : i32
        %mul3A_1189 = arith.muli %add3A_1162, %mul3A_1188 : i32
        %get3A_1190 = arith.index_cast %mul3A_1189 : i32 to index
        %get3A_1191 = tpu.vector_load %arg9[%get3A_1190] {strides = array<i32>} : memref<512xi32, #tpu.memory_space<vmem>>, vector<16xi32>,
        %swap3A = arith.constant 0 : index
        %swap3A_1192 = tpu.vector_load %arg15[%swap3A] {strides = array<i32>} : memref<16xi32, #tpu.memory_space<vmem>>, vector<16xi32>,
        tpu.vector_store %arg15[%swap3A], %get3A_1191 {strides = array<i32>} : memref<16xi32, #tpu.memory_space<vmem>>, vector<16xi32>,
        %dma_start3A = arith.constant 32 : i32
        %dma_start3A_1193 = arith.constant 0 : i32
        %dma_start3A_1194 = tpu.memref_slice %arg16[%dma_start3A, %dma_start3A_1193] : memref<48x2048xf32, #tpu.memory_space<vmem>> -> memref<16x2048xf32, #tpu.memory_space<vmem>>
        %dma_start3A_1195 = arith.constant 0 : i32
        %dma_start3A_1196 = arith.constant 0 : i32
        %dma_start3A_1197 = tpu.memref_slice %arg5[%dma_start3A_1195, %dma_start3A_1196] : memref<16384x2048xf32, #tpu.memory_space<hbm>> -> memref<16384x2048xf32, #tpu.memory_space<hbm>>
        tpu.enqueue_indirect_dma source(%dma_start3A_1194 : memref<16x2048xf32, #tpu.memory_space<vmem>>) target(%dma_start3A_1197 : memref<16384x2048xf32, #tpu.memory_space<hbm>>) offsets(%arg15 : memref<16xi32, #tpu.memory_space<vmem>>) semaphore(%arg22 : memref<!tpu.dma_semaphore, #tpu.memory_space<semaphore_mem>>)
      } else {
      }
      %ge3A_1167 = arith.constant 1 : i32
      %ge3A_1168 = arith.cmpi sge, %add3A_1162, %ge3A_1167 : i32
      %sub3A_1169 = arith.constant 1 : i32
      %sub3A_1170 = arith.subi %select_n3A_831, %sub3A_1169 : i32
      %le3A_1171 = arith.cmpi sle, %add3A_1162, %sub3A_1170 : i32
      %and3A_1172 = arith.andi %ge3A_1168, %le3A_1171 : i1
      %convert_element_type3A_1173 = arith.extui %and3A_1172 : i1 to i32
      %cond3A_1174 = arith.constant 0 : i32
      %cond3A_1175 = arith.cmpi ne, %convert_element_type3A_1173, %cond3A_1174 : i32
      scf.if %cond3A_1175 {
        %dma_wait3A = arith.constant 16 : i32
        %dma_wait3A_1183 = arith.constant 0 : i32
        %dma_wait3A_1184 = tpu.memref_slice %arg16[%dma_wait3A, %dma_wait3A_1183] : memref<48x2048xf32, #tpu.memory_space<vmem>> -> memref<16x2048xf32, #tpu.memory_space<vmem>>
        %dma_wait3A_1185 = arith.constant 0 : i32
        %dma_wait3A_1186 = arith.constant 0 : i32
        %dma_wait3A_1187 = tpu.memref_slice %arg5[%dma_wait3A_1185, %dma_wait3A_1186] : memref<16384x2048xf32, #tpu.memory_space<hbm>> -> memref<16384x2048xf32, #tpu.memory_space<hbm>>
        tpu.wait_indirect_dma semaphore(%arg21 : memref<!tpu.dma_semaphore, #tpu.memory_space<semaphore_mem>>) src(%dma_wait3A_1184 : memref<16x2048xf32, #tpu.memory_space<vmem>>) dst(%dma_wait3A_1187 : memref<16384x2048xf32, #tpu.memory_space<hbm>>)
      } else {
      }
      %add3A_1176 = arith.constant 2 : i32
      %add3A_1177 = arith.addi %add3A_1162, %add3A_1176 : i32
      %lt3A_1178 = arith.cmpi slt, %add3A_1177, %select_n3A_831 : i32
      %convert_element_type3A_1179 = arith.extui %lt3A_1178 : i1 to i32
      %cond3A_1180 = arith.constant 0 : i32
      %cond3A_1181 = arith.cmpi ne, %convert_element_type3A_1179, %cond3A_1180 : i32
      scf.if %cond3A_1181 {
        %add3A_1183 = arith.constant 2 : i32
        %add3A_1184 = arith.addi %add3A_1162, %add3A_1183 : i32
        %mul3A_1185 = arith.constant 16 : i32
        %mul3A_1186 = arith.muli %add3A_1184, %mul3A_1185 : i32
        %get3A_1187 = arith.index_cast %mul3A_1186 : i32 to index
        %get3A_1188 = tpu.vector_load %arg9[%get3A_1187] {strides = array<i32>} : memref<512xi32, #tpu.memory_space<vmem>>, vector<16xi32>,
        %swap3A = arith.constant 0 : index
        %swap3A_1189 = tpu.vector_load %arg11[%swap3A] {strides = array<i32>} : memref<16xi32, #tpu.memory_space<vmem>>, vector<16xi32>,
        tpu.vector_store %arg11[%swap3A], %get3A_1188 {strides = array<i32>} : memref<16xi32, #tpu.memory_space<vmem>>, vector<16xi32>,
        %dma_start3A = arith.constant 16 : i32
        %dma_start3A_1190 = arith.constant 0 : i32
        %dma_start3A_1191 = tpu.memref_slice %arg16[%dma_start3A, %dma_start3A_1190] : memref<48x2048xf32, #tpu.memory_space<vmem>> -> memref<16x2048xf32, #tpu.memory_space<vmem>>
        %dma_start3A_1192 = arith.constant 0 : i32
        %dma_start3A_1193 = arith.constant 0 : i32
        %dma_start3A_1194 = tpu.memref_slice %arg2[%dma_start3A_1192, %dma_start3A_1193] : memref<16384x2048xf32, #tpu.memory_space<hbm>> -> memref<16384x2048xf32, #tpu.memory_space<hbm>>
        tpu.enqueue_indirect_dma source(%dma_start3A_1194 : memref<16384x2048xf32, #tpu.memory_space<hbm>>) target(%dma_start3A_1191 : memref<16x2048xf32, #tpu.memory_space<vmem>>) offsets(%arg11 : memref<16xi32, #tpu.memory_space<vmem>>) semaphore(%arg18 : memref<!tpu.dma_semaphore, #tpu.memory_space<semaphore_mem>>)
      } else {
      }
      %while3A_1182 = arith.constant 0 : i32
      scf.yield %while3A_1182 : i32
    }
    %gt3A_881 = arith.constant 0 : i32
    %gt3A_882 = arith.cmpi sgt, %select_n3A_831, %gt3A_881 : i32
    %sub3A_883 = arith.constant 1 : i32
    %sub3A_884 = arith.subi %select_n3A_831, %sub3A_883 : i32
    %jit3A_885 = arith.constant 3 : i32
    %eq3A = arith.constant 0 : i32
    %eq3A_886 = arith.cmpi eq, %jit3A_885, %eq3A : i32
    %jit3A_887 = arith.constant 1 : i32
    %select_n3A_888 = arith.select %eq3A_886, %jit3A_887, %jit3A_885 : i32
    %rem3A_889 = arith.remsi %sub3A_884, %select_n3A_888 : i32
    %ne3A_890 = arith.constant 0 : i32
    %ne3A_891 = arith.cmpi ne, %rem3A_889, %ne3A_890 : i32
    %lt3A = arith.constant 0 : i32
    %lt3A_892 = arith.cmpi slt, %rem3A_889, %lt3A : i32
    %lt3A_893 = arith.constant 0 : i32
    %lt3A_894 = arith.cmpi slt, %select_n3A_888, %lt3A_893 : i32
    %ne3A_895 = arith.xori %lt3A_892, %lt3A_894 : i1
    %and3A_896 = arith.andi %ne3A_895, %ne3A_891 : i1
    %add3A_897 = arith.addi %rem3A_889, %select_n3A_888 : i32
    %select_n3A_898 = arith.select %and3A_896, %add3A_897, %rem3A_889 : i32
    %eq3A_899 = arith.constant 0 : i32
    %eq3A_900 = arith.cmpi eq, %select_n3A_898, %eq3A_899 : i32
    %and3A_901 = arith.andi %gt3A_882, %eq3A_900 : i1
    %convert_element_type3A_902 = arith.extui %and3A_901 : i1 to i32
    %cond3A_903 = arith.constant 0 : i32
    %cond3A_904 = arith.cmpi ne, %convert_element_type3A_902, %cond3A_903 : i32
    scf.if %cond3A_904 {
      %dma_wait3A = arith.constant 0 : i32
      %dma_wait3A_1113 = arith.constant 0 : i32
      %dma_wait3A_1114 = tpu.memref_slice %arg16[%dma_wait3A, %dma_wait3A_1113] : memref<48x2048xf32, #tpu.memory_space<vmem>> -> memref<16x2048xf32, #tpu.memory_space<vmem>>
      %dma_wait3A_1115 = arith.constant 0 : i32
      %dma_wait3A_1116 = arith.constant 0 : i32
      %dma_wait3A_1117 = tpu.memref_slice %arg5[%dma_wait3A_1115, %dma_wait3A_1116] : memref<16384x2048xf32, #tpu.memory_space<hbm>> -> memref<16384x2048xf32, #tpu.memory_space<hbm>>
      tpu.wait_indirect_dma semaphore(%arg20 : memref<!tpu.dma_semaphore, #tpu.memory_space<semaphore_mem>>) src(%dma_wait3A_1114 : memref<16x2048xf32, #tpu.memory_space<vmem>>) dst(%dma_wait3A_1117 : memref<16384x2048xf32, #tpu.memory_space<hbm>>)
    } else {
    }
    %gt3A_905 = arith.constant 0 : i32
    %gt3A_906 = arith.cmpi sgt, %select_n3A_831, %gt3A_905 : i32
    %sub3A_907 = arith.constant 1 : i32
    %sub3A_908 = arith.subi %select_n3A_831, %sub3A_907 : i32
    %jit3A_909 = arith.constant 3 : i32
    %eq3A_910 = arith.constant 0 : i32
    %eq3A_911 = arith.cmpi eq, %jit3A_909, %eq3A_910 : i32
    %jit3A_912 = arith.constant 1 : i32
    %select_n3A_913 = arith.select %eq3A_911, %jit3A_912, %jit3A_909 : i32
    %rem3A_914 = arith.remsi %sub3A_908, %select_n3A_913 : i32
    %ne3A_915 = arith.constant 0 : i32
    %ne3A_916 = arith.cmpi ne, %rem3A_914, %ne3A_915 : i32
    %lt3A_917 = arith.constant 0 : i32
    %lt3A_918 = arith.cmpi slt, %rem3A_914, %lt3A_917 : i32
    %lt3A_919 = arith.constant 0 : i32
    %lt3A_920 = arith.cmpi slt, %select_n3A_913, %lt3A_919 : i32
    %ne3A_921 = arith.xori %lt3A_918, %lt3A_920 : i1
    %and3A_922 = arith.andi %ne3A_921, %ne3A_916 : i1
    %add3A_923 = arith.addi %rem3A_914, %select_n3A_913 : i32
    %select_n3A_924 = arith.select %and3A_922, %add3A_923, %rem3A_914 : i32
    %eq3A_925 = arith.constant 1 : i32
    %eq3A_926 = arith.cmpi eq, %select_n3A_924, %eq3A_925 : i32
    %and3A_927 = arith.andi %gt3A_906, %eq3A_926 : i1
    %convert_element_type3A_928 = arith.extui %and3A_927 : i1 to i32
    %cond3A_929 = arith.constant 0 : i32
    %cond3A_930 = arith.cmpi ne, %convert_element_type3A_928, %cond3A_929 : i32
    scf.if %cond3A_930 {
      %dma_wait3A = arith.constant 16 : i32
      %dma_wait3A_1113 = arith.constant 0 : i32
      %dma_wait3A_1114 = tpu.memref_slice %arg16[%dma_wait3A, %dma_wait3A_1113] : memref<48x2048xf32, #tpu.memory_space<vmem>> -> memref<16x2048xf32, #tpu.memory_space<vmem>>
      %dma_wait3A_1115 = arith.constant 0 : i32
      %dma_wait3A_1116 = arith.constant 0 : i32
      %dma_wait3A_1117 = tpu.memref_slice %arg5[%dma_wait3A_1115, %dma_wait3A_1116] : memref<16384x2048xf32, #tpu.memory_space<hbm>> -> memref<16384x2048xf32, #tpu.memory_space<hbm>>
      tpu.wait_indirect_dma semaphore(%arg21 : memref<!tpu.dma_semaphore, #tpu.memory_space<semaphore_mem>>) src(%dma_wait3A_1114 : memref<16x2048xf32, #tpu.memory_space<vmem>>) dst(%dma_wait3A_1117 : memref<16384x2048xf32, #tpu.memory_space<hbm>>)
    } else {
    }
    %gt3A_931 = arith.constant 0 : i32
    %gt3A_932 = arith.cmpi sgt, %select_n3A_831, %gt3A_931 : i32
    %sub3A_933 = arith.constant 1 : i32
    %sub3A_934 = arith.subi %select_n3A_831, %sub3A_933 : i32
    %jit3A_935 = arith.constant 3 : i32
    %eq3A_936 = arith.constant 0 : i32
    %eq3A_937 = arith.cmpi eq, %jit3A_935, %eq3A_936 : i32
    %jit3A_938 = arith.constant 1 : i32
    %select_n3A_939 = arith.select %eq3A_937, %jit3A_938, %jit3A_935 : i32
    %rem3A_940 = arith.remsi %sub3A_934, %select_n3A_939 : i32
    %ne3A_941 = arith.constant 0 : i32
    %ne3A_942 = arith.cmpi ne, %rem3A_940, %ne3A_941 : i32
    %lt3A_943 = arith.constant 0 : i32
    %lt3A_944 = arith.cmpi slt, %rem3A_940, %lt3A_943 : i32
    %lt3A_945 = arith.constant 0 : i32
    %lt3A_946 = arith.cmpi slt, %select_n3A_939, %lt3A_945 : i32
    %ne3A_947 = arith.xori %lt3A_944, %lt3A_946 : i1
    %and3A_948 = arith.andi %ne3A_947, %ne3A_942 : i1
    %add3A_949 = arith.addi %rem3A_940, %select_n3A_939 : i32
    %select_n3A_950 = arith.select %and3A_948, %add3A_949, %rem3A_940 : i32
    %eq3A_951 = arith.constant 2 : i32
    %eq3A_952 = arith.cmpi eq, %select_n3A_950, %eq3A_951 : i32
    %and3A_953 = arith.andi %gt3A_932, %eq3A_952 : i1
    %convert_element_type3A_954 = arith.extui %and3A_953 : i1 to i32
    %cond3A_955 = arith.constant 0 : i32
    %cond3A_956 = arith.cmpi ne, %convert_element_type3A_954, %cond3A_955 : i32
    scf.if %cond3A_956 {
      %dma_wait3A = arith.constant 32 : i32
      %dma_wait3A_1113 = arith.constant 0 : i32
      %dma_wait3A_1114 = tpu.memref_slice %arg16[%dma_wait3A, %dma_wait3A_1113] : memref<48x2048xf32, #tpu.memory_space<vmem>> -> memref<16x2048xf32, #tpu.memory_space<vmem>>
      %dma_wait3A_1115 = arith.constant 0 : i32
      %dma_wait3A_1116 = arith.constant 0 : i32
      %dma_wait3A_1117 = tpu.memref_slice %arg5[%dma_wait3A_1115, %dma_wait3A_1116] : memref<16384x2048xf32, #tpu.memory_space<hbm>> -> memref<16384x2048xf32, #tpu.memory_space<hbm>>
      tpu.wait_indirect_dma semaphore(%arg22 : memref<!tpu.dma_semaphore, #tpu.memory_space<semaphore_mem>>) src(%dma_wait3A_1114 : memref<16x2048xf32, #tpu.memory_space<vmem>>) dst(%dma_wait3A_1117 : memref<16384x2048xf32, #tpu.memory_space<hbm>>)
    } else {
    }
    %add3A_957 = arith.constant 16 : i32
    %add3A_958 = arith.addi %scan3A_704#0, %add3A_957 : i32
    %sub3A_959 = arith.constant 1 : i32
    %sub3A_960 = arith.subi %add3A_958, %sub3A_959 : i32
    %jit3A_961 = arith.constant 16 : i32
    %div3A_962 = arith.divsi %sub3A_960, %jit3A_961 : i32
    %sign3A_963 = arith.constant 0 : i32
    %sign3A_964 = arith.cmpi sgt, %sub3A_960, %sign3A_963 : i32
    %sign3A_965 = arith.extui %sign3A_964 : i1 to i32
    %sign3A_966 = arith.constant 0 : i32
    %sign3A_967 = arith.cmpi slt, %sub3A_960, %sign3A_966 : i32
    %sign3A_968 = arith.extui %sign3A_967 : i1 to i32
    %sign3A_969 = arith.subi %sign3A_965, %sign3A_968 : i32
    %sign3A_970 = arith.constant 0 : i32
    %sign3A_971 = arith.cmpi sgt, %jit3A_961, %sign3A_970 : i32
    %sign3A_972 = arith.extui %sign3A_971 : i1 to i32
    %sign3A_973 = arith.constant 0 : i32
    %sign3A_974 = arith.cmpi slt, %jit3A_961, %sign3A_973 : i32
    %sign3A_975 = arith.extui %sign3A_974 : i1 to i32
    %sign3A_976 = arith.subi %sign3A_972, %sign3A_975 : i32
    %ne3A_977 = arith.cmpi ne, %sign3A_969, %sign3A_976 : i32
    %rem3A_978 = arith.remsi %sub3A_960, %jit3A_961 : i32
    %ne3A_979 = arith.constant 0 : i32
    %ne3A_980 = arith.cmpi ne, %rem3A_978, %ne3A_979 : i32
    %and3A_981 = arith.andi %ne3A_977, %ne3A_980 : i1
    %sub3A_982 = arith.constant 1 : i32
    %sub3A_983 = arith.subi %div3A_962, %sub3A_982 : i32
    %select_n3A_984 = arith.select %and3A_981, %sub3A_983, %div3A_962 : i32
    %gt3A_985 = arith.constant 0 : i32
    %gt3A_986 = arith.cmpi sgt, %select_n3A_984, %gt3A_985 : i32
    %convert_element_type3A_987 = arith.extui %gt3A_986 : i1 to i32
    %cond3A_988 = arith.constant 0 : i32
    %cond3A_989 = arith.cmpi ne, %convert_element_type3A_987, %cond3A_988 : i32
    scf.if %cond3A_989 {
      %add3A_1113 = arith.constant 0 : i32
      %add3A_1114 = arith.addi %reduce_sum3A_803, %add3A_1113 : i32
      %add3A_1115 = vector.broadcast %add3A_1114 : i32 to vector<16xi32>
      %add3A_1116 = arith.addi %add3A_1115, %iota3A : vector<16xi32>
      %add3A_1117 = arith.addi %reduce_sum3A_803, %scan3A_704#0 : i32
      %sub3A_1118 = arith.constant 1 : i32
      %sub3A_1119 = arith.subi %add3A_1117, %sub3A_1118 : i32
      %min3A = vector.broadcast %sub3A_1119 : i32 to vector<16xi32>
      %min3A_1120 = arith.minsi %add3A_1116, %min3A : vector<16xi32>
      %swap3A = arith.constant 0 : index
      %swap3A_1121 = tpu.vector_load %arg10[%swap3A] {strides = array<i32>} : memref<16xi32, #tpu.memory_space<vmem>>, vector<16xi32>,
      tpu.vector_store %arg10[%swap3A], %min3A_1120 {strides = array<i32>} : memref<16xi32, #tpu.memory_space<vmem>>, vector<16xi32>,
      %dma_start3A = arith.constant 0 : i32
      %dma_start3A_1122 = arith.constant 0 : i32
      %dma_start3A_1123 = tpu.memref_slice %arg16[%dma_start3A, %dma_start3A_1122] : memref<48x2048xf32, #tpu.memory_space<vmem>> -> memref<16x2048xf32, #tpu.memory_space<vmem>>
      %dma_start3A_1124 = arith.constant 0 : i32
      %dma_start3A_1125 = arith.constant 0 : i32
      %dma_start3A_1126 = tpu.memref_slice %arg4[%dma_start3A_1124, %dma_start3A_1125] : memref<16384x2048xf32, #tpu.memory_space<hbm>> -> memref<16384x2048xf32, #tpu.memory_space<hbm>>
      tpu.enqueue_indirect_dma source(%dma_start3A_1126 : memref<16384x2048xf32, #tpu.memory_space<hbm>>) target(%dma_start3A_1123 : memref<16x2048xf32, #tpu.memory_space<vmem>>) offsets(%arg10 : memref<16xi32, #tpu.memory_space<vmem>>) semaphore(%arg17 : memref<!tpu.dma_semaphore, #tpu.memory_space<semaphore_mem>>)
    } else {
    }
    %gt3A_990 = arith.constant 1 : i32
    %gt3A_991 = arith.cmpi sgt, %select_n3A_984, %gt3A_990 : i32
    %convert_element_type3A_992 = arith.extui %gt3A_991 : i1 to i32
    %cond3A_993 = arith.constant 0 : i32
    %cond3A_994 = arith.cmpi ne, %convert_element_type3A_992, %cond3A_993 : i32
    scf.if %cond3A_994 {
      %add3A_1113 = arith.constant 16 : i32
      %add3A_1114 = arith.addi %reduce_sum3A_803, %add3A_1113 : i32
      %add3A_1115 = vector.broadcast %add3A_1114 : i32 to vector<16xi32>
      %add3A_1116 = arith.addi %add3A_1115, %iota3A : vector<16xi32>
      %add3A_1117 = arith.addi %reduce_sum3A_803, %scan3A_704#0 : i32
      %sub3A_1118 = arith.constant 1 : i32
      %sub3A_1119 = arith.subi %add3A_1117, %sub3A_1118 : i32
      %min3A = vector.broadcast %sub3A_1119 : i32 to vector<16xi32>
      %min3A_1120 = arith.minsi %add3A_1116, %min3A : vector<16xi32>
      %swap3A = arith.constant 0 : index
      %swap3A_1121 = tpu.vector_load %arg11[%swap3A] {strides = array<i32>} : memref<16xi32, #tpu.memory_space<vmem>>, vector<16xi32>,
      tpu.vector_store %arg11[%swap3A], %min3A_1120 {strides = array<i32>} : memref<16xi32, #tpu.memory_space<vmem>>, vector<16xi32>,
      %dma_start3A = arith.constant 16 : i32
      %dma_start3A_1122 = arith.constant 0 : i32
      %dma_start3A_1123 = tpu.memref_slice %arg16[%dma_start3A, %dma_start3A_1122] : memref<48x2048xf32, #tpu.memory_space<vmem>> -> memref<16x2048xf32, #tpu.memory_space<vmem>>
      %dma_start3A_1124 = arith.constant 0 : i32
      %dma_start3A_1125 = arith.constant 0 : i32
      %dma_start3A_1126 = tpu.memref_slice %arg4[%dma_start3A_1124, %dma_start3A_1125] : memref<16384x2048xf32, #tpu.memory_space<hbm>> -> memref<16384x2048xf32, #tpu.memory_space<hbm>>
      tpu.enqueue_indirect_dma source(%dma_start3A_1126 : memref<16384x2048xf32, #tpu.memory_space<hbm>>) target(%dma_start3A_1123 : memref<16x2048xf32, #tpu.memory_space<vmem>>) offsets(%arg11 : memref<16xi32, #tpu.memory_space<vmem>>) semaphore(%arg18 : memref<!tpu.dma_semaphore, #tpu.memory_space<semaphore_mem>>)
    } else {
    }
    %add3A_995 = arith.constant 3 : i32
    %add3A_996 = arith.addi %select_n3A_984, %add3A_995 : i32
    %sub3A_997 = arith.constant 1 : i32
    %sub3A_998 = arith.subi %add3A_996, %sub3A_997 : i32
    %jit3A_999 = arith.constant 3 : i32
    %div3A_1000 = arith.divsi %sub3A_998, %jit3A_999 : i32
    %sign3A_1001 = arith.constant 0 : i32
    %sign3A_1002 = arith.cmpi sgt, %sub3A_998, %sign3A_1001 : i32
    %sign3A_1003 = arith.extui %sign3A_1002 : i1 to i32
    %sign3A_1004 = arith.constant 0 : i32
    %sign3A_1005 = arith.cmpi slt, %sub3A_998, %sign3A_1004 : i32
    %sign3A_1006 = arith.extui %sign3A_1005 : i1 to i32
    %sign3A_1007 = arith.subi %sign3A_1003, %sign3A_1006 : i32
    %sign3A_1008 = arith.constant 0 : i32
    %sign3A_1009 = arith.cmpi sgt, %jit3A_999, %sign3A_1008 : i32
    %sign3A_1010 = arith.extui %sign3A_1009 : i1 to i32
    %sign3A_1011 = arith.constant 0 : i32
    %sign3A_1012 = arith.cmpi slt, %jit3A_999, %sign3A_1011 : i32
    %sign3A_1013 = arith.extui %sign3A_1012 : i1 to i32
    %sign3A_1014 = arith.subi %sign3A_1010, %sign3A_1013 : i32
    %ne3A_1015 = arith.cmpi ne, %sign3A_1007, %sign3A_1014 : i32
    %rem3A_1016 = arith.remsi %sub3A_998, %jit3A_999 : i32
    %ne3A_1017 = arith.constant 0 : i32
    %ne3A_1018 = arith.cmpi ne, %rem3A_1016, %ne3A_1017 : i32
    %and3A_1019 = arith.andi %ne3A_1015, %ne3A_1018 : i1
    %sub3A_1020 = arith.constant 1 : i32
    %sub3A_1021 = arith.subi %div3A_1000, %sub3A_1020 : i32
    %select_n3A_1022 = arith.select %and3A_1019, %sub3A_1021, %div3A_1000 : i32
    %while3A_1023 = arith.constant 0 : i32
    %while3A_1024 = arith.constant 0 : i32
    %while3A_1025 = arith.subi %select_n3A_1022, %while3A_1023 : i32
    %while3A_1026 = arith.addi %while3A_1023, %while3A_1025 : i32
    %while3A_1027 = arith.constant 1 : i32
    %while3A_1028 = arith.divsi %while3A_1025, %while3A_1027 : i32
    %while3A_1029 = arith.muli %while3A_1028, %while3A_1027 : i32
    %while3A_1030 = arith.addi %while3A_1023, %while3A_1029 : i32
    %while3A_1031 = arith.constant 1 : i32
    %while3A_1032 = scf.for %while3A_1113 = %while3A_1023 to %while3A_1030 step %while3A_1031 iter_args(%while3A_1114 = %while3A_1024) -> (i32)  : i32 {
      %mul3A_1115 = arith.constant 3 : i32
      %mul3A_1116 = arith.muli %while3A_1113, %mul3A_1115 : i32
      %add3A_1117 = arith.constant 0 : i32
      %add3A_1118 = arith.addi %mul3A_1116, %add3A_1117 : i32
      %lt3A_1119 = arith.cmpi slt, %add3A_1118, %select_n3A_984 : i32
      %convert_element_type3A_1120 = arith.extui %lt3A_1119 : i1 to i32
      %cond3A_1121 = arith.constant 0 : i32
      %cond3A_1122 = arith.cmpi ne, %convert_element_type3A_1120, %cond3A_1121 : i32
      scf.if %cond3A_1122 {
        %dma_wait3A = arith.constant 0 : i32
        %dma_wait3A_1183 = arith.constant 0 : i32
        %dma_wait3A_1184 = tpu.memref_slice %arg16[%dma_wait3A, %dma_wait3A_1183] : memref<48x2048xf32, #tpu.memory_space<vmem>> -> memref<16x2048xf32, #tpu.memory_space<vmem>>
        %dma_wait3A_1185 = arith.constant 0 : i32
        %dma_wait3A_1186 = arith.constant 0 : i32
        %dma_wait3A_1187 = tpu.memref_slice %arg4[%dma_wait3A_1185, %dma_wait3A_1186] : memref<16384x2048xf32, #tpu.memory_space<hbm>> -> memref<16384x2048xf32, #tpu.memory_space<hbm>>
        tpu.wait_indirect_dma semaphore(%arg17 : memref<!tpu.dma_semaphore, #tpu.memory_space<semaphore_mem>>) src(%dma_wait3A_1187 : memref<16384x2048xf32, #tpu.memory_space<hbm>>) dst(%dma_wait3A_1184 : memref<16x2048xf32, #tpu.memory_space<vmem>>)
        %mul3A_1188 = arith.constant 16 : i32
        %mul3A_1189 = arith.muli %add3A_1118, %mul3A_1188 : i32
        %get3A_1190 = arith.index_cast %mul3A_1189 : i32 to index
        %get3A_1191 = tpu.vector_load %arg8[%get3A_1190] {strides = array<i32>} : memref<512xi32, #tpu.memory_space<vmem>>, vector<16xi32>,
        %swap3A = arith.constant 0 : index
        %swap3A_1192 = tpu.vector_load %arg13[%swap3A] {strides = array<i32>} : memref<16xi32, #tpu.memory_space<vmem>>, vector<16xi32>,
        tpu.vector_store %arg13[%swap3A], %get3A_1191 {strides = array<i32>} : memref<16xi32, #tpu.memory_space<vmem>>, vector<16xi32>,
        %dma_start3A = arith.constant 0 : i32
        %dma_start3A_1193 = arith.constant 0 : i32
        %dma_start3A_1194 = tpu.memref_slice %arg16[%dma_start3A, %dma_start3A_1193] : memref<48x2048xf32, #tpu.memory_space<vmem>> -> memref<16x2048xf32, #tpu.memory_space<vmem>>
        %dma_start3A_1195 = arith.constant 0 : i32
        %dma_start3A_1196 = arith.constant 0 : i32
        %dma_start3A_1197 = tpu.memref_slice %arg5[%dma_start3A_1195, %dma_start3A_1196] : memref<16384x2048xf32, #tpu.memory_space<hbm>> -> memref<16384x2048xf32, #tpu.memory_space<hbm>>
        tpu.enqueue_indirect_dma source(%dma_start3A_1194 : memref<16x2048xf32, #tpu.memory_space<vmem>>) target(%dma_start3A_1197 : memref<16384x2048xf32, #tpu.memory_space<hbm>>) offsets(%arg13 : memref<16xi32, #tpu.memory_space<vmem>>) semaphore(%arg20 : memref<!tpu.dma_semaphore, #tpu.memory_space<semaphore_mem>>)
      } else {
      }
      %ge3A = arith.constant 1 : i32
      %ge3A_1123 = arith.cmpi sge, %add3A_1118, %ge3A : i32
      %sub3A_1124 = arith.constant 1 : i32
      %sub3A_1125 = arith.subi %select_n3A_984, %sub3A_1124 : i32
      %le3A = arith.cmpi sle, %add3A_1118, %sub3A_1125 : i32
      %and3A_1126 = arith.andi %ge3A_1123, %le3A : i1
      %convert_element_type3A_1127 = arith.extui %and3A_1126 : i1 to i32
      %cond3A_1128 = arith.constant 0 : i32
      %cond3A_1129 = arith.cmpi ne, %convert_element_type3A_1127, %cond3A_1128 : i32
      scf.if %cond3A_1129 {
        %dma_wait3A = arith.constant 32 : i32
        %dma_wait3A_1183 = arith.constant 0 : i32
        %dma_wait3A_1184 = tpu.memref_slice %arg16[%dma_wait3A, %dma_wait3A_1183] : memref<48x2048xf32, #tpu.memory_space<vmem>> -> memref<16x2048xf32, #tpu.memory_space<vmem>>
        %dma_wait3A_1185 = arith.constant 0 : i32
        %dma_wait3A_1186 = arith.constant 0 : i32
        %dma_wait3A_1187 = tpu.memref_slice %arg5[%dma_wait3A_1185, %dma_wait3A_1186] : memref<16384x2048xf32, #tpu.memory_space<hbm>> -> memref<16384x2048xf32, #tpu.memory_space<hbm>>
        tpu.wait_indirect_dma semaphore(%arg22 : memref<!tpu.dma_semaphore, #tpu.memory_space<semaphore_mem>>) src(%dma_wait3A_1184 : memref<16x2048xf32, #tpu.memory_space<vmem>>) dst(%dma_wait3A_1187 : memref<16384x2048xf32, #tpu.memory_space<hbm>>)
      } else {
      }
      %add3A_1130 = arith.constant 2 : i32
      %add3A_1131 = arith.addi %add3A_1118, %add3A_1130 : i32
      %lt3A_1132 = arith.cmpi slt, %add3A_1131, %select_n3A_984 : i32
      %convert_element_type3A_1133 = arith.extui %lt3A_1132 : i1 to i32
      %cond3A_1134 = arith.constant 0 : i32
      %cond3A_1135 = arith.cmpi ne, %convert_element_type3A_1133, %cond3A_1134 : i32
      scf.if %cond3A_1135 {
        %add3A_1183 = arith.constant 2 : i32
        %add3A_1184 = arith.addi %add3A_1118, %add3A_1183 : i32
        %mul3A_1185 = arith.constant 16 : i32
        %mul3A_1186 = arith.muli %add3A_1184, %mul3A_1185 : i32
        %add3A_1187 = arith.addi %reduce_sum3A_803, %mul3A_1186 : i32
        %add3A_1188 = vector.broadcast %add3A_1187 : i32 to vector<16xi32>
        %add3A_1189 = arith.addi %add3A_1188, %iota3A : vector<16xi32>
        %add3A_1190 = arith.addi %reduce_sum3A_803, %scan3A_704#0 : i32
        %sub3A_1191 = arith.constant 1 : i32
        %sub3A_1192 = arith.subi %add3A_1190, %sub3A_1191 : i32
        %min3A = vector.broadcast %sub3A_1192 : i32 to vector<16xi32>
        %min3A_1193 = arith.minsi %add3A_1189, %min3A : vector<16xi32>
        %swap3A = arith.constant 0 : index
        %swap3A_1194 = tpu.vector_load %arg12[%swap3A] {strides = array<i32>} : memref<16xi32, #tpu.memory_space<vmem>>, vector<16xi32>,
        tpu.vector_store %arg12[%swap3A], %min3A_1193 {strides = array<i32>} : memref<16xi32, #tpu.memory_space<vmem>>, vector<16xi32>,
        %dma_start3A = arith.constant 32 : i32
        %dma_start3A_1195 = arith.constant 0 : i32
        %dma_start3A_1196 = tpu.memref_slice %arg16[%dma_start3A, %dma_start3A_1195] : memref<48x2048xf32, #tpu.memory_space<vmem>> -> memref<16x2048xf32, #tpu.memory_space<vmem>>
        %dma_start3A_1197 = arith.constant 0 : i32
        %dma_start3A_1198 = arith.constant 0 : i32
        %dma_start3A_1199 = tpu.memref_slice %arg4[%dma_start3A_1197, %dma_start3A_1198] : memref<16384x2048xf32, #tpu.memory_space<hbm>> -> memref<16384x2048xf32, #tpu.memory_space<hbm>>
        tpu.enqueue_indirect_dma source(%dma_start3A_1199 : memref<16384x2048xf32, #tpu.memory_space<hbm>>) target(%dma_start3A_1196 : memref<16x2048xf32, #tpu.memory_space<vmem>>) offsets(%arg12 : memref<16xi32, #tpu.memory_space<vmem>>) semaphore(%arg19 : memref<!tpu.dma_semaphore, #tpu.memory_space<semaphore_mem>>)
      } else {
      }
      %mul3A_1136 = arith.constant 3 : i32
      %mul3A_1137 = arith.muli %while3A_1113, %mul3A_1136 : i32
      %add3A_1138 = arith.constant 1 : i32
      %add3A_1139 = arith.addi %mul3A_1137, %add3A_1138 : i32
      %lt3A_1140 = arith.cmpi slt, %add3A_1139, %select_n3A_984 : i32
      %convert_element_type3A_1141 = arith.extui %lt3A_1140 : i1 to i32
      %cond3A_1142 = arith.constant 0 : i32
      %cond3A_1143 = arith.cmpi ne, %convert_element_type3A_1141, %cond3A_1142 : i32
      scf.if %cond3A_1143 {
        %dma_wait3A = arith.constant 16 : i32
        %dma_wait3A_1183 = arith.constant 0 : i32
        %dma_wait3A_1184 = tpu.memref_slice %arg16[%dma_wait3A, %dma_wait3A_1183] : memref<48x2048xf32, #tpu.memory_space<vmem>> -> memref<16x2048xf32, #tpu.memory_space<vmem>>
        %dma_wait3A_1185 = arith.constant 0 : i32
        %dma_wait3A_1186 = arith.constant 0 : i32
        %dma_wait3A_1187 = tpu.memref_slice %arg4[%dma_wait3A_1185, %dma_wait3A_1186] : memref<16384x2048xf32, #tpu.memory_space<hbm>> -> memref<16384x2048xf32, #tpu.memory_space<hbm>>
        tpu.wait_indirect_dma semaphore(%arg18 : memref<!tpu.dma_semaphore, #tpu.memory_space<semaphore_mem>>) src(%dma_wait3A_1187 : memref<16384x2048xf32, #tpu.memory_space<hbm>>) dst(%dma_wait3A_1184 : memref<16x2048xf32, #tpu.memory_space<vmem>>)
        %mul3A_1188 = arith.constant 16 : i32
        %mul3A_1189 = arith.muli %add3A_1139, %mul3A_1188 : i32
        %get3A_1190 = arith.index_cast %mul3A_1189 : i32 to index
        %get3A_1191 = tpu.vector_load %arg8[%get3A_1190] {strides = array<i32>} : memref<512xi32, #tpu.memory_space<vmem>>, vector<16xi32>,
        %swap3A = arith.constant 0 : index
        %swap3A_1192 = tpu.vector_load %arg14[%swap3A] {strides = array<i32>} : memref<16xi32, #tpu.memory_space<vmem>>, vector<16xi32>,
        tpu.vector_store %arg14[%swap3A], %get3A_1191 {strides = array<i32>} : memref<16xi32, #tpu.memory_space<vmem>>, vector<16xi32>,
        %dma_start3A = arith.constant 16 : i32
        %dma_start3A_1193 = arith.constant 0 : i32
        %dma_start3A_1194 = tpu.memref_slice %arg16[%dma_start3A, %dma_start3A_1193] : memref<48x2048xf32, #tpu.memory_space<vmem>> -> memref<16x2048xf32, #tpu.memory_space<vmem>>
        %dma_start3A_1195 = arith.constant 0 : i32
        %dma_start3A_1196 = arith.constant 0 : i32
        %dma_start3A_1197 = tpu.memref_slice %arg5[%dma_start3A_1195, %dma_start3A_1196] : memref<16384x2048xf32, #tpu.memory_space<hbm>> -> memref<16384x2048xf32, #tpu.memory_space<hbm>>
        tpu.enqueue_indirect_dma source(%dma_start3A_1194 : memref<16x2048xf32, #tpu.memory_space<vmem>>) target(%dma_start3A_1197 : memref<16384x2048xf32, #tpu.memory_space<hbm>>) offsets(%arg14 : memref<16xi32, #tpu.memory_space<vmem>>) semaphore(%arg21 : memref<!tpu.dma_semaphore, #tpu.memory_space<semaphore_mem>>)
      } else {
      }
      %ge3A_1144 = arith.constant 1 : i32
      %ge3A_1145 = arith.cmpi sge, %add3A_1139, %ge3A_1144 : i32
      %sub3A_1146 = arith.constant 1 : i32
      %sub3A_1147 = arith.subi %select_n3A_984, %sub3A_1146 : i32
      %le3A_1148 = arith.cmpi sle, %add3A_1139, %sub3A_1147 : i32
      %and3A_1149 = arith.andi %ge3A_1145, %le3A_1148 : i1
      %convert_element_type3A_1150 = arith.extui %and3A_1149 : i1 to i32
      %cond3A_1151 = arith.constant 0 : i32
      %cond3A_1152 = arith.cmpi ne, %convert_element_type3A_1150, %cond3A_1151 : i32
      scf.if %cond3A_1152 {
        %dma_wait3A = arith.constant 0 : i32
        %dma_wait3A_1183 = arith.constant 0 : i32
        %dma_wait3A_1184 = tpu.memref_slice %arg16[%dma_wait3A, %dma_wait3A_1183] : memref<48x2048xf32, #tpu.memory_space<vmem>> -> memref<16x2048xf32, #tpu.memory_space<vmem>>
        %dma_wait3A_1185 = arith.constant 0 : i32
        %dma_wait3A_1186 = arith.constant 0 : i32
        %dma_wait3A_1187 = tpu.memref_slice %arg5[%dma_wait3A_1185, %dma_wait3A_1186] : memref<16384x2048xf32, #tpu.memory_space<hbm>> -> memref<16384x2048xf32, #tpu.memory_space<hbm>>
        tpu.wait_indirect_dma semaphore(%arg20 : memref<!tpu.dma_semaphore, #tpu.memory_space<semaphore_mem>>) src(%dma_wait3A_1184 : memref<16x2048xf32, #tpu.memory_space<vmem>>) dst(%dma_wait3A_1187 : memref<16384x2048xf32, #tpu.memory_space<hbm>>)
      } else {
      }
      %add3A_1153 = arith.constant 2 : i32
      %add3A_1154 = arith.addi %add3A_1139, %add3A_1153 : i32
      %lt3A_1155 = arith.cmpi slt, %add3A_1154, %select_n3A_984 : i32
      %convert_element_type3A_1156 = arith.extui %lt3A_1155 : i1 to i32
      %cond3A_1157 = arith.constant 0 : i32
      %cond3A_1158 = arith.cmpi ne, %convert_element_type3A_1156, %cond3A_1157 : i32
      scf.if %cond3A_1158 {
        %add3A_1183 = arith.constant 2 : i32
        %add3A_1184 = arith.addi %add3A_1139, %add3A_1183 : i32
        %mul3A_1185 = arith.constant 16 : i32
        %mul3A_1186 = arith.muli %add3A_1184, %mul3A_1185 : i32
        %add3A_1187 = arith.addi %reduce_sum3A_803, %mul3A_1186 : i32
        %add3A_1188 = vector.broadcast %add3A_1187 : i32 to vector<16xi32>
        %add3A_1189 = arith.addi %add3A_1188, %iota3A : vector<16xi32>
        %add3A_1190 = arith.addi %reduce_sum3A_803, %scan3A_704#0 : i32
        %sub3A_1191 = arith.constant 1 : i32
        %sub3A_1192 = arith.subi %add3A_1190, %sub3A_1191 : i32
        %min3A = vector.broadcast %sub3A_1192 : i32 to vector<16xi32>
        %min3A_1193 = arith.minsi %add3A_1189, %min3A : vector<16xi32>
        %swap3A = arith.constant 0 : index
        %swap3A_1194 = tpu.vector_load %arg10[%swap3A] {strides = array<i32>} : memref<16xi32, #tpu.memory_space<vmem>>, vector<16xi32>,
        tpu.vector_store %arg10[%swap3A], %min3A_1193 {strides = array<i32>} : memref<16xi32, #tpu.memory_space<vmem>>, vector<16xi32>,
        %dma_start3A = arith.constant 0 : i32
        %dma_start3A_1195 = arith.constant 0 : i32
        %dma_start3A_1196 = tpu.memref_slice %arg16[%dma_start3A, %dma_start3A_1195] : memref<48x2048xf32, #tpu.memory_space<vmem>> -> memref<16x2048xf32, #tpu.memory_space<vmem>>
        %dma_start3A_1197 = arith.constant 0 : i32
        %dma_start3A_1198 = arith.constant 0 : i32
        %dma_start3A_1199 = tpu.memref_slice %arg4[%dma_start3A_1197, %dma_start3A_1198] : memref<16384x2048xf32, #tpu.memory_space<hbm>> -> memref<16384x2048xf32, #tpu.memory_space<hbm>>
        tpu.enqueue_indirect_dma source(%dma_start3A_1199 : memref<16384x2048xf32, #tpu.memory_space<hbm>>) target(%dma_start3A_1196 : memref<16x2048xf32, #tpu.memory_space<vmem>>) offsets(%arg10 : memref<16xi32, #tpu.memory_space<vmem>>) semaphore(%arg17 : memref<!tpu.dma_semaphore, #tpu.memory_space<semaphore_mem>>)
      } else {
      }
      %mul3A_1159 = arith.constant 3 : i32
      %mul3A_1160 = arith.muli %while3A_1113, %mul3A_1159 : i32
      %add3A_1161 = arith.constant 2 : i32
      %add3A_1162 = arith.addi %mul3A_1160, %add3A_1161 : i32
      %lt3A_1163 = arith.cmpi slt, %add3A_1162, %select_n3A_984 : i32
      %convert_element_type3A_1164 = arith.extui %lt3A_1163 : i1 to i32
      %cond3A_1165 = arith.constant 0 : i32
      %cond3A_1166 = arith.cmpi ne, %convert_element_type3A_1164, %cond3A_1165 : i32
      scf.if %cond3A_1166 {
        %dma_wait3A = arith.constant 32 : i32
        %dma_wait3A_1183 = arith.constant 0 : i32
        %dma_wait3A_1184 = tpu.memref_slice %arg16[%dma_wait3A, %dma_wait3A_1183] : memref<48x2048xf32, #tpu.memory_space<vmem>> -> memref<16x2048xf32, #tpu.memory_space<vmem>>
        %dma_wait3A_1185 = arith.constant 0 : i32
        %dma_wait3A_1186 = arith.constant 0 : i32
        %dma_wait3A_1187 = tpu.memref_slice %arg4[%dma_wait3A_1185, %dma_wait3A_1186] : memref<16384x2048xf32, #tpu.memory_space<hbm>> -> memref<16384x2048xf32, #tpu.memory_space<hbm>>
        tpu.wait_indirect_dma semaphore(%arg19 : memref<!tpu.dma_semaphore, #tpu.memory_space<semaphore_mem>>) src(%dma_wait3A_1187 : memref<16384x2048xf32, #tpu.memory_space<hbm>>) dst(%dma_wait3A_1184 : memref<16x2048xf32, #tpu.memory_space<vmem>>)
        %mul3A_1188 = arith.constant 16 : i32
        %mul3A_1189 = arith.muli %add3A_1162, %mul3A_1188 : i32
        %get3A_1190 = arith.index_cast %mul3A_1189 : i32 to index
        %get3A_1191 = tpu.vector_load %arg8[%get3A_1190] {strides = array<i32>} : memref<512xi32, #tpu.memory_space<vmem>>, vector<16xi32>,
        %swap3A = arith.constant 0 : index
        %swap3A_1192 = tpu.vector_load %arg15[%swap3A] {strides = array<i32>} : memref<16xi32, #tpu.memory_space<vmem>>, vector<16xi32>,
        tpu.vector_store %arg15[%swap3A], %get3A_1191 {strides = array<i32>} : memref<16xi32, #tpu.memory_space<vmem>>, vector<16xi32>,
        %dma_start3A = arith.constant 32 : i32
        %dma_start3A_1193 = arith.constant 0 : i32
        %dma_start3A_1194 = tpu.memref_slice %arg16[%dma_start3A, %dma_start3A_1193] : memref<48x2048xf32, #tpu.memory_space<vmem>> -> memref<16x2048xf32, #tpu.memory_space<vmem>>
        %dma_start3A_1195 = arith.constant 0 : i32
        %dma_start3A_1196 = arith.constant 0 : i32
        %dma_start3A_1197 = tpu.memref_slice %arg5[%dma_start3A_1195, %dma_start3A_1196] : memref<16384x2048xf32, #tpu.memory_space<hbm>> -> memref<16384x2048xf32, #tpu.memory_space<hbm>>
        tpu.enqueue_indirect_dma source(%dma_start3A_1194 : memref<16x2048xf32, #tpu.memory_space<vmem>>) target(%dma_start3A_1197 : memref<16384x2048xf32, #tpu.memory_space<hbm>>) offsets(%arg15 : memref<16xi32, #tpu.memory_space<vmem>>) semaphore(%arg22 : memref<!tpu.dma_semaphore, #tpu.memory_space<semaphore_mem>>)
      } else {
      }
      %ge3A_1167 = arith.constant 1 : i32
      %ge3A_1168 = arith.cmpi sge, %add3A_1162, %ge3A_1167 : i32
      %sub3A_1169 = arith.constant 1 : i32
      %sub3A_1170 = arith.subi %select_n3A_984, %sub3A_1169 : i32
      %le3A_1171 = arith.cmpi sle, %add3A_1162, %sub3A_1170 : i32
      %and3A_1172 = arith.andi %ge3A_1168, %le3A_1171 : i1
      %convert_element_type3A_1173 = arith.extui %and3A_1172 : i1 to i32
      %cond3A_1174 = arith.constant 0 : i32
      %cond3A_1175 = arith.cmpi ne, %convert_element_type3A_1173, %cond3A_1174 : i32
      scf.if %cond3A_1175 {
        %dma_wait3A = arith.constant 16 : i32
        %dma_wait3A_1183 = arith.constant 0 : i32
        %dma_wait3A_1184 = tpu.memref_slice %arg16[%dma_wait3A, %dma_wait3A_1183] : memref<48x2048xf32, #tpu.memory_space<vmem>> -> memref<16x2048xf32, #tpu.memory_space<vmem>>
        %dma_wait3A_1185 = arith.constant 0 : i32
        %dma_wait3A_1186 = arith.constant 0 : i32
        %dma_wait3A_1187 = tpu.memref_slice %arg5[%dma_wait3A_1185, %dma_wait3A_1186] : memref<16384x2048xf32, #tpu.memory_space<hbm>> -> memref<16384x2048xf32, #tpu.memory_space<hbm>>
        tpu.wait_indirect_dma semaphore(%arg21 : memref<!tpu.dma_semaphore, #tpu.memory_space<semaphore_mem>>) src(%dma_wait3A_1184 : memref<16x2048xf32, #tpu.memory_space<vmem>>) dst(%dma_wait3A_1187 : memref<16384x2048xf32, #tpu.memory_space<hbm>>)
      } else {
      }
      %add3A_1176 = arith.constant 2 : i32
      %add3A_1177 = arith.addi %add3A_1162, %add3A_1176 : i32
      %lt3A_1178 = arith.cmpi slt, %add3A_1177, %select_n3A_984 : i32
      %convert_element_type3A_1179 = arith.extui %lt3A_1178 : i1 to i32
      %cond3A_1180 = arith.constant 0 : i32
      %cond3A_1181 = arith.cmpi ne, %convert_element_type3A_1179, %cond3A_1180 : i32
      scf.if %cond3A_1181 {
        %add3A_1183 = arith.constant 2 : i32
        %add3A_1184 = arith.addi %add3A_1162, %add3A_1183 : i32
        %mul3A_1185 = arith.constant 16 : i32
        %mul3A_1186 = arith.muli %add3A_1184, %mul3A_1185 : i32
        %add3A_1187 = arith.addi %reduce_sum3A_803, %mul3A_1186 : i32
        %add3A_1188 = vector.broadcast %add3A_1187 : i32 to vector<16xi32>
        %add3A_1189 = arith.addi %add3A_1188, %iota3A : vector<16xi32>
        %add3A_1190 = arith.addi %reduce_sum3A_803, %scan3A_704#0 : i32
        %sub3A_1191 = arith.constant 1 : i32
        %sub3A_1192 = arith.subi %add3A_1190, %sub3A_1191 : i32
        %min3A = vector.broadcast %sub3A_1192 : i32 to vector<16xi32>
        %min3A_1193 = arith.minsi %add3A_1189, %min3A : vector<16xi32>
        %swap3A = arith.constant 0 : index
        %swap3A_1194 = tpu.vector_load %arg11[%swap3A] {strides = array<i32>} : memref<16xi32, #tpu.memory_space<vmem>>, vector<16xi32>,
        tpu.vector_store %arg11[%swap3A], %min3A_1193 {strides = array<i32>} : memref<16xi32, #tpu.memory_space<vmem>>, vector<16xi32>,
        %dma_start3A = arith.constant 16 : i32
        %dma_start3A_1195 = arith.constant 0 : i32
        %dma_start3A_1196 = tpu.memref_slice %arg16[%dma_start3A, %dma_start3A_1195] : memref<48x2048xf32, #tpu.memory_space<vmem>> -> memref<16x2048xf32, #tpu.memory_space<vmem>>
        %dma_start3A_1197 = arith.constant 0 : i32
        %dma_start3A_1198 = arith.constant 0 : i32
        %dma_start3A_1199 = tpu.memref_slice %arg4[%dma_start3A_1197, %dma_start3A_1198] : memref<16384x2048xf32, #tpu.memory_space<hbm>> -> memref<16384x2048xf32, #tpu.memory_space<hbm>>
        tpu.enqueue_indirect_dma source(%dma_start3A_1199 : memref<16384x2048xf32, #tpu.memory_space<hbm>>) target(%dma_start3A_1196 : memref<16x2048xf32, #tpu.memory_space<vmem>>) offsets(%arg11 : memref<16xi32, #tpu.memory_space<vmem>>) semaphore(%arg18 : memref<!tpu.dma_semaphore, #tpu.memory_space<semaphore_mem>>)
      } else {
      }
      %while3A_1182 = arith.constant 0 : i32
      scf.yield %while3A_1182 : i32
    }
    %while3A_1033 = arith.constant 1 : i32
    %while3A_1034 = scf.for %while3A_1113 = %while3A_1030 to %while3A_1026 step %while3A_1033 iter_args(%while3A_1114 = %while3A_1032) -> (i32)  : i32 {
      %mul3A_1115 = arith.constant 3 : i32
      %mul3A_1116 = arith.muli %while3A_1113, %mul3A_1115 : i32
      %add3A_1117 = arith.constant 0 : i32
      %add3A_1118 = arith.addi %mul3A_1116, %add3A_1117 : i32
      %lt3A_1119 = arith.cmpi slt, %add3A_1118, %select_n3A_984 : i32
      %convert_element_type3A_1120 = arith.extui %lt3A_1119 : i1 to i32
      %cond3A_1121 = arith.constant 0 : i32
      %cond3A_1122 = arith.cmpi ne, %convert_element_type3A_1120, %cond3A_1121 : i32
      scf.if %cond3A_1122 {
        %dma_wait3A = arith.constant 0 : i32
        %dma_wait3A_1183 = arith.constant 0 : i32
        %dma_wait3A_1184 = tpu.memref_slice %arg16[%dma_wait3A, %dma_wait3A_1183] : memref<48x2048xf32, #tpu.memory_space<vmem>> -> memref<16x2048xf32, #tpu.memory_space<vmem>>
        %dma_wait3A_1185 = arith.constant 0 : i32
        %dma_wait3A_1186 = arith.constant 0 : i32
        %dma_wait3A_1187 = tpu.memref_slice %arg4[%dma_wait3A_1185, %dma_wait3A_1186] : memref<16384x2048xf32, #tpu.memory_space<hbm>> -> memref<16384x2048xf32, #tpu.memory_space<hbm>>
        tpu.wait_indirect_dma semaphore(%arg17 : memref<!tpu.dma_semaphore, #tpu.memory_space<semaphore_mem>>) src(%dma_wait3A_1187 : memref<16384x2048xf32, #tpu.memory_space<hbm>>) dst(%dma_wait3A_1184 : memref<16x2048xf32, #tpu.memory_space<vmem>>)
        %mul3A_1188 = arith.constant 16 : i32
        %mul3A_1189 = arith.muli %add3A_1118, %mul3A_1188 : i32
        %get3A_1190 = arith.index_cast %mul3A_1189 : i32 to index
        %get3A_1191 = tpu.vector_load %arg8[%get3A_1190] {strides = array<i32>} : memref<512xi32, #tpu.memory_space<vmem>>, vector<16xi32>,
        %swap3A = arith.constant 0 : index
        %swap3A_1192 = tpu.vector_load %arg13[%swap3A] {strides = array<i32>} : memref<16xi32, #tpu.memory_space<vmem>>, vector<16xi32>,
        tpu.vector_store %arg13[%swap3A], %get3A_1191 {strides = array<i32>} : memref<16xi32, #tpu.memory_space<vmem>>, vector<16xi32>,
        %dma_start3A = arith.constant 0 : i32
        %dma_start3A_1193 = arith.constant 0 : i32
        %dma_start3A_1194 = tpu.memref_slice %arg16[%dma_start3A, %dma_start3A_1193] : memref<48x2048xf32, #tpu.memory_space<vmem>> -> memref<16x2048xf32, #tpu.memory_space<vmem>>
        %dma_start3A_1195 = arith.constant 0 : i32
        %dma_start3A_1196 = arith.constant 0 : i32
        %dma_start3A_1197 = tpu.memref_slice %arg5[%dma_start3A_1195, %dma_start3A_1196] : memref<16384x2048xf32, #tpu.memory_space<hbm>> -> memref<16384x2048xf32, #tpu.memory_space<hbm>>
        tpu.enqueue_indirect_dma source(%dma_start3A_1194 : memref<16x2048xf32, #tpu.memory_space<vmem>>) target(%dma_start3A_1197 : memref<16384x2048xf32, #tpu.memory_space<hbm>>) offsets(%arg13 : memref<16xi32, #tpu.memory_space<vmem>>) semaphore(%arg20 : memref<!tpu.dma_semaphore, #tpu.memory_space<semaphore_mem>>)
      } else {
      }
      %ge3A = arith.constant 1 : i32
      %ge3A_1123 = arith.cmpi sge, %add3A_1118, %ge3A : i32
      %sub3A_1124 = arith.constant 1 : i32
      %sub3A_1125 = arith.subi %select_n3A_984, %sub3A_1124 : i32
      %le3A = arith.cmpi sle, %add3A_1118, %sub3A_1125 : i32
      %and3A_1126 = arith.andi %ge3A_1123, %le3A : i1
      %convert_element_type3A_1127 = arith.extui %and3A_1126 : i1 to i32
      %cond3A_1128 = arith.constant 0 : i32
      %cond3A_1129 = arith.cmpi ne, %convert_element_type3A_1127, %cond3A_1128 : i32
      scf.if %cond3A_1129 {
        %dma_wait3A = arith.constant 32 : i32
        %dma_wait3A_1183 = arith.constant 0 : i32
        %dma_wait3A_1184 = tpu.memref_slice %arg16[%dma_wait3A, %dma_wait3A_1183] : memref<48x2048xf32, #tpu.memory_space<vmem>> -> memref<16x2048xf32, #tpu.memory_space<vmem>>
        %dma_wait3A_1185 = arith.constant 0 : i32
        %dma_wait3A_1186 = arith.constant 0 : i32
        %dma_wait3A_1187 = tpu.memref_slice %arg5[%dma_wait3A_1185, %dma_wait3A_1186] : memref<16384x2048xf32, #tpu.memory_space<hbm>> -> memref<16384x2048xf32, #tpu.memory_space<hbm>>
        tpu.wait_indirect_dma semaphore(%arg22 : memref<!tpu.dma_semaphore, #tpu.memory_space<semaphore_mem>>) src(%dma_wait3A_1184 : memref<16x2048xf32, #tpu.memory_space<vmem>>) dst(%dma_wait3A_1187 : memref<16384x2048xf32, #tpu.memory_space<hbm>>)
      } else {
      }
      %add3A_1130 = arith.constant 2 : i32
      %add3A_1131 = arith.addi %add3A_1118, %add3A_1130 : i32
      %lt3A_1132 = arith.cmpi slt, %add3A_1131, %select_n3A_984 : i32
      %convert_element_type3A_1133 = arith.extui %lt3A_1132 : i1 to i32
      %cond3A_1134 = arith.constant 0 : i32
      %cond3A_1135 = arith.cmpi ne, %convert_element_type3A_1133, %cond3A_1134 : i32
      scf.if %cond3A_1135 {
        %add3A_1183 = arith.constant 2 : i32
        %add3A_1184 = arith.addi %add3A_1118, %add3A_1183 : i32
        %mul3A_1185 = arith.constant 16 : i32
        %mul3A_1186 = arith.muli %add3A_1184, %mul3A_1185 : i32
        %add3A_1187 = arith.addi %reduce_sum3A_803, %mul3A_1186 : i32
        %add3A_1188 = vector.broadcast %add3A_1187 : i32 to vector<16xi32>
        %add3A_1189 = arith.addi %add3A_1188, %iota3A : vector<16xi32>
        %add3A_1190 = arith.addi %reduce_sum3A_803, %scan3A_704#0 : i32
        %sub3A_1191 = arith.constant 1 : i32
        %sub3A_1192 = arith.subi %add3A_1190, %sub3A_1191 : i32
        %min3A = vector.broadcast %sub3A_1192 : i32 to vector<16xi32>
        %min3A_1193 = arith.minsi %add3A_1189, %min3A : vector<16xi32>
        %swap3A = arith.constant 0 : index
        %swap3A_1194 = tpu.vector_load %arg12[%swap3A] {strides = array<i32>} : memref<16xi32, #tpu.memory_space<vmem>>, vector<16xi32>,
        tpu.vector_store %arg12[%swap3A], %min3A_1193 {strides = array<i32>} : memref<16xi32, #tpu.memory_space<vmem>>, vector<16xi32>,
        %dma_start3A = arith.constant 32 : i32
        %dma_start3A_1195 = arith.constant 0 : i32
        %dma_start3A_1196 = tpu.memref_slice %arg16[%dma_start3A, %dma_start3A_1195] : memref<48x2048xf32, #tpu.memory_space<vmem>> -> memref<16x2048xf32, #tpu.memory_space<vmem>>
        %dma_start3A_1197 = arith.constant 0 : i32
        %dma_start3A_1198 = arith.constant 0 : i32
        %dma_start3A_1199 = tpu.memref_slice %arg4[%dma_start3A_1197, %dma_start3A_1198] : memref<16384x2048xf32, #tpu.memory_space<hbm>> -> memref<16384x2048xf32, #tpu.memory_space<hbm>>
        tpu.enqueue_indirect_dma source(%dma_start3A_1199 : memref<16384x2048xf32, #tpu.memory_space<hbm>>) target(%dma_start3A_1196 : memref<16x2048xf32, #tpu.memory_space<vmem>>) offsets(%arg12 : memref<16xi32, #tpu.memory_space<vmem>>) semaphore(%arg19 : memref<!tpu.dma_semaphore, #tpu.memory_space<semaphore_mem>>)
      } else {
      }
      %mul3A_1136 = arith.constant 3 : i32
      %mul3A_1137 = arith.muli %while3A_1113, %mul3A_1136 : i32
      %add3A_1138 = arith.constant 1 : i32
      %add3A_1139 = arith.addi %mul3A_1137, %add3A_1138 : i32
      %lt3A_1140 = arith.cmpi slt, %add3A_1139, %select_n3A_984 : i32
      %convert_element_type3A_1141 = arith.extui %lt3A_1140 : i1 to i32
      %cond3A_1142 = arith.constant 0 : i32
      %cond3A_1143 = arith.cmpi ne, %convert_element_type3A_1141, %cond3A_1142 : i32
      scf.if %cond3A_1143 {
        %dma_wait3A = arith.constant 16 : i32
        %dma_wait3A_1183 = arith.constant 0 : i32
        %dma_wait3A_1184 = tpu.memref_slice %arg16[%dma_wait3A, %dma_wait3A_1183] : memref<48x2048xf32, #tpu.memory_space<vmem>> -> memref<16x2048xf32, #tpu.memory_space<vmem>>
        %dma_wait3A_1185 = arith.constant 0 : i32
        %dma_wait3A_1186 = arith.constant 0 : i32
        %dma_wait3A_1187 = tpu.memref_slice %arg4[%dma_wait3A_1185, %dma_wait3A_1186] : memref<16384x2048xf32, #tpu.memory_space<hbm>> -> memref<16384x2048xf32, #tpu.memory_space<hbm>>
        tpu.wait_indirect_dma semaphore(%arg18 : memref<!tpu.dma_semaphore, #tpu.memory_space<semaphore_mem>>) src(%dma_wait3A_1187 : memref<16384x2048xf32, #tpu.memory_space<hbm>>) dst(%dma_wait3A_1184 : memref<16x2048xf32, #tpu.memory_space<vmem>>)
        %mul3A_1188 = arith.constant 16 : i32
        %mul3A_1189 = arith.muli %add3A_1139, %mul3A_1188 : i32
        %get3A_1190 = arith.index_cast %mul3A_1189 : i32 to index
        %get3A_1191 = tpu.vector_load %arg8[%get3A_1190] {strides = array<i32>} : memref<512xi32, #tpu.memory_space<vmem>>, vector<16xi32>,
        %swap3A = arith.constant 0 : index
        %swap3A_1192 = tpu.vector_load %arg14[%swap3A] {strides = array<i32>} : memref<16xi32, #tpu.memory_space<vmem>>, vector<16xi32>,
        tpu.vector_store %arg14[%swap3A], %get3A_1191 {strides = array<i32>} : memref<16xi32, #tpu.memory_space<vmem>>, vector<16xi32>,
        %dma_start3A = arith.constant 16 : i32
        %dma_start3A_1193 = arith.constant 0 : i32
        %dma_start3A_1194 = tpu.memref_slice %arg16[%dma_start3A, %dma_start3A_1193] : memref<48x2048xf32, #tpu.memory_space<vmem>> -> memref<16x2048xf32, #tpu.memory_space<vmem>>
        %dma_start3A_1195 = arith.constant 0 : i32
        %dma_start3A_1196 = arith.constant 0 : i32
        %dma_start3A_1197 = tpu.memref_slice %arg5[%dma_start3A_1195, %dma_start3A_1196] : memref<16384x2048xf32, #tpu.memory_space<hbm>> -> memref<16384x2048xf32, #tpu.memory_space<hbm>>
        tpu.enqueue_indirect_dma source(%dma_start3A_1194 : memref<16x2048xf32, #tpu.memory_space<vmem>>) target(%dma_start3A_1197 : memref<16384x2048xf32, #tpu.memory_space<hbm>>) offsets(%arg14 : memref<16xi32, #tpu.memory_space<vmem>>) semaphore(%arg21 : memref<!tpu.dma_semaphore, #tpu.memory_space<semaphore_mem>>)
      } else {
      }
      %ge3A_1144 = arith.constant 1 : i32
      %ge3A_1145 = arith.cmpi sge, %add3A_1139, %ge3A_1144 : i32
      %sub3A_1146 = arith.constant 1 : i32
      %sub3A_1147 = arith.subi %select_n3A_984, %sub3A_1146 : i32
      %le3A_1148 = arith.cmpi sle, %add3A_1139, %sub3A_1147 : i32
      %and3A_1149 = arith.andi %ge3A_1145, %le3A_1148 : i1
      %convert_element_type3A_1150 = arith.extui %and3A_1149 : i1 to i32
      %cond3A_1151 = arith.constant 0 : i32
      %cond3A_1152 = arith.cmpi ne, %convert_element_type3A_1150, %cond3A_1151 : i32
      scf.if %cond3A_1152 {
        %dma_wait3A = arith.constant 0 : i32
        %dma_wait3A_1183 = arith.constant 0 : i32
        %dma_wait3A_1184 = tpu.memref_slice %arg16[%dma_wait3A, %dma_wait3A_1183] : memref<48x2048xf32, #tpu.memory_space<vmem>> -> memref<16x2048xf32, #tpu.memory_space<vmem>>
        %dma_wait3A_1185 = arith.constant 0 : i32
        %dma_wait3A_1186 = arith.constant 0 : i32
        %dma_wait3A_1187 = tpu.memref_slice %arg5[%dma_wait3A_1185, %dma_wait3A_1186] : memref<16384x2048xf32, #tpu.memory_space<hbm>> -> memref<16384x2048xf32, #tpu.memory_space<hbm>>
        tpu.wait_indirect_dma semaphore(%arg20 : memref<!tpu.dma_semaphore, #tpu.memory_space<semaphore_mem>>) src(%dma_wait3A_1184 : memref<16x2048xf32, #tpu.memory_space<vmem>>) dst(%dma_wait3A_1187 : memref<16384x2048xf32, #tpu.memory_space<hbm>>)
      } else {
      }
      %add3A_1153 = arith.constant 2 : i32
      %add3A_1154 = arith.addi %add3A_1139, %add3A_1153 : i32
      %lt3A_1155 = arith.cmpi slt, %add3A_1154, %select_n3A_984 : i32
      %convert_element_type3A_1156 = arith.extui %lt3A_1155 : i1 to i32
      %cond3A_1157 = arith.constant 0 : i32
      %cond3A_1158 = arith.cmpi ne, %convert_element_type3A_1156, %cond3A_1157 : i32
      scf.if %cond3A_1158 {
        %add3A_1183 = arith.constant 2 : i32
        %add3A_1184 = arith.addi %add3A_1139, %add3A_1183 : i32
        %mul3A_1185 = arith.constant 16 : i32
        %mul3A_1186 = arith.muli %add3A_1184, %mul3A_1185 : i32
        %add3A_1187 = arith.addi %reduce_sum3A_803, %mul3A_1186 : i32
        %add3A_1188 = vector.broadcast %add3A_1187 : i32 to vector<16xi32>
        %add3A_1189 = arith.addi %add3A_1188, %iota3A : vector<16xi32>
        %add3A_1190 = arith.addi %reduce_sum3A_803, %scan3A_704#0 : i32
        %sub3A_1191 = arith.constant 1 : i32
        %sub3A_1192 = arith.subi %add3A_1190, %sub3A_1191 : i32
        %min3A = vector.broadcast %sub3A_1192 : i32 to vector<16xi32>
        %min3A_1193 = arith.minsi %add3A_1189, %min3A : vector<16xi32>
        %swap3A = arith.constant 0 : index
        %swap3A_1194 = tpu.vector_load %arg10[%swap3A] {strides = array<i32>} : memref<16xi32, #tpu.memory_space<vmem>>, vector<16xi32>,
        tpu.vector_store %arg10[%swap3A], %min3A_1193 {strides = array<i32>} : memref<16xi32, #tpu.memory_space<vmem>>, vector<16xi32>,
        %dma_start3A = arith.constant 0 : i32
        %dma_start3A_1195 = arith.constant 0 : i32
        %dma_start3A_1196 = tpu.memref_slice %arg16[%dma_start3A, %dma_start3A_1195] : memref<48x2048xf32, #tpu.memory_space<vmem>> -> memref<16x2048xf32, #tpu.memory_space<vmem>>
        %dma_start3A_1197 = arith.constant 0 : i32
        %dma_start3A_1198 = arith.constant 0 : i32
        %dma_start3A_1199 = tpu.memref_slice %arg4[%dma_start3A_1197, %dma_start3A_1198] : memref<16384x2048xf32, #tpu.memory_space<hbm>> -> memref<16384x2048xf32, #tpu.memory_space<hbm>>
        tpu.enqueue_indirect_dma source(%dma_start3A_1199 : memref<16384x2048xf32, #tpu.memory_space<hbm>>) target(%dma_start3A_1196 : memref<16x2048xf32, #tpu.memory_space<vmem>>) offsets(%arg10 : memref<16xi32, #tpu.memory_space<vmem>>) semaphore(%arg17 : memref<!tpu.dma_semaphore, #tpu.memory_space<semaphore_mem>>)
      } else {
      }
      %mul3A_1159 = arith.constant 3 : i32
      %mul3A_1160 = arith.muli %while3A_1113, %mul3A_1159 : i32
      %add3A_1161 = arith.constant 2 : i32
      %add3A_1162 = arith.addi %mul3A_1160, %add3A_1161 : i32
      %lt3A_1163 = arith.cmpi slt, %add3A_1162, %select_n3A_984 : i32
      %convert_element_type3A_1164 = arith.extui %lt3A_1163 : i1 to i32
      %cond3A_1165 = arith.constant 0 : i32
      %cond3A_1166 = arith.cmpi ne, %convert_element_type3A_1164, %cond3A_1165 : i32
      scf.if %cond3A_1166 {
        %dma_wait3A = arith.constant 32 : i32
        %dma_wait3A_1183 = arith.constant 0 : i32
        %dma_wait3A_1184 = tpu.memref_slice %arg16[%dma_wait3A, %dma_wait3A_1183] : memref<48x2048xf32, #tpu.memory_space<vmem>> -> memref<16x2048xf32, #tpu.memory_space<vmem>>
        %dma_wait3A_1185 = arith.constant 0 : i32
        %dma_wait3A_1186 = arith.constant 0 : i32
        %dma_wait3A_1187 = tpu.memref_slice %arg4[%dma_wait3A_1185, %dma_wait3A_1186] : memref<16384x2048xf32, #tpu.memory_space<hbm>> -> memref<16384x2048xf32, #tpu.memory_space<hbm>>
        tpu.wait_indirect_dma semaphore(%arg19 : memref<!tpu.dma_semaphore, #tpu.memory_space<semaphore_mem>>) src(%dma_wait3A_1187 : memref<16384x2048xf32, #tpu.memory_space<hbm>>) dst(%dma_wait3A_1184 : memref<16x2048xf32, #tpu.memory_space<vmem>>)
        %mul3A_1188 = arith.constant 16 : i32
        %mul3A_1189 = arith.muli %add3A_1162, %mul3A_1188 : i32
        %get3A_1190 = arith.index_cast %mul3A_1189 : i32 to index
        %get3A_1191 = tpu.vector_load %arg8[%get3A_1190] {strides = array<i32>} : memref<512xi32, #tpu.memory_space<vmem>>, vector<16xi32>,
        %swap3A = arith.constant 0 : index
        %swap3A_1192 = tpu.vector_load %arg15[%swap3A] {strides = array<i32>} : memref<16xi32, #tpu.memory_space<vmem>>, vector<16xi32>,
        tpu.vector_store %arg15[%swap3A], %get3A_1191 {strides = array<i32>} : memref<16xi32, #tpu.memory_space<vmem>>, vector<16xi32>,
        %dma_start3A = arith.constant 32 : i32
        %dma_start3A_1193 = arith.constant 0 : i32
        %dma_start3A_1194 = tpu.memref_slice %arg16[%dma_start3A, %dma_start3A_1193] : memref<48x2048xf32, #tpu.memory_space<vmem>> -> memref<16x2048xf32, #tpu.memory_space<vmem>>
        %dma_start3A_1195 = arith.constant 0 : i32
        %dma_start3A_1196 = arith.constant 0 : i32
        %dma_start3A_1197 = tpu.memref_slice %arg5[%dma_start3A_1195, %dma_start3A_1196] : memref<16384x2048xf32, #tpu.memory_space<hbm>> -> memref<16384x2048xf32, #tpu.memory_space<hbm>>
        tpu.enqueue_indirect_dma source(%dma_start3A_1194 : memref<16x2048xf32, #tpu.memory_space<vmem>>) target(%dma_start3A_1197 : memref<16384x2048xf32, #tpu.memory_space<hbm>>) offsets(%arg15 : memref<16xi32, #tpu.memory_space<vmem>>) semaphore(%arg22 : memref<!tpu.dma_semaphore, #tpu.memory_space<semaphore_mem>>)
      } else {
      }
      %ge3A_1167 = arith.constant 1 : i32
      %ge3A_1168 = arith.cmpi sge, %add3A_1162, %ge3A_1167 : i32
      %sub3A_1169 = arith.constant 1 : i32
      %sub3A_1170 = arith.subi %select_n3A_984, %sub3A_1169 : i32
      %le3A_1171 = arith.cmpi sle, %add3A_1162, %sub3A_1170 : i32
      %and3A_1172 = arith.andi %ge3A_1168, %le3A_1171 : i1
      %convert_element_type3A_1173 = arith.extui %and3A_1172 : i1 to i32
      %cond3A_1174 = arith.constant 0 : i32
      %cond3A_1175 = arith.cmpi ne, %convert_element_type3A_1173, %cond3A_1174 : i32
      scf.if %cond3A_1175 {
        %dma_wait3A = arith.constant 16 : i32
        %dma_wait3A_1183 = arith.constant 0 : i32
        %dma_wait3A_1184 = tpu.memref_slice %arg16[%dma_wait3A, %dma_wait3A_1183] : memref<48x2048xf32, #tpu.memory_space<vmem>> -> memref<16x2048xf32, #tpu.memory_space<vmem>>
        %dma_wait3A_1185 = arith.constant 0 : i32
        %dma_wait3A_1186 = arith.constant 0 : i32
        %dma_wait3A_1187 = tpu.memref_slice %arg5[%dma_wait3A_1185, %dma_wait3A_1186] : memref<16384x2048xf32, #tpu.memory_space<hbm>> -> memref<16384x2048xf32, #tpu.memory_space<hbm>>
        tpu.wait_indirect_dma semaphore(%arg21 : memref<!tpu.dma_semaphore, #tpu.memory_space<semaphore_mem>>) src(%dma_wait3A_1184 : memref<16x2048xf32, #tpu.memory_space<vmem>>) dst(%dma_wait3A_1187 : memref<16384x2048xf32, #tpu.memory_space<hbm>>)
      } else {
      }
      %add3A_1176 = arith.constant 2 : i32
      %add3A_1177 = arith.addi %add3A_1162, %add3A_1176 : i32
      %lt3A_1178 = arith.cmpi slt, %add3A_1177, %select_n3A_984 : i32
      %convert_element_type3A_1179 = arith.extui %lt3A_1178 : i1 to i32
      %cond3A_1180 = arith.constant 0 : i32
      %cond3A_1181 = arith.cmpi ne, %convert_element_type3A_1179, %cond3A_1180 : i32
      scf.if %cond3A_1181 {
        %add3A_1183 = arith.constant 2 : i32
        %add3A_1184 = arith.addi %add3A_1162, %add3A_1183 : i32
        %mul3A_1185 = arith.constant 16 : i32
        %mul3A_1186 = arith.muli %add3A_1184, %mul3A_1185 : i32
        %add3A_1187 = arith.addi %reduce_sum3A_803, %mul3A_1186 : i32
        %add3A_1188 = vector.broadcast %add3A_1187 : i32 to vector<16xi32>
        %add3A_1189 = arith.addi %add3A_1188, %iota3A : vector<16xi32>
        %add3A_1190 = arith.addi %reduce_sum3A_803, %scan3A_704#0 : i32
        %sub3A_1191 = arith.constant 1 : i32
        %sub3A_1192 = arith.subi %add3A_1190, %sub3A_1191 : i32
        %min3A = vector.broadcast %sub3A_1192 : i32 to vector<16xi32>
        %min3A_1193 = arith.minsi %add3A_1189, %min3A : vector<16xi32>
        %swap3A = arith.constant 0 : index
        %swap3A_1194 = tpu.vector_load %arg11[%swap3A] {strides = array<i32>} : memref<16xi32, #tpu.memory_space<vmem>>, vector<16xi32>,
        tpu.vector_store %arg11[%swap3A], %min3A_1193 {strides = array<i32>} : memref<16xi32, #tpu.memory_space<vmem>>, vector<16xi32>,
        %dma_start3A = arith.constant 16 : i32
        %dma_start3A_1195 = arith.constant 0 : i32
        %dma_start3A_1196 = tpu.memref_slice %arg16[%dma_start3A, %dma_start3A_1195] : memref<48x2048xf32, #tpu.memory_space<vmem>> -> memref<16x2048xf32, #tpu.memory_space<vmem>>
        %dma_start3A_1197 = arith.constant 0 : i32
        %dma_start3A_1198 = arith.constant 0 : i32
        %dma_start3A_1199 = tpu.memref_slice %arg4[%dma_start3A_1197, %dma_start3A_1198] : memref<16384x2048xf32, #tpu.memory_space<hbm>> -> memref<16384x2048xf32, #tpu.memory_space<hbm>>
        tpu.enqueue_indirect_dma source(%dma_start3A_1199 : memref<16384x2048xf32, #tpu.memory_space<hbm>>) target(%dma_start3A_1196 : memref<16x2048xf32, #tpu.memory_space<vmem>>) offsets(%arg11 : memref<16xi32, #tpu.memory_space<vmem>>) semaphore(%arg18 : memref<!tpu.dma_semaphore, #tpu.memory_space<semaphore_mem>>)
      } else {
      }
      %while3A_1182 = arith.constant 0 : i32
      scf.yield %while3A_1182 : i32
    }
    %gt3A_1035 = arith.constant 0 : i32
    %gt3A_1036 = arith.cmpi sgt, %select_n3A_984, %gt3A_1035 : i32
    %sub3A_1037 = arith.constant 1 : i32
    %sub3A_1038 = arith.subi %select_n3A_984, %sub3A_1037 : i32
    %jit3A_1039 = arith.constant 3 : i32
    %eq3A_1040 = arith.constant 0 : i32
    %eq3A_1041 = arith.cmpi eq, %jit3A_1039, %eq3A_1040 : i32
    %jit3A_1042 = arith.constant 1 : i32
    %select_n3A_1043 = arith.select %eq3A_1041, %jit3A_1042, %jit3A_1039 : i32
    %rem3A_1044 = arith.remsi %sub3A_1038, %select_n3A_1043 : i32
    %ne3A_1045 = arith.constant 0 : i32
    %ne3A_1046 = arith.cmpi ne, %rem3A_1044, %ne3A_1045 : i32
    %lt3A_1047 = arith.constant 0 : i32
    %lt3A_1048 = arith.cmpi slt, %rem3A_1044, %lt3A_1047 : i32
    %lt3A_1049 = arith.constant 0 : i32
    %lt3A_1050 = arith.cmpi slt, %select_n3A_1043, %lt3A_1049 : i32
    %ne3A_1051 = arith.xori %lt3A_1048, %lt3A_1050 : i1
    %and3A_1052 = arith.andi %ne3A_1051, %ne3A_1046 : i1
    %add3A_1053 = arith.addi %rem3A_1044, %select_n3A_1043 : i32
    %select_n3A_1054 = arith.select %and3A_1052, %add3A_1053, %rem3A_1044 : i32
    %eq3A_1055 = arith.constant 0 : i32
    %eq3A_1056 = arith.cmpi eq, %select_n3A_1054, %eq3A_1055 : i32
    %and3A_1057 = arith.andi %gt3A_1036, %eq3A_1056 : i1
    %convert_element_type3A_1058 = arith.extui %and3A_1057 : i1 to i32
    %cond3A_1059 = arith.constant 0 : i32
    %cond3A_1060 = arith.cmpi ne, %convert_element_type3A_1058, %cond3A_1059 : i32
    scf.if %cond3A_1060 {
      %dma_wait3A = arith.constant 0 : i32
      %dma_wait3A_1113 = arith.constant 0 : i32
      %dma_wait3A_1114 = tpu.memref_slice %arg16[%dma_wait3A, %dma_wait3A_1113] : memref<48x2048xf32, #tpu.memory_space<vmem>> -> memref<16x2048xf32, #tpu.memory_space<vmem>>
      %dma_wait3A_1115 = arith.constant 0 : i32
      %dma_wait3A_1116 = arith.constant 0 : i32
      %dma_wait3A_1117 = tpu.memref_slice %arg5[%dma_wait3A_1115, %dma_wait3A_1116] : memref<16384x2048xf32, #tpu.memory_space<hbm>> -> memref<16384x2048xf32, #tpu.memory_space<hbm>>
      tpu.wait_indirect_dma semaphore(%arg20 : memref<!tpu.dma_semaphore, #tpu.memory_space<semaphore_mem>>) src(%dma_wait3A_1114 : memref<16x2048xf32, #tpu.memory_space<vmem>>) dst(%dma_wait3A_1117 : memref<16384x2048xf32, #tpu.memory_space<hbm>>)
    } else {
    }
    %gt3A_1061 = arith.constant 0 : i32
    %gt3A_1062 = arith.cmpi sgt, %select_n3A_984, %gt3A_1061 : i32
    %sub3A_1063 = arith.constant 1 : i32
    %sub3A_1064 = arith.subi %select_n3A_984, %sub3A_1063 : i32
    %jit3A_1065 = arith.constant 3 : i32
    %eq3A_1066 = arith.constant 0 : i32
    %eq3A_1067 = arith.cmpi eq, %jit3A_1065, %eq3A_1066 : i32
    %jit3A_1068 = arith.constant 1 : i32
    %select_n3A_1069 = arith.select %eq3A_1067, %jit3A_1068, %jit3A_1065 : i32
    %rem3A_1070 = arith.remsi %sub3A_1064, %select_n3A_1069 : i32
    %ne3A_1071 = arith.constant 0 : i32
    %ne3A_1072 = arith.cmpi ne, %rem3A_1070, %ne3A_1071 : i32
    %lt3A_1073 = arith.constant 0 : i32
    %lt3A_1074 = arith.cmpi slt, %rem3A_1070, %lt3A_1073 : i32
    %lt3A_1075 = arith.constant 0 : i32
    %lt3A_1076 = arith.cmpi slt, %select_n3A_1069, %lt3A_1075 : i32
    %ne3A_1077 = arith.xori %lt3A_1074, %lt3A_1076 : i1
    %and3A_1078 = arith.andi %ne3A_1077, %ne3A_1072 : i1
    %add3A_1079 = arith.addi %rem3A_1070, %select_n3A_1069 : i32
    %select_n3A_1080 = arith.select %and3A_1078, %add3A_1079, %rem3A_1070 : i32
    %eq3A_1081 = arith.constant 1 : i32
    %eq3A_1082 = arith.cmpi eq, %select_n3A_1080, %eq3A_1081 : i32
    %and3A_1083 = arith.andi %gt3A_1062, %eq3A_1082 : i1
    %convert_element_type3A_1084 = arith.extui %and3A_1083 : i1 to i32
    %cond3A_1085 = arith.constant 0 : i32
    %cond3A_1086 = arith.cmpi ne, %convert_element_type3A_1084, %cond3A_1085 : i32
    scf.if %cond3A_1086 {
      %dma_wait3A = arith.constant 16 : i32
      %dma_wait3A_1113 = arith.constant 0 : i32
      %dma_wait3A_1114 = tpu.memref_slice %arg16[%dma_wait3A, %dma_wait3A_1113] : memref<48x2048xf32, #tpu.memory_space<vmem>> -> memref<16x2048xf32, #tpu.memory_space<vmem>>
      %dma_wait3A_1115 = arith.constant 0 : i32
      %dma_wait3A_1116 = arith.constant 0 : i32
      %dma_wait3A_1117 = tpu.memref_slice %arg5[%dma_wait3A_1115, %dma_wait3A_1116] : memref<16384x2048xf32, #tpu.memory_space<hbm>> -> memref<16384x2048xf32, #tpu.memory_space<hbm>>
      tpu.wait_indirect_dma semaphore(%arg21 : memref<!tpu.dma_semaphore, #tpu.memory_space<semaphore_mem>>) src(%dma_wait3A_1114 : memref<16x2048xf32, #tpu.memory_space<vmem>>) dst(%dma_wait3A_1117 : memref<16384x2048xf32, #tpu.memory_space<hbm>>)
    } else {
    }
    %gt3A_1087 = arith.constant 0 : i32
    %gt3A_1088 = arith.cmpi sgt, %select_n3A_984, %gt3A_1087 : i32
    %sub3A_1089 = arith.constant 1 : i32
    %sub3A_1090 = arith.subi %select_n3A_984, %sub3A_1089 : i32
    %jit3A_1091 = arith.constant 3 : i32
    %eq3A_1092 = arith.constant 0 : i32
    %eq3A_1093 = arith.cmpi eq, %jit3A_1091, %eq3A_1092 : i32
    %jit3A_1094 = arith.constant 1 : i32
    %select_n3A_1095 = arith.select %eq3A_1093, %jit3A_1094, %jit3A_1091 : i32
    %rem3A_1096 = arith.remsi %sub3A_1090, %select_n3A_1095 : i32
    %ne3A_1097 = arith.constant 0 : i32
    %ne3A_1098 = arith.cmpi ne, %rem3A_1096, %ne3A_1097 : i32
    %lt3A_1099 = arith.constant 0 : i32
    %lt3A_1100 = arith.cmpi slt, %rem3A_1096, %lt3A_1099 : i32
    %lt3A_1101 = arith.constant 0 : i32
    %lt3A_1102 = arith.cmpi slt, %select_n3A_1095, %lt3A_1101 : i32
    %ne3A_1103 = arith.xori %lt3A_1100, %lt3A_1102 : i1
    %and3A_1104 = arith.andi %ne3A_1103, %ne3A_1098 : i1
    %add3A_1105 = arith.addi %rem3A_1096, %select_n3A_1095 : i32
    %select_n3A_1106 = arith.select %and3A_1104, %add3A_1105, %rem3A_1096 : i32
    %eq3A_1107 = arith.constant 2 : i32
    %eq3A_1108 = arith.cmpi eq, %select_n3A_1106, %eq3A_1107 : i32
    %and3A_1109 = arith.andi %gt3A_1088, %eq3A_1108 : i1
    %convert_element_type3A_1110 = arith.extui %and3A_1109 : i1 to i32
    %cond3A_1111 = arith.constant 0 : i32
    %cond3A_1112 = arith.cmpi ne, %convert_element_type3A_1110, %cond3A_1111 : i32
    scf.if %cond3A_1112 {
      %dma_wait3A = arith.constant 32 : i32
      %dma_wait3A_1113 = arith.constant 0 : i32
      %dma_wait3A_1114 = tpu.memref_slice %arg16[%dma_wait3A, %dma_wait3A_1113] : memref<48x2048xf32, #tpu.memory_space<vmem>> -> memref<16x2048xf32, #tpu.memory_space<vmem>>
      %dma_wait3A_1115 = arith.constant 0 : i32
      %dma_wait3A_1116 = arith.constant 0 : i32
      %dma_wait3A_1117 = tpu.memref_slice %arg5[%dma_wait3A_1115, %dma_wait3A_1116] : memref<16384x2048xf32, #tpu.memory_space<hbm>> -> memref<16384x2048xf32, #tpu.memory_space<hbm>>
      tpu.wait_indirect_dma semaphore(%arg22 : memref<!tpu.dma_semaphore, #tpu.memory_space<semaphore_mem>>) src(%dma_wait3A_1114 : memref<16x2048xf32, #tpu.memory_space<vmem>>) dst(%dma_wait3A_1117 : memref<16384x2048xf32, #tpu.memory_space<hbm>>)
    } else {
    }
    return
  }
}

</mosaic_0001>

<sc_bundles>
// kernel: _masked_scatter_rows.3.cloned.1.call-start
scs
__scs_entry_jumppad:
0x0: {  	(pc) =	sbr.rel $0x88, $3  }
0x1: {  	(tag) =	ssettag $0x0;
	lr =	simm.s32 $0x1  }
0x2: {  	[smem:$0x3F9E] =	sst lr;
	_ =	strace $0xD0000000  }
0x3: {  	_ = 	snop  }
0x4: {  	_ = 	snop  }
0x5: {  	_ = 	snop  }
0x6: {  	_ = 	snop  }
0x7: {  	_ = 	snop  }
__scs_overlays_trampoline_lowered:
0x8: {  	[smem:$0x3FAD] =	sst s0  }
0x9: {  	[smem:$0x3FAE] =	sst s1  }
0xa: {  	[smem:$0x3FAF] =	sst s2  }
0xb: {  	[smem:$0x3FB0] =	sst s3  }
0xc: {  	[smem:$0x3FB1] =	sst s4  }
0xd: {  	[smem:$0x3FB2] =	sst s5  }
0xe: {  	[smem:$0x3FB3] =	sst s6  }
0xf: {  	[smem:$0x3FB4] =	sst s7  }
0x10: {  	[smem:$0x3FB5] =	sst s8  }
0x11: {  	[smem:$0x3FB6] =	sst s9;
	s0 =	simm.s32 @!p0 $0x0  }
0x12: {  	s1 =	sld [smem:$0x3F9C];
	s0 =	simm.s32 @p0 $0x1  }
0x13: {  	[smem:$0x3FB7] =	sst s0;
	s0 =	simm.s32 @!p1 $0x0  }
0x14: {  	s2 =	sld [smem:$0x3F9B];
	s0 =	simm.s32 @p1 $0x1  }
0x15: {  	[smem:$0x3FB8] =	sst s0;
	s0 =	simm.s32 @!p2 $0x0  }
0x16: {  	s3 =	sld [smem:$0x3FDB];
	s0 =	simm.s32 @p2 $0x1  }
0x17: {  	s4 =	simm.s32 $0x1BF5;
	[smem:$0x3FBA] =	sst s0  }
0x18: {  	s0 =	sld [smem:$0x3F9D];
	_ =	swait.ge [sflag:s4], $0x0  }
0x19: {  	s7 =	sld [smem:$0x3F9E]  }
0x1a: {  	s8 =	sadd.s32 $0xFFFFE003, lr  }
0x1b: {  	s9 =	sadd.s32 $0xFFFFFEF7, lr;
	s5 =	simm.s32 $0xFFFFFFFF;
	p2 =	slt.u32 s8, $0xFFFFF086  }
0x1c: {  	p1 =	slt.u32 s9, $0xF7A;
	s5 =	simm.s32 @!p2 $0x0  }
0x1d: {  	s5 =	simm.s32 @p1 $0x1;
	p0 =	seq.s32 s7, s2  }
0x1e: {  	s7 =	smul.u32 @!p0 $0xF7A, s2;
	p2 =	seq.s32 @!p0 s5, $0x0  }
0x1f: {  	s9 =	smul.u32 $0xF7A, s1;
	s8 =	simm.s32 @!p0 $0x1BF5;
	p2 =	por !p2, p0  }
0x20: {  	[sflag:s8] =	ssyncset.s32 @!p0 $0xFFFFF086;
	s6 =	sadd.s32 @!p0 s3, s7;
	s7 =	simm.s32 @!p0 $0x108  }
0x21: {  	s3 =	sadd.s32 s3, s9;
	s6 =	sadd.s32 @!p0 $0x88, s6;
	s7 =	simm.s32 @p2 $0x1082  }
0x22: {  	[simem:s7], [sflag:s8] =	dma.local @!p0 [hbm:s6], $0xF7A  }
0x23: {  	s9 =	sor.u32 $0xD0000000, s2;
	s6 =	simm.s32 $0x108;
	_ =	swait.ge @!p0 [sflag:s8], $0x0  }
0x24: {  	s3 =	sadd.s32 $0x88, s3;
	s6 =	simm.s32 @!p1 $0x1082;
	[sflag:s4] =	ssyncset.s32 $0xFFFFF086  }
0x25: {  	[simem:s6], [sflag:s4] =	dma.local [hbm:s3], $0xF7A  }
0x26: {  	[smem:$0x3F9E] =	sst s1;
	(tag) =	ssettag s2;
	_ =	strace s9  }
0x27: {  	s1 =	sld [smem:$0x3FAE]  }
0x28: {  	s2 =	sld [smem:$0x3FAF]  }
0x29: {  	s4 =	sld [smem:$0x3FB1]  }
0x2a: {  	p0 =	seq.s32 s5, $0x0;
	s5 =	sld [smem:$0x3FB2]  }
0x2b: {  	s6 =	sld [smem:$0x3FB3]  }
0x2c: {  	s7 =	sld [smem:$0x3FB4]  }
0x2d: {  	s3 =	simm.s32 $0x108;
	s8 =	sld [smem:$0x3FB5]  }
0x2e: {  	s3 =	simm.s32 @!p0 $0x1082;
	s9 =	sld [smem:$0x3FB6]  }
0x2f: {  	lr =	sadd.s32 s0, s3;
	s0 =	sld [smem:$0x3FAD]  }
0x30: {  	s3 =	sld [smem:$0x3FB0]  }
0x31: {  	[smem:$0x3FB9] =	sst s10  }
0x32: {  	s10 =	sld [smem:$0x3FB7];
	_ =	sdelay $0x3  }
0x33: {  	p0 =	seq.s32 s10, $0x1;
	s10 =	sld [smem:$0x3FB9];
	_ =	sdelay $0x3  }
0x34: {  	[smem:$0x3FB9] =	sst s10  }
0x35: {  	s10 =	sld [smem:$0x3FB8];
	_ =	sdelay $0x3  }
0x36: {  	p1 =	seq.s32 s10, $0x1;
	s10 =	sld [smem:$0x3FB9];
	_ =	sdelay $0x3  }
0x37: {  	[smem:$0x3FB9] =	sst s10  }
0x38: {  	s10 =	sld [smem:$0x3FBA]  }
0x39: {  	_ = 	snop;
	(pc) =	sbr.ind lr, $3  }
0x3a: {  	_ = 	snop  }
0x3b: {  	_ = 	snop  }
0x3c: {  	p2 =	seq.s32 s10, $0x1;
	s10 =	sld [smem:$0x3FB9]  }
0x3d: {  	_ =	shalt  }
0x3e: {  	_ =	shalt  }
0x3f: {  	_ =	shalt  }
0x40: {  	_ =	shalt  }
0x41: {  	_ =	shalt  }
0x42: {  	_ =	shalt  }
0x43: {  	_ =	shalt  }
0x44: {  	_ =	shalt  }
0x45: {  	_ =	shalt  }
0x46: {  	_ =	shalt  }
0x47: {  	_ =	shalt  }
0x48: {  	_ =	shalt  }
0x49: {  	_ =	shalt  }
0x4a: {  	_ =	shalt  }
0x4b: {  	_ =	shalt  }
0x4c: {  	_ =	shalt  }
0x4d: {  	_ =	shalt  }
0x4e: {  	_ =	shalt  }
0x4f: {  	_ =	shalt  }
0x50: {  	_ =	shalt  }
0x51: {  	_ =	shalt  }
0x52: {  	_ =	shalt  }
0x53: {  	_ =	shalt  }
0x54: {  	_ =	shalt  }
0x55: {  	_ =	shalt  }
0x56: {  	_ =	shalt  }
0x57: {  	_ =	shalt  }
0x58: {  	_ =	shalt  }
0x59: {  	_ =	shalt  }
0x5a: {  	_ =	shalt  }
0x5b: {  	_ =	shalt  }
0x5c: {  	_ =	shalt  }
0x5d: {  	_ =	shalt  }
0x5e: {  	_ =	shalt  }
0x5f: {  	_ =	shalt  }
0x60: {  	_ =	shalt  }
0x61: {  	_ =	shalt  }
0x62: {  	_ =	shalt  }
0x63: {  	_ =	shalt  }
0x64: {  	_ =	shalt  }
0x65: {  	_ =	shalt  }
0x66: {  	_ =	shalt  }
0x67: {  	_ =	shalt  }
0x68: {  	_ =	shalt  }
0x69: {  	_ =	shalt  }
0x6a: {  	_ =	shalt  }
0x6b: {  	_ =	shalt  }
0x6c: {  	_ =	shalt  }
0x6d: {  	_ =	shalt  }
0x6e: {  	_ =	shalt  }
0x6f: {  	_ =	shalt  }
0x70: {  	_ =	shalt  }
0x71: {  	_ =	shalt  }
0x72: {  	_ =	shalt  }
0x73: {  	_ =	shalt  }
0x74: {  	_ =	shalt  }
0x75: {  	_ =	shalt  }
0x76: {  	_ =	shalt  }
0x77: {  	_ =	shalt  }
0x78: {  	_ =	shalt  }
0x79: {  	_ =	shalt  }
0x7a: {  	_ =	shalt  }
0x7b: {  	_ =	shalt  }
0x7c: {  	_ =	shalt  }
0x7d: {  	_ =	shalt  }
0x7e: {  	_ =	shalt  }
0x7f: {  	_ =	shalt  }
0x80: {  	_ =	shalt  }
0x81: {  	_ =	shalt  }
0x82: {  	_ =	shalt  }
0x83: {  	_ =	shalt  }
0x84: {  	_ =	shalt  }
0x85: {  	_ =	shalt  }
0x86: {  	_ =	shalt  }
0x87: {  	_ =	shalt  }
.Lfunc_end0:
.L_simem_size_0:
called_computation_lowered:
.L_overlay_start_0:
0x88: {  	s2 =	sld [smem:$0x3FD9]  }
0x89: {  	s3 =	sld [smem:$0x3FFE];
	_ =	sdelay $0x1  }
0x8a: {  	s1 =	srdreg.scid  }
0x8b: {  	s0 =	sand.u32 $0x1, s1  }
0x8c: {  	s18 =	sshll.u32 s0, $0xA;
	s2 =	sadd.s32 s3, s2  }
0x8d: {  	s2 =	sadd.s32 s2, s18  }
0x8e: {  	[smem:$0x3FC5] =	sst s2  }
0x8f: {  	_ = 	snop  }
0x90: {  	s2 =	sld [smem:$0x3FC9]  }
0x91: {  	s19 =	sld [smem:$0x3FC8]  }
0x92: {  	s4 =	sld [smem:$0x3FC7]  }
0x93: {  	s5 =	sld [smem:$0x3FD0];
	(tm) =	ssettm $0x1  }
0x94: {  	s6 =	sld [smem:$0x3FFB];
	_ =	sdelay $0x3  }
0x95: {  	_ =	strace s6  }
0x96: {  	s6 =	sld [smem:$0x3FFC];
	_ =	sdelay $0x3  }
0x97: {  	_ =	strace s6  }
0x98: {  	s6 =	sld [smem:$0x3FFD];
	_ =	sdelay $0x3  }
0x99: {  	_ =	strace s6  }
0x9a: {  	_ =	strace $0x8FFFFFFF  }
0x9b: {  	s20 =	sld [smem:$0x3FDB];
	_ =	sdelay $0x1  }
0x9c: {  	s7 =	simm.s32 $_scs_section_size  }
0x9d: {  	s8 =	simm.s32 $_size__tile_overlayer_lowered;
	s9 =	simm.s32 $_tile_overlayer_lowered  }
0x9e: {  	s23 =	simm.s32 $0x1BFF;
	s22 =	sshll.u32 s9, $0x1;
	s6 =	sadd.s32 s7, s20  }
0x9f: {  	s10 =	simm.s32 $0x0;
	s21 =	sshll.u32 s8, $0x1;
	s8 =	sadd.s32 s22, s6  }
0xa0: {  	[timem:s10], [sflag:s23] =	dma.local [hbm:s8], s21  }
0xa1: {  	_ =	swait.ge [sflag:s23], s21  }
0xa2: {  	s7 =	ssub.s32 $0x0, s21;
	[sflag:s23] =	ssyncset.done $0x0  }
0xa3: {  	[sflag:s23] =	ssyncadd.s32 s7;
	_ =	sdelay $0x1  }
0xa4: {  	s24 =	simm.s32 $0x1B8B  }
0xa5: {  	_ =	swait.ge [sflag:s24], $0x1  }
0xa6: {  	[sflag:s24] =	ssyncset.done $0x0  }
0xa7: {  	s25 =	simm.s32 $0x1B8E;
	[sflag:s24] =	ssyncadd.s32 $0xFFFFFFFF  }
0xa8: {  	s26 =	simm.s32 $execute0_lowered;
	[smem:$0x3FD2] =	sst s25  }
0xa9: {  	s7 =	sshll.u32 s26, $0x1;
	_ =	strace $0x80000046;
	[dreg:$0x1] =	wrdreg $0xFFFFFFFF  }
0xaa: {  	s28 =	simm.s32 $_size_execute0_lowered;
	s6 =	sadd.s32 s6, s7;
	[dreg:$0x0] =	wrdreg $0x0  }
0xab: {  	s7 =	sshll.u32 s28, $0x1;
	[dreg:$0x2] =	wrdreg s6  }
0xac: {  	[dreg:$0x3] =	wrdreg s7  }
0xad: {  	[dreg:$0x4] =	wrdreg $0xC0  }
0xae: {  	_ =	task [dreg:s10], $0x5FFFF  }
0xaf: {  	[dreg:$0x1] =	wrdreg $0xFFFFFFFF  }
0xb0: {  	[dreg:$0x0] =	wrdreg $0x60  }
0xb1: {  	[dreg:$0x2] =	wrdreg s2  }
0xb2: {  	[dreg:$0x3] =	wrdreg s19  }
0xb3: {  	[dreg:$0x4] =	wrdreg s4  }
0xb4: {  	[dreg:$0x5] =	wrdreg s5  }
0xb5: {  	[dreg:$0x6] =	wrdreg $0x9  }
0xb6: {  	_ =	task.clear_ibuf [dreg:s10], $0x7FFFF;
	_ =	strace $0x90000046  }
0xb7: {  	s29 =	simm.s32 $0x9;
	_ =	strace $0x80000048  }
0xb8: {  	_ =	swait.ge [sflag:s29], $0x1  }
0xb9: {  	[sflag:s29] =	ssyncadd.s32 $0xFFFFFFFF  }
0xba: {  	_ =	strace $0x90000048  }
0xbb: {  	_ =	sfence  }
0xbc: {  	s30 =	sld [smem:$0x0];
	_ =	sdelay $0x2  }
0xbd: {  	s31 =	sshll.u32 s1, $0xD;
	s1 =	sshrl.u32 s1, $0x2  }
0xbe: {  	s3 =	sand.u32 $0x4000, s31;
	s1 =	sadd.s32 s1, s30  }
0xbf: {  	s0 =	sor.u32 s3, s0;
	s1 =	sshll.u32 s1, $0x11  }
0xc0: {  	s0 =	sor.u32 s1, s0  }
0xc1: {  	s0 =	sadd.s32 $0x8F2B, s0  }
0xc2: {  	[sflag:s0] =	ssyncadd.remote.s32 $0x1  }
0xc3: {  	_ =	sfence.sel $0xFFFF  }
0xc4: {  	[dreg:$0x0] =	wrdreg $0xFFFFFFFF;
	(pc) =	sbr.abs _section_cstart, $3  }
0xc5: {  	[dreg:$0x1] =	wrdreg $0xFFFFFFFF  }
0xc6: {  	_ =	task.clear_ibuf [dreg:s10], $0x2FFFF;
	_ =	strace $0x9FFFFFFF  }
0xc7: {  	(tm) =	ssettm $0x7FFFFFFF  }
tec
execute0_lowered:
.L_overlay_start_1:
0x0: {  	(tag) =	ssettag $0x1  }
0x1: {  	s9 =	rddreg [dreg:$0x0]  }
0x2: {  	s6 =	rddreg [dreg:$0x2]  }
0x3: {  	s11 =	rddreg [dreg:$0x3];
	s23 =	sadd.s32 $0x700, s9  }
0x4: {  	_ =	strace $0x80000047;
	s25 =	sadd.s32 $0x700, s6;
	[dreg:$0x11] =	wrdreg s23  }
0x5: {  	s0 =	srdreg.scid;
	s15 =	sadd.s32 $0x100, s9;
	[dreg:$0x18] =	wrdreg s25  }
0x6: {  	s5 =	stileid.u32;
	s18 =	sadd.s32 $0x200, s9;
	[dreg:$0x7] =	wrdreg s15  }
0x7: {  	s0 =	sand.u32 $0x1, s0;
	s13 =	sadd.s32 $0x300, s9;
	[dreg:$0x8] =	wrdreg s18  }
0x8: {  	s2 =	sshll.u32 s5, $0xA;
	s14 =	sadd.s32 $0x400, s9;
	[dreg:$0x9] =	wrdreg s13  }
0x9: {  	s10 =	sadd.s32 $0x500, s9;
	s22 =	sadd.s32 $0x600, s9;
	[dreg:$0xa] =	wrdreg s14  }
0xa: {  	v0 =	vlaneseq.u32;
	s12 =	sadd.s32 $0x100, s11;
	s17 =	sadd.s32 $0x200, s11;
	[dreg:$0xb] =	wrdreg s10  }
0xb: {  	vm0 =	vmmov $0xffff;
	v1 =	vmul.u32 $0x4, v0;
	s19 =	sadd.s32 $0x300, s11;
	s26 =	sadd.s32 $0x700, s11;
	[dreg:$0xc] =	wrdreg s22  }
0xc: {  	s20 =	sadd.s32 $0x400, s11;
	s8 =	sadd.s32 $0x100, s6;
	v33 =	vor.u32 $0x80000000, v0;
	v34 =	vand.u32 $0x7, v0;
	v35 =	vshrl.u32 v0, $0x3;
	[dreg:$0xe] =	wrdreg s26  }
0xd: {  	s21 =	sadd.s32 $0x500, s11;
	s28 =	sadd.s32 $0x200, s6;
	v36 =	vor.u32 $0x8, v0;
	v35 =	vmul.u32 $0x8, v35;
	[dreg:$0xf] =	wrdreg s8;
	v2 =	vor.u32 $0x1, v1  }
0xe: {  	s24 =	sshll.u32 s5, $0x1;
	s16 =	sadd.s32 $0x300, s6;
	[dreg:$0x10] =	wrdreg s28;
	v3 =	vor.u32 $0x2, v1;
	v4 =	vor.u32 $0x3, v1;
	v5 =	vor.u32 $0x40, v1  }
0xf: {  	s29 =	sadd.s32 $0x400, s6;
	s30 =	sadd.s32 $0x500, s6;
	[dreg:$0x14] =	wrdreg s16;
	v6 =	vor.u32 $0x41, v1;
	v7 =	vor.u32 $0x42, v1;
	v8 =	vor.u32 $0x43, v1  }
0x10: {  	s31 =	sadd.s32 $0x600, s6;
	s1 =	ssub.s32 $0x2, s0;
	[dreg:$0x15] =	wrdreg s29;
	v9 =	vor.u32 $0x80, v1;
	v10 =	vor.u32 $0x81, v1;
	v11 =	vor.u32 $0x82, v1  }
0x11: {  	s3 =	sshll.u32 s0, $0x9;
	s23 =	sadd.s32 $0x600, s11;
	[dreg:$0x16] =	wrdreg s30;
	v12 =	vor.u32 $0x83, v1;
	v13 =	vor.u32 $0xC0, v1;
	v14 =	vor.u32 $0xC1, v1  }
0x12: {  	s0 =	sor.u32 s0, s24;
	s24 =	simm.s32 $0x1200;
	[dreg:$0x17] =	wrdreg s31;
	v15 =	vor.u32 $0xC2, v1;
	v16 =	vor.u32 $0xC3, v1;
	v17 =	vor.u32 $0x100, v1  }
.Ltmp0:
0x13: {  	s0 =	smax.u32 s0, $0x1;
	v18 =	vor.u32 $0x101, v1;
	v19 =	vor.u32 $0x102, v1;
	v20 =	vor.u32 $0x103, v1;
	[dreg:$0xd] =	wrdreg s23;
	(pc) =	sbr.rel .LBB2_1-.Ltmp0, $4  }
0x14: {  	s4 =	sshrl.u32 s1, $0x1;
	s3 =	sor.u32 s3, s2;
	v21 =	vor.u32 $0x140, v1;
	v22 =	vor.u32 $0x141, v1;
	v23 =	vor.u32 $0x142, v1;
	[dreg:$0x13] =	wrdreg s0  }
0x15: {  	v24 =	vor.u32 $0x143, v1;
	v25 =	vor.u32 $0x180, v1;
	v26 =	vor.u32 $0x181, v1;
	s1 =	ssub.s32 s1, s4;
	s2 =	sshrl.u32 s3, $0x2;
	[dreg:$0x5] =	wrdreg s3  }
0x16: {  	s25 =	simm.s32 $0x1400;
	v27 =	vor.u32 $0x182, v1;
	v28 =	vor.u32 $0x183, v1;
	v29 =	vor.u32 $0x1C0, v1;
	[dreg:$0x6] =	wrdreg s2;
	s1 =	smax.u32 s1, $0x1  }
0x17: {  	v30 =	vor.u32 $0x1C1, v1;
	v31 =	vor.u32 $0x1C2, v1;
	v32 =	vor.u32 $0x1C3, v1;
	p0 =	seq.s32 s3, $0x0;
	[dreg:$0x12] =	wrdreg s1;
	s1 =	simm.s32 $0x0  }
.LBB2_24:
0x18: {  	s0 =	rddreg [dreg:$0x12]  }
0x19: {  	s1 =	sadd.s32 $0x1, s1;
	s9 =	rddreg [dreg:$0x0]  }
0x1a: {  	s15 =	rddreg [dreg:$0x7];
	p1 =	sne.s32 s1, s0  }
.Ltmp1:
0x1b: {  	s18 =	rddreg [dreg:$0x8];
	(pc) =	sbr.rel @!p1 .LBB2_25-.Ltmp1, $4  }
0x1c: {  	s13 =	rddreg [dreg:$0x9]  }
0x1d: {  	s14 =	rddreg [dreg:$0xa]  }
0x1e: {  	s10 =	rddreg [dreg:$0xb]  }
0x1f: {  	s22 =	rddreg [dreg:$0xc]  }
.LBB2_1:
0x20: {  	[dreg:$0x19] =	wrdreg s1  }
0x21: {  	s0 =	rddreg [dreg:$0x1];
	s2 =	simm.s32 $0x0;
	s28 =	simm.s32 $0x7  }
0x22: {  	[tilespmem:s2], [sflag:$0x7] =	stream.linear.gather [hbm4b:s0+s2], $0x1000, $0x38;
	[tilespmem:$0x19900] =	vst v63  }
0x23: {  	_ =	swait.ge [sflag:s28], $0x1000  }
0x24: {  	[sflag:s28] =	ssyncset.done $0x0  }
0x25: {  	s29 =	rddreg [dreg:$0x6];
	[sflag:s28] =	ssyncadd.s32 $0xFFFFF000  }
0x26: {  	v37 =	vld [tilespmem:s29+$0x0];
	_ =	sdelay $0x4  }
0x27: {  	s30 =	simm.s32 $0x1000;
	v38 =	vand.u32 $0xFF, v37;
	v39 =	vshrl.u32 v37, $0x8  }
0x28: {  	v44 =	vshrl.u32 v37, $0x10;
	[tilespmem:v1+s30+$0x0] =	vst.idx.msk $0xffff, v38;
	v43 =	vand.u32 $0xFF, v39  }
0x29: {  	v45 =	vand.u32 $0xFF, v44;
	[tilespmem:v2+s30+$0x0] =	vst.idx.msk $0xffff, v43  }
0x2a: {  	v37 =	vshrl.u32 v37, $0x18;
	[tilespmem:v3+s30+$0x0] =	vst.idx.msk $0xffff, v45  }
0x2b: {  	[tilespmem:v4+s30+$0x0] =	vst.idx.msk $0xffff, v37  }
0x2c: {  	v37 =	vld [tilespmem:s29+$0x10];
	_ =	sdelay $0x4  }
0x2d: {  	v46 =	vand.u32 $0xFF, v37;
	v47 =	vshrl.u32 v37, $0x8  }
0x2e: {  	v49 =	vshrl.u32 v37, $0x10;
	[tilespmem:v5+s30+$0x0] =	vst.idx.msk $0xffff, v46;
	v48 =	vand.u32 $0xFF, v47  }
0x2f: {  	v50 =	vand.u32 $0xFF, v49;
	[tilespmem:v6+s30+$0x0] =	vst.idx.msk $0xffff, v48  }
0x30: {  	v37 =	vshrl.u32 v37, $0x18;
	[tilespmem:v7+s30+$0x0] =	vst.idx.msk $0xffff, v50  }
0x31: {  	[tilespmem:v8+s30+$0x0] =	vst.idx.msk $0xffff, v37  }
0x32: {  	v37 =	vld [tilespmem:s29+$0x20];
	_ =	sdelay $0x4  }
0x33: {  	v51 =	vand.u32 $0xFF, v37;
	v52 =	vshrl.u32 v37, $0x8  }
0x34: {  	v54 =	vshrl.u32 v37, $0x10;
	[tilespmem:v9+s30+$0x0] =	vst.idx.msk $0xffff, v51;
	v53 =	vand.u32 $0xFF, v52  }
0x35: {  	v55 =	vand.u32 $0xFF, v54;
	[tilespmem:v10+s30+$0x0] =	vst.idx.msk $0xffff, v53  }
0x36: {  	v37 =	vshrl.u32 v37, $0x18;
	[tilespmem:v11+s30+$0x0] =	vst.idx.msk $0xffff, v55  }
0x37: {  	[tilespmem:v12+s30+$0x0] =	vst.idx.msk $0xffff, v37  }
0x38: {  	v37 =	vld [tilespmem:s29+$0x30];
	_ =	sdelay $0x4  }
0x39: {  	v56 =	vand.u32 $0xFF, v37;
	v57 =	vshrl.u32 v37, $0x8  }
0x3a: {  	v59 =	vshrl.u32 v37, $0x10;
	[tilespmem:v13+s30+$0x0] =	vst.idx.msk $0xffff, v56;
	v58 =	vand.u32 $0xFF, v57  }
0x3b: {  	v60 =	vand.u32 $0xFF, v59;
	[tilespmem:v14+s30+$0x0] =	vst.idx.msk $0xffff, v58  }
0x3c: {  	v37 =	vshrl.u32 v37, $0x18;
	[tilespmem:v15+s30+$0x0] =	vst.idx.msk $0xffff, v60  }
0x3d: {  	[tilespmem:v16+s30+$0x0] =	vst.idx.msk $0xffff, v37  }
0x3e: {  	v37 =	vld [tilespmem:s29+$0x40];
	_ =	sdelay $0x4  }
0x3f: {  	v61 =	vand.u32 $0xFF, v37;
	v62 =	vshrl.u32 v37, $0x8  }
0x40: {  	v42 =	vshrl.u32 v37, $0x10;
	[tilespmem:v17+s30+$0x0] =	vst.idx.msk $0xffff, v61;
	v63 =	vand.u32 $0xFF, v62  }
0x41: {  	v43 =	vand.u32 $0xFF, v42;
	[tilespmem:v18+s30+$0x0] =	vst.idx.msk $0xffff, v63  }
0x42: {  	v37 =	vshrl.u32 v37, $0x18;
	[tilespmem:v19+s30+$0x0] =	vst.idx.msk $0xffff, v43  }
0x43: {  	[tilespmem:v20+s30+$0x0] =	vst.idx.msk $0xffff, v37  }
0x44: {  	v37 =	vld [tilespmem:s29+$0x50];
	_ =	sdelay $0x4  }
0x45: {  	v44 =	vand.u32 $0xFF, v37;
	v45 =	vshrl.u32 v37, $0x8  }
0x46: {  	v47 =	vshrl.u32 v37, $0x10;
	[tilespmem:v21+s30+$0x0] =	vst.idx.msk $0xffff, v44;
	v46 =	vand.u32 $0xFF, v45  }
0x47: {  	v48 =	vand.u32 $0xFF, v47;
	[tilespmem:v22+s30+$0x0] =	vst.idx.msk $0xffff, v46  }
0x48: {  	v37 =	vshrl.u32 v37, $0x18;
	[tilespmem:v23+s30+$0x0] =	vst.idx.msk $0xffff, v48  }
0x49: {  	[tilespmem:v24+s30+$0x0] =	vst.idx.msk $0xffff, v37  }
0x4a: {  	v37 =	vld [tilespmem:s29+$0x60];
	_ =	sdelay $0x4  }
0x4b: {  	v49 =	vand.u32 $0xFF, v37;
	v50 =	vshrl.u32 v37, $0x8  }
0x4c: {  	v52 =	vshrl.u32 v37, $0x10;
	[tilespmem:v25+s30+$0x0] =	vst.idx.msk $0xffff, v49;
	v51 =	vand.u32 $0xFF, v50  }
0x4d: {  	v53 =	vand.u32 $0xFF, v52;
	[tilespmem:v26+s30+$0x0] =	vst.idx.msk $0xffff, v51  }
0x4e: {  	v37 =	vshrl.u32 v37, $0x18;
	[tilespmem:v27+s30+$0x0] =	vst.idx.msk $0xffff, v53  }
0x4f: {  	[tilespmem:v28+s30+$0x0] =	vst.idx.msk $0xffff, v37  }
0x50: {  	v37 =	vld [tilespmem:s29+$0x70];
	_ =	sdelay $0x4  }
0x51: {  	v54 =	vand.u32 $0xFF, v37;
	v55 =	vshrl.u32 v37, $0x8  }
0x52: {  	v57 =	vshrl.u32 v37, $0x10;
	[tilespmem:v29+s30+$0x0] =	vst.idx.msk $0xffff, v54;
	v56 =	vand.u32 $0xFF, v55  }
0x53: {  	v58 =	vand.u32 $0xFF, v57;
	[tilespmem:v30+s30+$0x0] =	vst.idx.msk $0xffff, v56  }
0x54: {  	v37 =	vshrl.u32 v37, $0x18;
	[tilespmem:v31+s30+$0x0] =	vst.idx.msk $0xffff, v58  }
0x55: {  	s31 =	simm.s32 $0x0;
	[tilespmem:v32+s30+$0x0] =	vst.idx.msk $0xffff, v37  }
0x56: {  	v37 =	vld [tilespmem:s31+$0x1000];
	_ =	sdelay $0x3  }
0x57: {  	s4 =	rddreg [dreg:$0x5]  }
0x58: {  	v59 =	vor.u32 s4, v33;
	vm1 =	vgt.s32 v37, $0x0  }
0x59: {  	(xrf0) =	vadd.scan.msk.s32 $0xffff, v37;
	v60 =	vsel vm1, $0x7FFFFFFF, v59  }
0x5a: {  	v38 =	vnsel vm1, $0x7FFFFFFF, v59;
	(xrf0) =	vmax.scan.msk.u32 $0xffff, v60  }
0x5b: {  	(xrf0) =	vmax.scan.msk.u32 $0xffff, v38;
	_ =	sdelay $0x1  }
0x5c: {  	v61 =	vmov s2  }
0x5d: {  	v38 =	vadd.s32 $0xFFFFFFFF, v61  }
0x5e: {  	v38 =	vbroadcast v38, $0x0;
	v62, _, _ =	vpop (xrf0)  }
0x5f: {  	vm2 =	vle.s32 v37, $0x0;
	(v2sf) =	vpush v62, $0xF;
	v40, _, _ =	vpop (xrf0)  }
0x60: {  	s1 =	simm.s32 $0xFFFFFFFF;
	s3 =	simm.s32 $0x40;
	s6 =	simm.s32 $0x80;
	v41 =	vsub.s32 s2, v62;
	v37 =	vadd.s32 v62, v38;
	(v2sf) =	vpush v40, $0xF;
	v63, _, _ =	vpop (xrf0)  }
0x61: {  	s5 =	simm.s32 $0xFFFFFFFF;
	s0 =	simm.s32 $0x0;
	s2 =	simm.s32 $0x0;
	v38 =	vadd.s32 v0, v41;
	(v2sf) =	vpush v63, $0xF  }
.LBB2_2:
0x62: {  	s7 =	smov.u32 s5;
	s8 =	smov.u32 s1  }
0x63: {  	p1 =	sne.s32 s6, $0x7C0  }
0x64: {  	v39 =	vor.u32 s4, v0  }
0x65: {  	[tilespmem:v37+s24+$0x0] =	vst.idx.msk vm1, v39  }
0x66: {  	s1 =	sshra.s32 s3, $0x2;
	s3 =	smov.u32 s6;
	[tilespmem:v38+s25+$0x0] =	vst.idx.msk vm2, v39  }
0x67: {  	v37 =	vld [tilespmem:s1+$0x1000];
	_ =	sdelay $0x3  }
0x68: {  	s4 =	sadd.s32 $0x10, s4  }
0x69: {  	v38 =	vor.u32 s4, v33;
	vm2 =	vle.s32 v37, $0x0;
	vm1 =	vgt.s32 v37, $0x0;
	(xrf0) =	vadd.scan.msk.s32 $0xffff, v37  }
0x6a: {  	v37 =	vnsel vm1, $0x7FFFFFFF, v38;
	v38 =	vsel vm1, $0x7FFFFFFF, v38  }
0x6b: {  	(xrf0) =	vmax.scan.msk.u32 $0xffff, v38;
	s1 =	spop (v2sf)  }
0x6c: {  	(xrf0) =	vmax.scan.msk.u32 $0xffff, v37;
	s0 =	sadd.s32 s0, s1;
	s1 =	ssub.s32 s2, s1  }
0x6d: {  	v37 =	vmov s0;
	s2 =	sadd.s32 $0x10, s1;
	s1 =	spop (v2sf)  }
0x6e: {  	v37 =	vadd.s32 $0xFFFFFFFF, v37;
	s1 =	sxor.u32 $0x80000000, s1;
	s5 =	spop (v2sf)  }
.Ltmp2:
0x6f: {  	v37 =	vbroadcast v37, $0x0;
	v38, _, _ =	vpop (xrf0);
	s5 =	sxor.u32 $0x80000000, s5;
	p2 =	sgt.s32 s8, s1;
	(pc) =	sbr.rel @p1 .LBB2_2-.Ltmp2, $4  }
0x70: {  	v41 =	vsub.s32 s2, v38;
	(v2sf) =	vpush v38, $0xF;
	p3 =	sgt.s32 s7, s5;
	s1 =	smov.u32 @p2 s8  }
0x71: {  	v37 =	vadd.s32 v38, v37;
	v40, _, _ =	vpop (xrf0);
	s5 =	smov.u32 @p3 s7  }
0x72: {  	v38 =	vadd.s32 v0, v41;
	v39, _, _ =	vpop (xrf0);
	(v2sf) =	vpush v40, $0xF  }
0x73: {  	s6 =	sadd.s32 $0x40, s6;
	(v2sf) =	vpush v39, $0xF  }
0x74: {  	_ =	sdelay $0x3  }
0x75: {  	v39 =	vor.u32 s4, v0  }
0x76: {  	[tilespmem:v37+s24+$0x0] =	vst.idx.msk vm1, v39  }
0x77: {  	s3 =	sshra.s32 s3, $0x2;
	[tilespmem:v38+s25+$0x0] =	vst.idx.msk vm2, v39  }
0x78: {  	v37 =	vld [tilespmem:s3+$0x1000];
	_ =	sdelay $0x4  }
0x79: {  	(xrf0) =	vadd.scan.msk.s32 $0xffff, v37;
	_ =	sdelay $0x2  }
0x7a: {  	s3 =	sadd.s32 $0x10, s4  }
0x7b: {  	v58 =	vor.u32 s3, v33;
	vm1 =	vgt.s32 v37, $0x0  }
0x7c: {  	v59 =	vsel vm1, $0x7FFFFFFF, v58  }
0x7d: {  	v38 =	vnsel vm1, $0x7FFFFFFF, v58;
	(xrf0) =	vmax.scan.msk.u32 $0xffff, v59;
	v60, _, _ =	vpop (xrf0)  }
0x7e: {  	(xrf0) =	vmax.scan.msk.u32 $0xffff, v38;
	(v2sf) =	vpush v60, $0xF;
	_ =	sdelay $0x4  }
0x7f: {  	v61, _, _ =	vpop (xrf0)  }
0x80: {  	(v2sf) =	vpush v61, $0xF;
	v40, _, _ =	vpop (xrf0)  }
0x81: {  	(v2sf) =	vpush v40, $0xF;
	_ =	sdelay $0x4  }
0x82: {  	s30 =	spop (v2sf)  }
0x83: {  	s6 =	spop (v2sf)  }
0x84: {  	s2 =	ssub.s32 s2, s30;
	s7 =	spop (v2sf)  }
0x85: {  	s0 =	sadd.s32 s0, s30;
	s2 =	sadd.s32 $0x10, s2;
	s31 =	spop (v2sf)  }
0x86: {  	v62 =	vmov s0;
	s8 =	sadd.s32 s0, s31;
	s16 =	ssub.s32 s2, s31  }
0x87: {  	v38 =	vadd.s32 $0xFFFFFFFF, v62;
	s0 =	sadd.s32 $0x10, s16;
	s28 =	sand.u32 $0xF, s8  }
0x88: {  	v38 =	vbroadcast v38, $0x0;
	p1 =	seq.s32 s28, $0x0;
	s29 =	sand.u32 $0xF, s0  }
0x89: {  	vm2 =	vle.s32 v37, $0x0;
	v63 =	vsub.s32 s2, v60;
	s2 =	sand.u32 @!p1 $0xFFFFFFF0, s8;
	v40 =	vlaneseq.u32 @!p1;
	p2 =	seq.s32 s29, $0x0  }
0x8a: {  	s4 =	sxor.u32 $0x80000000, s7;
	v38 =	vadd.s32 v60, v38;
	v39 =	vor.u32 @!p1 s2, v40;
	s2 =	sand.u32 @!p2 $0xFFFFFFF0, s0;
	v40 =	vlaneseq.u32 @!p2  }
0x8b: {  	v37 =	vadd.s32 v0, v63;
	p3 =	sgt.s32 s5, s4;
	s30 =	spop (v2sf);
	vm3 =	vge.s32 @!p1 v39, s8;
	v40 =	vor.u32 @!p2 s2, v40;
	s2 =	sxor.u32 $0x80000000, s6  }
0x8c: {  	s4 =	smov.u32 @p3 s5;
	s31 =	spop (v2sf);
	vm4 =	vge.s32 @!p2 v40, s0;
	p3 =	sgt.s32 s1, s2  }
0x8d: {  	s5 =	sxor.u32 $0x80000000, s31;
	s2 =	smov.u32 @p3 s1  }
.Ltmp3:
0x8e: {  	v41 =	vor.u32 s3, v0;
	s1 =	sxor.u32 $0x80000000, s30;
	p3 =	sgt.s32 s4, s5;
	(pc) =	sbr.rel @p0 .LBB2_10-.Ltmp3, $4  }
0x8f: {  	[tilespmem:v38+s24+$0x0] =	vst.idx.msk vm1, v41;
	s5 =	smov.u32 @p3 s4;
	p3 =	sgt.s32 s2, s1  }
0x90: {  	[tilespmem:v37+s25+$0x0] =	vst.idx.msk vm2, v41;
	s1 =	smov.u32 @p3 s2;
	v37 =	vmov @!p1 s5;
	s2 =	simm.s32 @!p1 $0x1200  }
0x91: {  	[tilespmem:v39+s2+$0x0] =	vst.idx.msk @!p1 vm3, v37;
	v37 =	vmov @!p2 s1;
	s1 =	simm.s32 @!p2 $0x1400  }
0x92: {  	[dreg:$0x1a] =	wrdreg s8;
	[tilespmem:v40+s1+$0x0] =	vst.idx.msk @!p2 vm4, v37;
	s1 =	simm.s32 $0x40;
	v37 =	vimm.s32 $0x0  }
0x93: {  	s2 =	rddreg [dreg:$0x13]  }
0x94: {  	p2 =	sne.s32 s2, $0x1  }
.Ltmp4:
0x95: {  	_ = 	snop;
	(pc) =	sbr.rel @!p2 .LBB2_5-.Ltmp4, $2  }
0x96: {  	_ =	sdelay $0x2  }
0x97: {  	v39 =	vld [tilespmem:s1+$0x30];
	p1 =	por $0x0, $0x0;
	s2 =	sadd.s32 $0xFFFFFFFF, s2  }
0x98: {  	v40 =	vld [tilespmem:s1+$0xFFFFFFD0]  }
0x99: {  	v41 =	vld [tilespmem:s1+$0xFFFFFFE0]  }
0x9a: {  	v42 =	vld [tilespmem:s1+$0xFFFFFFF0];
	p2 =	sne.s32 s2, $0x1  }
.Ltmp5:
0x9b: {  	v46 =	vld [tilespmem:s1+$0x0];
	(pc) =	sbr.rel @!p2 .LBB2_7-.Ltmp5, $4  }
0x9c: {  	v45 =	vld [tilespmem:s1+$0x10]  }
0x9d: {  	v43 =	vld [tilespmem:s1+$0x20];
	v44 =	vimm.s32 $0x0;
	v48 =	vimm.s32 $0x0  }
0x9e: {  	v49 =	vld [tilespmem:s1+$0xFFFFFFC0];
	s1 =	sadd.s32 $0x80, s1;
	v47 =	vimm.s32 $0x0;
	v50 =	vimm.s32 $0x0;
	v38 =	vadd.s32 v37, v39  }
0x9f: {  	s2 =	sadd.s32 $0xFFFFFFFF, s2;
	p1 =	por $0x1, $0x1;
	v39 =	vld [tilespmem:s1+$0x30];
	v40 =	vadd.s32 v37, v40;
	v41 =	vadd.s32 v37, v41;
	v42 =	vadd.s32 v37, v42  }
.LBB2_8:
0xa0: {  	p2 =	sne.s32 s2, $0x1;
	v51 =	vld [tilespmem:s1+$0xFFFFFFD0];
	v44 =	vadd.s32 v44, v46  }
0xa1: {  	v52 =	vld [tilespmem:s1+$0xFFFFFFE0];
	v48 =	vadd.s32 v48, v45  }
0xa2: {  	v53 =	vld [tilespmem:s1+$0xFFFFFFF0];
	v47 =	vadd.s32 v47, v43  }
.Ltmp6:
0xa3: {  	v46 =	vld [tilespmem:s1+$0x0];
	v50 =	vadd.s32 v50, v49;
	(pc) =	sbr.rel @p2 .LBB2_8-.Ltmp6, $4  }
0xa4: {  	v45 =	vld [tilespmem:s1+$0x10];
	v38 =	vadd.s32 v38, v39  }
0xa5: {  	v40 =	vadd.s32 v40, v51;
	v43 =	vld [tilespmem:s1+$0x20]  }
0xa6: {  	v49 =	vld [tilespmem:s1+$0xFFFFFFC0];
	v41 =	vadd.s32 v41, v52;
	s1 =	sadd.s32 $0x80, s1  }
0xa7: {  	s2 =	sadd.s32 $0xFFFFFFFF, s2;
	v39 =	vld [tilespmem:s1+$0x30];
	v42 =	vadd.s32 v42, v53  }
.LBB2_9:
0xa8: {  	v51 =	vld [tilespmem:s1+$0xFFFFFFD0]  }
0xa9: {  	v52 =	vld [tilespmem:s1+$0xFFFFFFC0]  }
0xaa: {  	v53 =	vld [tilespmem:s1+$0xFFFFFFE0]  }
0xab: {  	v54 =	vld [tilespmem:s1+$0xFFFFFFF0]  }
0xac: {  	v58 =	vld [tilespmem:s1+$0x0];
	v49 =	vadd.s32 @p1 v50, v49  }
0xad: {  	v44 =	vadd.s32 @p1 v44, v46;
	v59 =	vld [tilespmem:s1+$0x10];
	v49 =	vpsel p1, v49, v37  }
0xae: {  	v61 =	vld [tilespmem:s1+$0x20];
	v45 =	vadd.s32 @p1 v48, v45;
	v40 =	vadd.s32 v40, v51;
	v60 =	vadd.s32 v49, v52  }
0xaf: {  	v44 =	vpsel p1, v44, v37;
	v41 =	vadd.s32 v41, v53;
	v40 =	vadd.s32 v60, v40  }
0xb0: {  	v43 =	vadd.s32 @p1 v47, v43;
	v42 =	vadd.s32 v42, v54;
	v40 =	vadd.s32 v41, v40  }
0xb1: {  	v62 =	vpsel p1, v45, v37;
	v44 =	vadd.s32 v44, v58;
	v40 =	vadd.s32 v42, v40  }
0xb2: {  	v63 =	vpsel p1, v43, v37;
	v41 =	vadd.s32 v62, v59;
	v40 =	vadd.s32 v44, v40  }
0xb3: {  	v37 =	vadd.s32 v63, v61;
	v40 =	vadd.s32 v41, v40  }
0xb4: {  	v38 =	vadd.s32 v38, v39;
	v37 =	vadd.s32 v37, v40  }
0xb5: {  	v37 =	vadd.s32 v38, v37  }
.LBB2_10:
0xb6: {  	v38 =	vand.u32 $0xFF, v37;
	v39 =	vshrl.u32 v37, $0x8;
	v40 =	vshrl.u32 v37, $0x18  }
0xb7: {  	v63 =	vshrl.u32 v37, $0x10;
	v39 =	vand.u32 $0xFF, v39;
	v38 =	vadd.s32 v38, v40  }
0xb8: {  	v37 =	vand.u32 $0xFF, v63;
	v38 =	vadd.s32 v39, v38  }
0xb9: {  	v37 =	vadd.s32 v37, v38  }
0xba: {  	(xrf0) =	vadd.scan.msk.s32 $0xffff, v37;
	_ =	sdelay $0x5  }
0xbb: {  	v37, _, _ =	vpop (xrf0)  }
0xbc: {  	(v2sf) =	vpush v37, $0xF;
	_ =	sdelay $0x3  }
0xbd: {  	s0 =	sadd.s32 $0xF, s0  }
0xbe: {  	s1 =	sand.u32 $0xF, s0  }
0xbf: {  	s2 =	sshra.s32 s0, $0x1F;
	p1 =	slt.s32 s0, $0x1;
	p2 =	sne.s32 s1, $0x0  }
0xc0: {  	s30 =	sshrl.u32 s2, $0x1C;
	p1 =	por !p1, !p2  }
0xc1: {  	s1 =	simm.s32 $0x1;
	s0 =	sadd.s32 s30, s0;
	p1 =	por !p1, !p1  }
0xc2: {  	s0 =	sshra.s32 s0, $0x4;
	s1 =	simm.s32 @!p1 $0x0  }
0xc3: {  	s1 =	ssub.s32 s0, s1  }
0xc4: {  	p1 =	slt.s32 s1, $0x1  }
.Ltmp7:
0xc5: {  	_ = 	snop;
	(pc) =	sbr.rel @p1 .LBB2_12-.Ltmp7, $3  }
0xc6: {  	_ =	sdelay $0x1  }
0xc7: {  	s31 =	spop (v2sf)  }
0xc8: {  	[dreg:$0x1b] =	wrdreg s31  }
0xc9: {  	v38 =	vld [tilespmem:$0x1400];
	_ =	sdelay $0x4  }
0xca: {  	v39 =	vshll.u32 v38, $0x4  }
0xcb: {  	v40 =	vand.u32 $0x7, v38;
	v39 =	vand.u32 $0xFFFFFF80, v39  }
0xcc: {  	v39 =	vor.u32 v40, v39  }
0xcd: {  	v40 =	vperm.xlane v39, v34;
	_ =	sdelay $0x1  }
0xce: {  	v40 =	vadd.s32 v35, v40;
	_ =	sdelay $0x3  }
0xcf: {  	s0 =	simm.s32 $0x0;
	s2 =	simm.s32 $0x1900;
	[tilespmem:$0x1600] =	vst v38  }
0xd0: {  	[tilespmem:s2], [sflag:$0x1] =	stream.indirect_vreg.gather [hbm4b:s9+s0], $0x80, v40, vm0, $0xb8;
	[tilespmem:$0x19900] =	vst v63  }
0xd1: {  	s28 =	simm.s32 $0x2100  }
0xd2: {  	[tilespmem:s28], [sflag:$0x1] =	stream.indirect_vreg.gather [hbm4b:s15+s0], $0x80, v40, vm0, $0xb8;
	[tilespmem:$0x19900] =	vst v63  }
0xd3: {  	s29 =	simm.s32 $0x2900  }
0xd4: {  	[tilespmem:s29], [sflag:$0x1] =	stream.indirect_vreg.gather [hbm4b:s18+s0], $0x80, v40, vm0, $0xb8;
	[tilespmem:$0x19900] =	vst v63  }
0xd5: {  	s30 =	simm.s32 $0x3100  }
0xd6: {  	[tilespmem:s30], [sflag:$0x1] =	stream.indirect_vreg.gather [hbm4b:s13+s0], $0x80, v40, vm0, $0xb8;
	[tilespmem:$0x19900] =	vst v63  }
0xd7: {  	s31 =	simm.s32 $0x3900  }
0xd8: {  	[tilespmem:s31], [sflag:$0x1] =	stream.indirect_vreg.gather [hbm4b:s14+s0], $0x80, v40, vm0, $0xb8;
	[tilespmem:$0x19900] =	vst v63  }
0xd9: {  	s3 =	simm.s32 $0x4100;
	v63 =	vperm.xlane v39, v36  }
0xda: {  	[tilespmem:s3], [sflag:$0x1] =	stream.indirect_vreg.gather [hbm4b:s10+s0], $0x80, v40, vm0, $0xb8;
	[tilespmem:$0x19900] =	vst v63  }
0xdb: {  	s4 =	simm.s32 $0x4900;
	v38 =	vadd.s32 v35, v63  }
0xdc: {  	[tilespmem:s4], [sflag:$0x1] =	stream.indirect_vreg.gather [hbm4b:s22+s0], $0x80, v40, vm0, $0xb8;
	[tilespmem:$0x19900] =	vst v63  }
0xdd: {  	s5 =	simm.s32 $0x5100;
	s3 =	rddreg [dreg:$0x11]  }
0xde: {  	[tilespmem:s5], [sflag:$0x1] =	stream.indirect_vreg.gather [hbm4b:s3+s0], $0x80, v40, vm0, $0xb8;
	[tilespmem:$0x19900] =	vst v63  }
0xdf: {  	s6 =	simm.s32 $0x5900  }
0xe0: {  	[tilespmem:s6], [sflag:$0x1] =	stream.indirect_vreg.gather [hbm4b:s9+s0], $0x80, v38, vm0, $0xb8;
	[tilespmem:$0x19900] =	vst v63  }
0xe1: {  	s7 =	simm.s32 $0x6100  }
0xe2: {  	[tilespmem:s7], [sflag:$0x1] =	stream.indirect_vreg.gather [hbm4b:s15+s0], $0x80, v38, vm0, $0xb8;
	[tilespmem:$0x19900] =	vst v63  }
0xe3: {  	s8 =	simm.s32 $0x6900  }
0xe4: {  	[tilespmem:s8], [sflag:$0x1] =	stream.indirect_vreg.gather [hbm4b:s18+s0], $0x80, v38, vm0, $0xb8;
	[tilespmem:$0x19900] =	vst v63  }
0xe5: {  	s16 =	simm.s32 $0x7100  }
0xe6: {  	[tilespmem:s16], [sflag:$0x1] =	stream.indirect_vreg.gather [hbm4b:s13+s0], $0x80, v38, vm0, $0xb8;
	[tilespmem:$0x19900] =	vst v63  }
0xe7: {  	s28 =	simm.s32 $0x7900  }
0xe8: {  	[tilespmem:s28], [sflag:$0x1] =	stream.indirect_vreg.gather [hbm4b:s14+s0], $0x80, v38, vm0, $0xb8;
	[tilespmem:$0x19900] =	vst v63  }
0xe9: {  	s29 =	simm.s32 $0x8100  }
0xea: {  	[tilespmem:s29], [sflag:$0x1] =	stream.indirect_vreg.gather [hbm4b:s10+s0], $0x80, v38, vm0, $0xb8;
	[tilespmem:$0x19900] =	vst v63  }
0xeb: {  	s30 =	simm.s32 $0x8900  }
0xec: {  	[tilespmem:s30], [sflag:$0x1] =	stream.indirect_vreg.gather [hbm4b:s22+s0], $0x80, v38, vm0, $0xb8;
	[tilespmem:$0x19900] =	vst v63  }
0xed: {  	p2 =	seq.s32 s1, $0x1;
	s31 =	simm.s32 $0x9100  }
0xee: {  	[tilespmem:s31], [sflag:$0x1] =	stream.indirect_vreg.gather [hbm4b:s3+s0], $0x80, v38, vm0, $0xb8;
	[tilespmem:$0x19900] =	vst v63  }
0xef: {  	v38 =	vld @!p2 [tilespmem:$0x1410];
	_ =	sdelay $0x4  }
0xf0: {  	v39 =	vshll.u32 @!p2 v38, $0x4  }
0xf1: {  	v41 =	vlaneseq.u32 @!p2;
	v40 =	vand.u32 @!p2 $0x7, v38;
	v39 =	vand.u32 @!p2 $0xFFFFFF80, v39  }
0xf2: {  	v42 =	vshrl.u32 @!p2 v41, $0x3;
	v39 =	vor.u32 @!p2 v40, v39;
	v40 =	vand.u32 @!p2 $0x7, v41  }
0xf3: {  	v42 =	vmul.u32 @!p2 $0x8, v42;
	v40 =	vperm.xlane @!p2 v39, v40;
	_ =	sdelay $0x1  }
0xf4: {  	v40 =	vadd.s32 @!p2 v42, v40;
	_ =	sdelay $0x3  }
0xf5: {  	vm1 =	vmmov @!p2 $0xffff;
	s2 =	simm.s32 @!p2 $0x9900;
	s0 =	simm.s32 @!p2 $0x0;
	[tilespmem:$0x1680] =	vst @!p2 v38  }
0xf6: {  	[tilespmem:s2], [sflag:$0x2] =	stream.indirect_vreg.gather @!p2 [hbm4b:s9+s0], $0x80, v40, vm1, $0xb8;
	[tilespmem:$0x19900] =	vst v63  }
0xf7: {  	s2 =	simm.s32 @!p2 $0xA100  }
0xf8: {  	[tilespmem:s2], [sflag:$0x2] =	stream.indirect_vreg.gather @!p2 [hbm4b:s15+s0], $0x80, v40, vm1, $0xb8;
	[tilespmem:$0x19900] =	vst v63  }
0xf9: {  	s2 =	simm.s32 @!p2 $0xA900  }
0xfa: {  	[tilespmem:s2], [sflag:$0x2] =	stream.indirect_vreg.gather @!p2 [hbm4b:s18+s0], $0x80, v40, vm1, $0xb8;
	[tilespmem:$0x19900] =	vst v63  }
0xfb: {  	s2 =	simm.s32 @!p2 $0xB100  }
0xfc: {  	[tilespmem:s2], [sflag:$0x2] =	stream.indirect_vreg.gather @!p2 [hbm4b:s13+s0], $0x80, v40, vm1, $0xb8;
	[tilespmem:$0x19900] =	vst v63  }
0xfd: {  	s2 =	simm.s32 @!p2 $0xB900  }
0xfe: {  	v38 =	vor.u32 @!p2 $0x8, v41;
	[tilespmem:s2], [sflag:$0x2] =	stream.indirect_vreg.gather @!p2 [hbm4b:s14+s0], $0x80, v40, vm1, $0xb8;
	[tilespmem:$0x19900] =	vst v63  }
0xff: {  	v38 =	vperm.xlane @!p2 v39, v38;
	s2 =	simm.s32 @!p2 $0xC100  }
0x100: {  	[tilespmem:s2], [sflag:$0x2] =	stream.indirect_vreg.gather @!p2 [hbm4b:s10+s0], $0x80, v40, vm1, $0xb8;
	[tilespmem:$0x19900] =	vst v63  }
0x101: {  	v38 =	vadd.s32 @!p2 v42, v38;
	s2 =	simm.s32 @!p2 $0xC900  }
0x102: {  	[tilespmem:s2], [sflag:$0x2] =	stream.indirect_vreg.gather @!p2 [hbm4b:s22+s0], $0x80, v40, vm1, $0xb8;
	[tilespmem:$0x19900] =	vst v63  }
0x103: {  	s2 =	simm.s32 @!p2 $0xD100  }
0x104: {  	[tilespmem:s2], [sflag:$0x2] =	stream.indirect_vreg.gather @!p2 [hbm4b:s3+s0], $0x80, v40, vm1, $0xb8;
	[tilespmem:$0x19900] =	vst v63  }
0x105: {  	s2 =	simm.s32 @!p2 $0xD900  }
0x106: {  	[tilespmem:s2], [sflag:$0x2] =	stream.indirect_vreg.gather @!p2 [hbm4b:s9+s0], $0x80, v38, vm1, $0xb8;
	[tilespmem:$0x19900] =	vst v63  }
0x107: {  	s2 =	simm.s32 @!p2 $0xE100  }
0x108: {  	[tilespmem:s2], [sflag:$0x2] =	stream.indirect_vreg.gather @!p2 [hbm4b:s15+s0], $0x80, v38, vm1, $0xb8;
	[tilespmem:$0x19900] =	vst v63  }
0x109: {  	s2 =	simm.s32 @!p2 $0xE900  }
0x10a: {  	[tilespmem:s2], [sflag:$0x2] =	stream.indirect_vreg.gather @!p2 [hbm4b:s18+s0], $0x80, v38, vm1, $0xb8;
	[tilespmem:$0x19900] =	vst v63  }
0x10b: {  	s2 =	simm.s32 @!p2 $0xF100  }
0x10c: {  	[tilespmem:s2], [sflag:$0x2] =	stream.indirect_vreg.gather @!p2 [hbm4b:s13+s0], $0x80, v38, vm1, $0xb8;
	[tilespmem:$0x19900] =	vst v63  }
0x10d: {  	s2 =	simm.s32 @!p2 $0xF900  }
0x10e: {  	[tilespmem:s2], [sflag:$0x2] =	stream.indirect_vreg.gather @!p2 [hbm4b:s14+s0], $0x80, v38, vm1, $0xb8;
	[tilespmem:$0x19900] =	vst v63  }
0x10f: {  	s2 =	simm.s32 @!p2 $0x10100  }
0x110: {  	[tilespmem:s2], [sflag:$0x2] =	stream.indirect_vreg.gather @!p2 [hbm4b:s10+s0], $0x80, v38, vm1, $0xb8;
	[tilespmem:$0x19900] =	vst v63  }
0x111: {  	s2 =	simm.s32 @!p2 $0x10900  }
0x112: {  	[tilespmem:s2], [sflag:$0x2] =	stream.indirect_vreg.gather @!p2 [hbm4b:s22+s0], $0x80, v38, vm1, $0xb8;
	[tilespmem:$0x19900] =	vst v63  }
0x113: {  	s2 =	simm.s32 @!p2 $0x11100  }
0x114: {  	[tilespmem:s2], [sflag:$0x2] =	stream.indirect_vreg.gather @!p2 [hbm4b:s3+s0], $0x80, v38, vm1, $0xb8;
	[tilespmem:$0x19900] =	vst v63  }
.LBB2_12:
0x115: {  	s0 =	sadd.s32 $0x2, s1  }
0x116: {  	s2 =	smulhi.u32 $0x55555556, s0;
	s0 =	sshra.s32 s0, $0x1F  }
0x117: {  	s0 =	smul.u32 $0x55555556, s0;
	_ =	sdelay $0x1  }
0x118: {  	s0 =	sadd.s32 s0, s2  }
0x119: {  	s2 =	sshrl.u32 s0, $0x1F  }
0x11a: {  	s0 =	sadd.s32 s2, s0  }
0x11b: {  	s2 =	smul.u32 $0xFFFFFFFD, s0  }
0x11c: {  	s3 =	ssub.s32 $0xFFFFFFFE, s1  }
0x11d: {  	p2 =	slt.s32 s1, $0xFFFFFFFF;
	p3 =	sne.s32 s2, s3  }
0x11e: {  	p2 =	por !p2, !p3  }
0x11f: {  	s2 =	simm.s32 $0x1;
	p2 =	por !p2, !p2  }
0x120: {  	s2 =	simm.s32 @!p2 $0x0  }
0x121: {  	s2 =	ssub.s32 s0, s2  }
0x122: {  	p2 =	slt.s32 s2, $0x1  }
.Ltmp8:
0x123: {  	_ = 	snop;
	(pc) =	sbr.rel @p2 .LBB2_15-.Ltmp8, $1  }
0x124: {  	_ =	sdelay $0x3  }
0x125: {  	s7 =	simm.s32 $0x0;
	s4 =	simm.s32 $0x1420  }
.LBB2_14:
0x126: {  	p2 =	sge.s32 s7, s1  }
0x127: {  	s0 =	simm.s32 @!p2 $0x1  }
0x128: {  	_ =	swait.ge @!p2 [sflag:s0], $0x8000  }
0x129: {  	[sflag:s0] =	ssyncset.done @!p2 $0x0  }
0x12a: {  	[sflag:s0] =	ssyncadd.s32 @!p2 $0xFFFF8000  }
0x12b: {  	v38 =	vld @!p2 [tilespmem:s4+$0xFFFFFFE0];
	_ =	sdelay $0x4  }
0x12c: {  	v39 =	vshll.u32 @!p2 v38, $0x4  }
0x12d: {  	v41 =	vlaneseq.u32 @!p2;
	v40 =	vand.u32 @!p2 $0x7, v38;
	v39 =	vand.u32 @!p2 $0xFFFFFF80, v39  }
0x12e: {  	v42 =	vshrl.u32 @!p2 v41, $0x3;
	v39 =	vor.u32 @!p2 v40, v39;
	v40 =	vand.u32 @!p2 $0x7, v41  }
0x12f: {  	v42 =	vmul.u32 @!p2 $0x8, v42;
	v40 =	vperm.xlane @!p2 v39, v40;
	_ =	sdelay $0x1  }
0x130: {  	v40 =	vadd.s32 @!p2 v42, v40;
	_ =	sdelay $0x3  }
0x131: {  	vm1 =	vmmov @!p2 $0xffff;
	s3 =	simm.s32 @!p2 $0x1900;
	s0 =	simm.s32 @!p2 $0x0;
	[tilespmem:$0x1780] =	vst @!p2 v38  }
0x132: {  	[hbm4b:s11+s0] =	stream.indirect_vreg.scatter @!p2 [tilespmem:s3], [sflag:$0x4], $0x80, v40, vm1, $0xb8;
	[tilespmem:$0x19900] =	vst v63  }
0x133: {  	s3 =	simm.s32 @!p2 $0x2100  }
0x134: {  	[hbm4b:s12+s0] =	stream.indirect_vreg.scatter @!p2 [tilespmem:s3], [sflag:$0x4], $0x80, v40, vm1, $0xb8;
	[tilespmem:$0x19900] =	vst v63  }
0x135: {  	s3 =	simm.s32 @!p2 $0x2900  }
0x136: {  	[hbm4b:s17+s0] =	stream.indirect_vreg.scatter @!p2 [tilespmem:s3], [sflag:$0x4], $0x80, v40, vm1, $0xb8;
	[tilespmem:$0x19900] =	vst v63  }
0x137: {  	s3 =	simm.s32 @!p2 $0x3100  }
0x138: {  	[hbm4b:s19+s0] =	stream.indirect_vreg.scatter @!p2 [tilespmem:s3], [sflag:$0x4], $0x80, v40, vm1, $0xb8;
	[tilespmem:$0x19900] =	vst v63  }
0x139: {  	s3 =	simm.s32 @!p2 $0x3900  }
0x13a: {  	v38 =	vor.u32 @!p2 $0x8, v41;
	[hbm4b:s20+s0] =	stream.indirect_vreg.scatter @!p2 [tilespmem:s3], [sflag:$0x4], $0x80, v40, vm1, $0xb8;
	[tilespmem:$0x19900] =	vst v63  }
0x13b: {  	v38 =	vperm.xlane @!p2 v39, v38;
	s3 =	simm.s32 @!p2 $0x4100  }
0x13c: {  	[hbm4b:s21+s0] =	stream.indirect_vreg.scatter @!p2 [tilespmem:s3], [sflag:$0x4], $0x80, v40, vm1, $0xb8;
	[tilespmem:$0x19900] =	vst v63  }
0x13d: {  	v38 =	vadd.s32 @!p2 v42, v38;
	s3 =	simm.s32 @!p2 $0x4900  }
0x13e: {  	[hbm4b:s23+s0] =	stream.indirect_vreg.scatter @!p2 [tilespmem:s3], [sflag:$0x4], $0x80, v40, vm1, $0xb8;
	[tilespmem:$0x19900] =	vst v63  }
0x13f: {  	s3 =	simm.s32 @!p2 $0x5100  }
0x140: {  	[hbm4b:s26+s0] =	stream.indirect_vreg.scatter @!p2 [tilespmem:s3], [sflag:$0x4], $0x80, v40, vm1, $0xb8;
	[tilespmem:$0x19900] =	vst v63  }
0x141: {  	s3 =	simm.s32 @!p2 $0x5900  }
0x142: {  	[hbm4b:s11+s0] =	stream.indirect_vreg.scatter @!p2 [tilespmem:s3], [sflag:$0x4], $0x80, v38, vm1, $0xb8;
	[tilespmem:$0x19900] =	vst v63  }
0x143: {  	s3 =	simm.s32 @!p2 $0x6100  }
0x144: {  	[hbm4b:s12+s0] =	stream.indirect_vreg.scatter @!p2 [tilespmem:s3], [sflag:$0x4], $0x80, v38, vm1, $0xb8;
	[tilespmem:$0x19900] =	vst v63  }
0x145: {  	s3 =	simm.s32 @!p2 $0x6900  }
0x146: {  	[hbm4b:s17+s0] =	stream.indirect_vreg.scatter @!p2 [tilespmem:s3], [sflag:$0x4], $0x80, v38, vm1, $0xb8;
	[tilespmem:$0x19900] =	vst v63  }
0x147: {  	s3 =	simm.s32 @!p2 $0x7100  }
0x148: {  	[hbm4b:s19+s0] =	stream.indirect_vreg.scatter @!p2 [tilespmem:s3], [sflag:$0x4], $0x80, v38, vm1, $0xb8;
	[tilespmem:$0x19900] =	vst v63  }
0x149: {  	s3 =	simm.s32 @!p2 $0x7900  }
0x14a: {  	[hbm4b:s20+s0] =	stream.indirect_vreg.scatter @!p2 [tilespmem:s3], [sflag:$0x4], $0x80, v38, vm1, $0xb8;
	[tilespmem:$0x19900] =	vst v63  }
0x14b: {  	s3 =	simm.s32 @!p2 $0x8100  }
0x14c: {  	[hbm4b:s21+s0] =	stream.indirect_vreg.scatter @!p2 [tilespmem:s3], [sflag:$0x4], $0x80, v38, vm1, $0xb8;
	[tilespmem:$0x19900] =	vst v63  }
0x14d: {  	s3 =	simm.s32 @!p2 $0x8900  }
0x14e: {  	[hbm4b:s23+s0] =	stream.indirect_vreg.scatter @!p2 [tilespmem:s3], [sflag:$0x4], $0x80, v38, vm1, $0xb8;
	[tilespmem:$0x19900] =	vst v63  }
0x14f: {  	p3 =	seq.s32 @!p2 s7, $0x0;
	s3 =	simm.s32 @!p2 $0x9100  }
0x150: {  	[hbm4b:s26+s0] =	stream.indirect_vreg.scatter @!p2 [tilespmem:s3], [sflag:$0x4], $0x80, v38, vm1, $0xb8;
	[tilespmem:$0x19900] =	vst v63  }
0x151: {  	p2 =	por p3, p2  }
0x152: {  	s0 =	simm.s32 @!p2 $0x6  }
0x153: {  	_ =	swait.ge @!p2 [sflag:s0], $0x8000  }
0x154: {  	s16 =	sadd.s32 $0x2, s7;
	[sflag:s0] =	ssyncset.done @!p2 $0x0  }
0x155: {  	[sflag:s0] =	ssyncadd.s32 @!p2 $0xFFFF8000;
	p2 =	sge.s32 s16, s1  }
0x156: {  	v40 =	vld @!p2 [tilespmem:s4+$0x0];
	_ =	sdelay $0x4  }
0x157: {  	v38 =	vshll.u32 @!p2 v40, $0x4  }
0x158: {  	v41 =	vlaneseq.u32 @!p2;
	v39 =	vand.u32 @!p2 $0x7, v40;
	v38 =	vand.u32 @!p2 $0xFFFFFF80, v38  }
0x159: {  	v42 =	vor.u32 @!p2 v39, v38;
	v39 =	vand.u32 @!p2 $0x7, v41;
	v38 =	vshrl.u32 @!p2 v41, $0x3  }
0x15a: {  	v43 =	vperm.xlane @!p2 v42, v39;
	v38 =	vmul.u32 @!p2 $0x8, v38;
	_ =	sdelay $0x1  }
0x15b: {  	v43 =	vadd.s32 @!p2 v38, v43;
	_ =	sdelay $0x3  }
0x15c: {  	vm1 =	vmmov @!p2 $0xffff;
	s0 =	simm.s32 @!p2 $0x0;
	s3 =	simm.s32 @!p2 $0x11900;
	[tilespmem:$0x1700] =	vst @!p2 v40  }
0x15d: {  	[tilespmem:s3], [sflag:$0x3] =	stream.indirect_vreg.gather @!p2 [hbm4b:s9+s0], $0x80, v43, vm1, $0xb8;
	[tilespmem:$0x19900] =	vst v63  }
0x15e: {  	s3 =	simm.s32 @!p2 $0x12100  }
0x15f: {  	[tilespmem:s3], [sflag:$0x3] =	stream.indirect_vreg.gather @!p2 [hbm4b:s15+s0], $0x80, v43, vm1, $0xb8;
	[tilespmem:$0x19900] =	vst v63  }
0x160: {  	s3 =	simm.s32 @!p2 $0x12900  }
0x161: {  	[tilespmem:s3], [sflag:$0x3] =	stream.indirect_vreg.gather @!p2 [hbm4b:s18+s0], $0x80, v43, vm1, $0xb8;
	[tilespmem:$0x19900] =	vst v63  }
0x162: {  	s9 =	simm.s32 @!p2 $0x13100  }
0x163: {  	[tilespmem:s9], [sflag:$0x3] =	stream.indirect_vreg.gather @!p2 [hbm4b:s13+s0], $0x80, v43, vm1, $0xb8;
	[tilespmem:$0x19900] =	vst v63  }
0x164: {  	s3 =	simm.s32 @!p2 $0x13900  }
0x165: {  	v40 =	vor.u32 @!p2 $0x8, v41;
	[tilespmem:s3], [sflag:$0x3] =	stream.indirect_vreg.gather @!p2 [hbm4b:s14+s0], $0x80, v43, vm1, $0xb8;
	[tilespmem:$0x19900] =	vst v63  }
0x166: {  	s11 =	simm.s32 @!p2 $0x14100;
	v41 =	vperm.xlane @!p2 v42, v40  }
0x167: {  	[tilespmem:s11], [sflag:$0x3] =	stream.indirect_vreg.gather @!p2 [hbm4b:s10+s0], $0x80, v43, vm1, $0xb8;
	[tilespmem:$0x19900] =	vst v63  }
0x168: {  	s8 =	simm.s32 @!p2 $0x14900;
	v41 =	vadd.s32 @!p2 v38, v41  }
0x169: {  	[tilespmem:s8], [sflag:$0x3] =	stream.indirect_vreg.gather @!p2 [hbm4b:s22+s0], $0x80, v43, vm1, $0xb8;
	[tilespmem:$0x19900] =	vst v63  }
0x16a: {  	s16 =	rddreg [dreg:$0x11];
	s13 =	simm.s32 @!p2 $0x15100  }
0x16b: {  	[tilespmem:s13], [sflag:$0x3] =	stream.indirect_vreg.gather @!p2 [hbm4b:s16+s0], $0x80, v43, vm1, $0xb8;
	[tilespmem:$0x19900] =	vst v63  }
0x16c: {  	s14 =	simm.s32 @!p2 $0x15900;
	s3 =	rddreg [dreg:$0x0]  }
0x16d: {  	[tilespmem:s14], [sflag:$0x3] =	stream.indirect_vreg.gather @!p2 [hbm4b:s3+s0], $0x80, v41, vm1, $0xb8;
	[tilespmem:$0x19900] =	vst v63  }
0x16e: {  	s22 =	simm.s32 @!p2 $0x16100;
	s3 =	rddreg [dreg:$0x7]  }
0x16f: {  	[tilespmem:s22], [sflag:$0x3] =	stream.indirect_vreg.gather @!p2 [hbm4b:s3+s0], $0x80, v41, vm1, $0xb8;
	[tilespmem:$0x19900] =	vst v63  }
0x170: {  	s23 =	simm.s32 @!p2 $0x16900;
	s3 =	rddreg [dreg:$0x8]  }
0x171: {  	[tilespmem:s23], [sflag:$0x3] =	stream.indirect_vreg.gather @!p2 [hbm4b:s3+s0], $0x80, v41, vm1, $0xb8;
	[tilespmem:$0x19900] =	vst v63  }
0x172: {  	s26 =	simm.s32 @!p2 $0x17100;
	s3 =	rddreg [dreg:$0x9]  }
0x173: {  	[tilespmem:s26], [sflag:$0x3] =	stream.indirect_vreg.gather @!p2 [hbm4b:s3+s0], $0x80, v41, vm1, $0xb8;
	[tilespmem:$0x19900] =	vst v63  }
0x174: {  	s28 =	simm.s32 @!p2 $0x17900;
	s3 =	rddreg [dreg:$0xa]  }
0x175: {  	[tilespmem:s28], [sflag:$0x3] =	stream.indirect_vreg.gather @!p2 [hbm4b:s3+s0], $0x80, v41, vm1, $0xb8;
	[tilespmem:$0x19900] =	vst v63  }
0x176: {  	s6 =	sadd.s32 $0x1, s7;
	s29 =	simm.s32 @!p2 $0x18100  }
0x177: {  	[tilespmem:s29], [sflag:$0x3] =	stream.indirect_vreg.gather @!p2 [hbm4b:s10+s0], $0x80, v41, vm1, $0xb8;
	[tilespmem:$0x19900] =	vst v63  }
0x178: {  	p3 =	sge.s32 s6, s1;
	s30 =	simm.s32 @!p2 $0x18900;
	s3 =	rddreg [dreg:$0xc]  }
0x179: {  	[tilespmem:s30], [sflag:$0x3] =	stream.indirect_vreg.gather @!p2 [hbm4b:s3+s0], $0x80, v41, vm1, $0xb8;
	[tilespmem:$0x19900] =	vst v63  }
0x17a: {  	s6 =	simm.s32 @!p3 $0x2;
	s31 =	simm.s32 @!p2 $0x19100  }
0x17b: {  	[tilespmem:s31], [sflag:$0x3] =	stream.indirect_vreg.gather @!p2 [hbm4b:s16+s0], $0x80, v41, vm1, $0xb8;
	[tilespmem:$0x19900] =	vst v63  }
0x17c: {  	_ =	swait.ge @!p3 [sflag:s6], $0x8000  }
0x17d: {  	[sflag:s6] =	ssyncset.done @!p3 $0x0  }
0x17e: {  	[sflag:s6] =	ssyncadd.s32 @!p3 $0xFFFF8000  }
0x17f: {  	v41 =	vld @!p3 [tilespmem:s4+$0xFFFFFFF0];
	_ =	sdelay $0x4  }
0x180: {  	v42 =	vshll.u32 @!p3 v41, $0x4  }
0x181: {  	v44 =	vlaneseq.u32 @!p3;
	v43 =	vand.u32 @!p3 $0x7, v41;
	v42 =	vand.u32 @!p3 $0xFFFFFF80, v42  }
0x182: {  	v45 =	vshrl.u32 @!p3 v44, $0x3;
	v42 =	vor.u32 @!p3 v43, v42;
	v43 =	vand.u32 @!p3 $0x7, v44  }
0x183: {  	v45 =	vmul.u32 @!p3 $0x8, v45;
	v43 =	vperm.xlane @!p3 v42, v43;
	_ =	sdelay $0x1  }
0x184: {  	v43 =	vadd.s32 @!p3 v45, v43;
	_ =	sdelay $0x3  }
0x185: {  	vm2 =	vmmov @!p3 $0xffff;
	s3 =	simm.s32 @!p3 $0x9900;
	s6 =	simm.s32 @!p3 $0x0;
	s5 =	rddreg [dreg:$0x3];
	[tilespmem:$0x1800] =	vst @!p3 v41  }
0x186: {  	[hbm4b:s5+s6] =	stream.indirect_vreg.scatter @!p3 [tilespmem:s3], [sflag:$0x5], $0x80, v43, vm2, $0xb8;
	[tilespmem:$0x19900] =	vst v63  }
0x187: {  	s3 =	simm.s32 @!p3 $0xA100  }
0x188: {  	[hbm4b:s12+s6] =	stream.indirect_vreg.scatter @!p3 [tilespmem:s3], [sflag:$0x5], $0x80, v43, vm2, $0xb8;
	[tilespmem:$0x19900] =	vst v63  }
0x189: {  	s3 =	simm.s32 @!p3 $0xA900  }
0x18a: {  	[hbm4b:s17+s6] =	stream.indirect_vreg.scatter @!p3 [tilespmem:s3], [sflag:$0x5], $0x80, v43, vm2, $0xb8;
	[tilespmem:$0x19900] =	vst v63  }
0x18b: {  	s3 =	simm.s32 @!p3 $0xB100  }
0x18c: {  	[hbm4b:s19+s6] =	stream.indirect_vreg.scatter @!p3 [tilespmem:s3], [sflag:$0x5], $0x80, v43, vm2, $0xb8;
	[tilespmem:$0x19900] =	vst v63  }
0x18d: {  	s3 =	simm.s32 @!p3 $0xB900  }
0x18e: {  	v41 =	vor.u32 @!p3 $0x8, v44;
	[hbm4b:s20+s6] =	stream.indirect_vreg.scatter @!p3 [tilespmem:s3], [sflag:$0x5], $0x80, v43, vm2, $0xb8;
	[tilespmem:$0x19900] =	vst v63  }
0x18f: {  	v41 =	vperm.xlane @!p3 v42, v41;
	s3 =	simm.s32 @!p3 $0xC100  }
0x190: {  	[hbm4b:s21+s6] =	stream.indirect_vreg.scatter @!p3 [tilespmem:s3], [sflag:$0x5], $0x80, v43, vm2, $0xb8;
	[tilespmem:$0x19900] =	vst v63  }
0x191: {  	v41 =	vadd.s32 @!p3 v45, v41;
	s5 =	rddreg [dreg:$0xd];
	s3 =	simm.s32 @!p3 $0xC900  }
0x192: {  	[hbm4b:s5+s6] =	stream.indirect_vreg.scatter @!p3 [tilespmem:s3], [sflag:$0x5], $0x80, v43, vm2, $0xb8;
	[tilespmem:$0x19900] =	vst v63  }
0x193: {  	s3 =	simm.s32 @!p3 $0xD100;
	s5 =	rddreg [dreg:$0xe]  }
0x194: {  	[hbm4b:s5+s6] =	stream.indirect_vreg.scatter @!p3 [tilespmem:s3], [sflag:$0x5], $0x80, v43, vm2, $0xb8;
	[tilespmem:$0x19900] =	vst v63  }
0x195: {  	s3 =	simm.s32 @!p3 $0xD900;
	s5 =	rddreg [dreg:$0x3]  }
0x196: {  	[hbm4b:s5+s6] =	stream.indirect_vreg.scatter @!p3 [tilespmem:s3], [sflag:$0x5], $0x80, v41, vm2, $0xb8;
	[tilespmem:$0x19900] =	vst v63  }
0x197: {  	s3 =	simm.s32 @!p3 $0xE100  }
0x198: {  	[hbm4b:s12+s6] =	stream.indirect_vreg.scatter @!p3 [tilespmem:s3], [sflag:$0x5], $0x80, v41, vm2, $0xb8;
	[tilespmem:$0x19900] =	vst v63  }
0x199: {  	s3 =	simm.s32 @!p3 $0xE900  }
0x19a: {  	[hbm4b:s17+s6] =	stream.indirect_vreg.scatter @!p3 [tilespmem:s3], [sflag:$0x5], $0x80, v41, vm2, $0xb8;
	[tilespmem:$0x19900] =	vst v63  }
0x19b: {  	s3 =	simm.s32 @!p3 $0xF100  }
0x19c: {  	[hbm4b:s19+s6] =	stream.indirect_vreg.scatter @!p3 [tilespmem:s3], [sflag:$0x5], $0x80, v41, vm2, $0xb8;
	[tilespmem:$0x19900] =	vst v63  }
0x19d: {  	s3 =	simm.s32 @!p3 $0xF900  }
0x19e: {  	[hbm4b:s20+s6] =	stream.indirect_vreg.scatter @!p3 [tilespmem:s3], [sflag:$0x5], $0x80, v41, vm2, $0xb8;
	[tilespmem:$0x19900] =	vst v63  }
0x19f: {  	s3 =	simm.s32 @!p3 $0x10100  }
0x1a0: {  	[hbm4b:s21+s6] =	stream.indirect_vreg.scatter @!p3 [tilespmem:s3], [sflag:$0x5], $0x80, v41, vm2, $0xb8;
	[tilespmem:$0x19900] =	vst v63  }
0x1a1: {  	s5 =	rddreg [dreg:$0xd];
	s3 =	simm.s32 @!p3 $0x10900  }
0x1a2: {  	[hbm4b:s5+s6] =	stream.indirect_vreg.scatter @!p3 [tilespmem:s3], [sflag:$0x5], $0x80, v41, vm2, $0xb8;
	[tilespmem:$0x19900] =	vst v63  }
0x1a3: {  	s3 =	simm.s32 @!p3 $0x11100;
	s5 =	rddreg [dreg:$0xe]  }
0x1a4: {  	[hbm4b:s5+s6] =	stream.indirect_vreg.scatter @!p3 [tilespmem:s3], [sflag:$0x5], $0x80, v41, vm2, $0xb8;
	[tilespmem:$0x19900] =	vst v63  }
0x1a5: {  	s3 =	simm.s32 @!p3 $0x4  }
0x1a6: {  	_ =	swait.ge @!p3 [sflag:s3], $0x8000  }
0x1a7: {  	s6 =	sadd.s32 $0x3, s7;
	[sflag:s3] =	ssyncset.done @!p3 $0x0  }
0x1a8: {  	[sflag:s3] =	ssyncadd.s32 @!p3 $0xFFFF8000;
	p3 =	sge.s32 s6, s1  }
0x1a9: {  	v41 =	vld @!p3 [tilespmem:s4+$0x10];
	_ =	sdelay $0x4  }
0x1aa: {  	v42 =	vshll.u32 @!p3 v41, $0x4  }
0x1ab: {  	v44 =	vlaneseq.u32 @!p3;
	v43 =	vand.u32 @!p3 $0x7, v41;
	v42 =	vand.u32 @!p3 $0xFFFFFF80, v42  }
0x1ac: {  	v45 =	vshrl.u32 @!p3 v44, $0x3;
	v42 =	vor.u32 @!p3 v43, v42;
	v43 =	vand.u32 @!p3 $0x7, v44  }
0x1ad: {  	v45 =	vmul.u32 @!p3 $0x8, v45;
	v43 =	vperm.xlane @!p3 v42, v43;
	_ =	sdelay $0x1  }
0x1ae: {  	v43 =	vadd.s32 @!p3 v45, v43;
	_ =	sdelay $0x3  }
0x1af: {  	vm2 =	vmmov @!p3 $0xffff;
	s3 =	simm.s32 @!p3 $0x0;
	s5 =	simm.s32 @!p3 $0x1900;
	s15 =	rddreg [dreg:$0x0];
	[tilespmem:$0x1600] =	vst @!p3 v41  }
0x1b0: {  	[tilespmem:s5], [sflag:$0x1] =	stream.indirect_vreg.gather @!p3 [hbm4b:s15+s3], $0x80, v43, vm2, $0xb8;
	[tilespmem:$0x19900] =	vst v63  }
0x1b1: {  	s5 =	simm.s32 @!p3 $0x2100;
	s15 =	rddreg [dreg:$0x7]  }
0x1b2: {  	[tilespmem:s5], [sflag:$0x1] =	stream.indirect_vreg.gather @!p3 [hbm4b:s15+s3], $0x80, v43, vm2, $0xb8;
	[tilespmem:$0x19900] =	vst v63  }
0x1b3: {  	s5 =	simm.s32 @!p3 $0x2900;
	s15 =	rddreg [dreg:$0x8]  }
0x1b4: {  	[tilespmem:s5], [sflag:$0x1] =	stream.indirect_vreg.gather @!p3 [hbm4b:s15+s3], $0x80, v43, vm2, $0xb8;
	[tilespmem:$0x19900] =	vst v63  }
0x1b5: {  	s5 =	simm.s32 @!p3 $0x3100;
	s15 =	rddreg [dreg:$0x9]  }
0x1b6: {  	[tilespmem:s5], [sflag:$0x1] =	stream.indirect_vreg.gather @!p3 [hbm4b:s15+s3], $0x80, v43, vm2, $0xb8;
	[tilespmem:$0x19900] =	vst v63  }
0x1b7: {  	s5 =	simm.s32 @!p3 $0x3900;
	s15 =	rddreg [dreg:$0xa]  }
0x1b8: {  	v41 =	vor.u32 @!p3 $0x8, v44;
	[tilespmem:s5], [sflag:$0x1] =	stream.indirect_vreg.gather @!p3 [hbm4b:s15+s3], $0x80, v43, vm2, $0xb8;
	[tilespmem:$0x19900] =	vst v63  }
0x1b9: {  	v41 =	vperm.xlane @!p3 v42, v41;
	s5 =	simm.s32 @!p3 $0x4100;
	s15 =	rddreg [dreg:$0xb]  }
0x1ba: {  	[tilespmem:s5], [sflag:$0x1] =	stream.indirect_vreg.gather @!p3 [hbm4b:s15+s3], $0x80, v43, vm2, $0xb8;
	[tilespmem:$0x19900] =	vst v63  }
0x1bb: {  	v41 =	vadd.s32 @!p3 v45, v41;
	s5 =	simm.s32 @!p3 $0x4900;
	s15 =	rddreg [dreg:$0xc]  }
0x1bc: {  	[tilespmem:s5], [sflag:$0x1] =	stream.indirect_vreg.gather @!p3 [hbm4b:s15+s3], $0x80, v43, vm2, $0xb8;
	[tilespmem:$0x19900] =	vst v63  }
0x1bd: {  	s5 =	simm.s32 @!p3 $0x5100  }
0x1be: {  	[tilespmem:s5], [sflag:$0x1] =	stream.indirect_vreg.gather @!p3 [hbm4b:s16+s3], $0x80, v43, vm2, $0xb8;
	[tilespmem:$0x19900] =	vst v63  }
0x1bf: {  	s15 =	rddreg [dreg:$0x0];
	s5 =	simm.s32 @!p3 $0x5900  }
0x1c0: {  	[tilespmem:s5], [sflag:$0x1] =	stream.indirect_vreg.gather @!p3 [hbm4b:s15+s3], $0x80, v41, vm2, $0xb8;
	[tilespmem:$0x19900] =	vst v63  }
0x1c1: {  	s5 =	simm.s32 @!p3 $0x6100;
	s15 =	rddreg [dreg:$0x7]  }
0x1c2: {  	[tilespmem:s5], [sflag:$0x1] =	stream.indirect_vreg.gather @!p3 [hbm4b:s15+s3], $0x80, v41, vm2, $0xb8;
	[tilespmem:$0x19900] =	vst v63  }
0x1c3: {  	s5 =	simm.s32 @!p3 $0x6900;
	s15 =	rddreg [dreg:$0x8]  }
0x1c4: {  	[tilespmem:s5], [sflag:$0x1] =	stream.indirect_vreg.gather @!p3 [hbm4b:s15+s3], $0x80, v41, vm2, $0xb8;
	[tilespmem:$0x19900] =	vst v63  }
0x1c5: {  	s5 =	simm.s32 @!p3 $0x7100;
	s15 =	rddreg [dreg:$0x9]  }
0x1c6: {  	[tilespmem:s5], [sflag:$0x1] =	stream.indirect_vreg.gather @!p3 [hbm4b:s15+s3], $0x80, v41, vm2, $0xb8;
	[tilespmem:$0x19900] =	vst v63  }
0x1c7: {  	s5 =	simm.s32 @!p3 $0x7900;
	s15 =	rddreg [dreg:$0xa]  }
0x1c8: {  	[tilespmem:s5], [sflag:$0x1] =	stream.indirect_vreg.gather @!p3 [hbm4b:s15+s3], $0x80, v41, vm2, $0xb8;
	[tilespmem:$0x19900] =	vst v63  }
0x1c9: {  	s10 =	rddreg [dreg:$0xb];
	s5 =	simm.s32 @!p3 $0x8100;
	s15 =	smov.u32 s21  }
0x1ca: {  	[tilespmem:s5], [sflag:$0x1] =	stream.indirect_vreg.gather @!p3 [hbm4b:s10+s3], $0x80, v41, vm2, $0xb8;
	[tilespmem:$0x19900] =	vst v63  }
0x1cb: {  	s21 =	smov.u32 s16;
	s16 =	rddreg [dreg:$0xc];
	s5 =	simm.s32 @!p3 $0x8900  }
0x1cc: {  	[tilespmem:s5], [sflag:$0x1] =	stream.indirect_vreg.gather @!p3 [hbm4b:s16+s3], $0x80, v41, vm2, $0xb8;
	[tilespmem:$0x19900] =	vst v63  }
0x1cd: {  	s16 =	smov.u32 s21;
	s5 =	simm.s32 @!p3 $0x9100  }
0x1ce: {  	[tilespmem:s5], [sflag:$0x1] =	stream.indirect_vreg.gather @!p3 [hbm4b:s16+s3], $0x80, v41, vm2, $0xb8;
	[tilespmem:$0x19900] =	vst v63  }
0x1cf: {  	s3 =	simm.s32 @!p2 $0x3  }
0x1d0: {  	_ =	swait.ge @!p2 [sflag:s3], $0x8000  }
0x1d1: {  	[sflag:s3] =	ssyncset.done @!p2 $0x0  }
0x1d2: {  	[sflag:s3] =	ssyncadd.s32 @!p2 $0xFFFF8000  }
0x1d3: {  	v41 =	vld @!p2 [tilespmem:s4+$0x0];
	_ =	sdelay $0x4  }
0x1d4: {  	v42 =	vshll.u32 @!p2 v41, $0x4  }
0x1d5: {  	v43 =	vand.u32 @!p2 $0x7, v41;
	v42 =	vand.u32 @!p2 $0xFFFFFF80, v42  }
0x1d6: {  	v42 =	vor.u32 @!p2 v43, v42  }
0x1d7: {  	v39 =	vperm.xlane @!p2 v42, v39;
	_ =	sdelay $0x1  }
0x1d8: {  	v39 =	vadd.s32 @!p2 v38, v39;
	_ =	sdelay $0x3  }
0x1d9: {  	s5 =	simm.s32 @!p2 $0x11900;
	s3 =	rddreg [dreg:$0x3];
	[tilespmem:$0x1880] =	vst @!p2 v41  }
0x1da: {  	[hbm4b:s3+s0] =	stream.indirect_vreg.scatter @!p2 [tilespmem:s5], [sflag:$0x6], $0x80, v39, vm1, $0xb8;
	[tilespmem:$0x19900] =	vst v63  }
0x1db: {  	s3 =	simm.s32 @!p2 $0x12100  }
0x1dc: {  	[hbm4b:s12+s0] =	stream.indirect_vreg.scatter @!p2 [tilespmem:s3], [sflag:$0x6], $0x80, v39, vm1, $0xb8;
	[tilespmem:$0x19900] =	vst v63  }
0x1dd: {  	s18 =	smov.u32 s17;
	s3 =	simm.s32 @!p2 $0x12900  }
0x1de: {  	[hbm4b:s18+s0] =	stream.indirect_vreg.scatter @!p2 [tilespmem:s3], [sflag:$0x6], $0x80, v39, vm1, $0xb8;
	[tilespmem:$0x19900] =	vst v63  }
0x1df: {  	_ = 	snop  }
0x1e0: {  	[hbm4b:s19+s0] =	stream.indirect_vreg.scatter @!p2 [tilespmem:s9], [sflag:$0x6], $0x80, v39, vm1, $0xb8;
	[tilespmem:$0x19900] =	vst v63  }
0x1e1: {  	s3 =	simm.s32 @!p2 $0x13900  }
0x1e2: {  	[hbm4b:s20+s0] =	stream.indirect_vreg.scatter @!p2 [tilespmem:s3], [sflag:$0x6], $0x80, v39, vm1, $0xb8;
	[tilespmem:$0x19900] =	vst v63  }
0x1e3: {  	s21 =	smov.u32 s15;
	v40 =	vperm.xlane @!p2 v42, v40  }
0x1e4: {  	[hbm4b:s21+s0] =	stream.indirect_vreg.scatter @!p2 [tilespmem:s11], [sflag:$0x6], $0x80, v39, vm1, $0xb8;
	[tilespmem:$0x19900] =	vst v63  }
0x1e5: {  	v38 =	vadd.s32 @!p2 v38, v40;
	s3 =	rddreg [dreg:$0xd]  }
0x1e6: {  	[hbm4b:s3+s0] =	stream.indirect_vreg.scatter @!p2 [tilespmem:s8], [sflag:$0x6], $0x80, v39, vm1, $0xb8;
	[tilespmem:$0x19900] =	vst v63  }
0x1e7: {  	s3 =	rddreg [dreg:$0xe]  }
0x1e8: {  	[hbm4b:s3+s0] =	stream.indirect_vreg.scatter @!p2 [tilespmem:s13], [sflag:$0x6], $0x80, v39, vm1, $0xb8;
	[tilespmem:$0x19900] =	vst v63  }
0x1e9: {  	s11 =	rddreg [dreg:$0x3]  }
0x1ea: {  	[hbm4b:s11+s0] =	stream.indirect_vreg.scatter @!p2 [tilespmem:s14], [sflag:$0x6], $0x80, v38, vm1, $0xb8;
	[tilespmem:$0x19900] =	vst v63  }
0x1eb: {  	_ = 	snop  }
0x1ec: {  	[hbm4b:s12+s0] =	stream.indirect_vreg.scatter @!p2 [tilespmem:s22], [sflag:$0x6], $0x80, v38, vm1, $0xb8;
	[tilespmem:$0x19900] =	vst v63  }
0x1ed: {  	s17 =	smov.u32 s18;
	s15 =	rddreg [dreg:$0x7]  }
0x1ee: {  	[hbm4b:s17+s0] =	stream.indirect_vreg.scatter @!p2 [tilespmem:s23], [sflag:$0x6], $0x80, v38, vm1, $0xb8;
	[tilespmem:$0x19900] =	vst v63  }
0x1ef: {  	s18 =	rddreg [dreg:$0x8]  }
0x1f0: {  	[hbm4b:s19+s0] =	stream.indirect_vreg.scatter @!p2 [tilespmem:s26], [sflag:$0x6], $0x80, v38, vm1, $0xb8;
	[tilespmem:$0x19900] =	vst v63  }
0x1f1: {  	s9 =	rddreg [dreg:$0x0]  }
0x1f2: {  	[hbm4b:s20+s0] =	stream.indirect_vreg.scatter @!p2 [tilespmem:s28], [sflag:$0x6], $0x80, v38, vm1, $0xb8;
	[tilespmem:$0x19900] =	vst v63  }
0x1f3: {  	s13 =	rddreg [dreg:$0x9]  }
0x1f4: {  	[hbm4b:s21+s0] =	stream.indirect_vreg.scatter @!p2 [tilespmem:s29], [sflag:$0x6], $0x80, v38, vm1, $0xb8;
	[tilespmem:$0x19900] =	vst v63  }
0x1f5: {  	s23 =	rddreg [dreg:$0xd]  }
0x1f6: {  	[hbm4b:s23+s0] =	stream.indirect_vreg.scatter @!p2 [tilespmem:s30], [sflag:$0x6], $0x80, v38, vm1, $0xb8;
	[tilespmem:$0x19900] =	vst v63  }
0x1f7: {  	s26 =	rddreg [dreg:$0xe]  }
0x1f8: {  	[hbm4b:s26+s0] =	stream.indirect_vreg.scatter @!p2 [tilespmem:s31], [sflag:$0x6], $0x80, v38, vm1, $0xb8;
	[tilespmem:$0x19900] =	vst v63  }
0x1f9: {  	s14 =	rddreg [dreg:$0xa];
	s0 =	simm.s32 @!p2 $0x5  }
0x1fa: {  	s22 =	rddreg [dreg:$0xc];
	_ =	swait.ge @!p2 [sflag:s0], $0x8000  }
0x1fb: {  	s31 =	sadd.s32 $0x4, s7;
	[sflag:s0] =	ssyncset.done @!p2 $0x0  }
0x1fc: {  	[sflag:s0] =	ssyncadd.s32 @!p2 $0xFFFF8000;
	p2 =	sge.s32 s31, s1  }
0x1fd: {  	v38 =	vld @!p2 [tilespmem:s4+$0x20];
	_ =	sdelay $0x4  }
0x1fe: {  	v39 =	vshll.u32 @!p2 v38, $0x4  }
0x1ff: {  	v41 =	vlaneseq.u32 @!p2;
	v40 =	vand.u32 @!p2 $0x7, v38;
	v39 =	vand.u32 @!p2 $0xFFFFFF80, v39  }
0x200: {  	v42 =	vshrl.u32 @!p2 v41, $0x3;
	v39 =	vor.u32 @!p2 v40, v39;
	v40 =	vand.u32 @!p2 $0x7, v41  }
0x201: {  	v42 =	vmul.u32 @!p2 $0x8, v42;
	v40 =	vperm.xlane @!p2 v39, v40;
	_ =	sdelay $0x1  }
0x202: {  	v40 =	vadd.s32 @!p2 v42, v40;
	_ =	sdelay $0x3  }
0x203: {  	vm1 =	vmmov @!p2 $0xffff;
	s0 =	simm.s32 @!p2 $0x0;
	s3 =	simm.s32 @!p2 $0x9900;
	[tilespmem:$0x1680] =	vst @!p2 v38  }
0x204: {  	[tilespmem:s3], [sflag:$0x2] =	stream.indirect_vreg.gather @!p2 [hbm4b:s9+s0], $0x80, v40, vm1, $0xb8;
	[tilespmem:$0x19900] =	vst v63  }
0x205: {  	s3 =	simm.s32 @!p2 $0xA100  }
0x206: {  	[tilespmem:s3], [sflag:$0x2] =	stream.indirect_vreg.gather @!p2 [hbm4b:s15+s0], $0x80, v40, vm1, $0xb8;
	[tilespmem:$0x19900] =	vst v63  }
0x207: {  	s3 =	simm.s32 @!p2 $0xA900  }
0x208: {  	[tilespmem:s3], [sflag:$0x2] =	stream.indirect_vreg.gather @!p2 [hbm4b:s18+s0], $0x80, v40, vm1, $0xb8;
	[tilespmem:$0x19900] =	vst v63  }
0x209: {  	s3 =	simm.s32 @!p2 $0xB100  }
0x20a: {  	[tilespmem:s3], [sflag:$0x2] =	stream.indirect_vreg.gather @!p2 [hbm4b:s13+s0], $0x80, v40, vm1, $0xb8;
	[tilespmem:$0x19900] =	vst v63  }
0x20b: {  	s3 =	simm.s32 @!p2 $0xB900  }
0x20c: {  	v38 =	vor.u32 @!p2 $0x8, v41;
	[tilespmem:s3], [sflag:$0x2] =	stream.indirect_vreg.gather @!p2 [hbm4b:s14+s0], $0x80, v40, vm1, $0xb8;
	[tilespmem:$0x19900] =	vst v63  }
0x20d: {  	v38 =	vperm.xlane @!p2 v39, v38;
	s3 =	simm.s32 @!p2 $0xC100  }
0x20e: {  	[tilespmem:s3], [sflag:$0x2] =	stream.indirect_vreg.gather @!p2 [hbm4b:s10+s0], $0x80, v40, vm1, $0xb8;
	[tilespmem:$0x19900] =	vst v63  }
0x20f: {  	v38 =	vadd.s32 @!p2 v42, v38;
	s3 =	simm.s32 @!p2 $0xC900  }
0x210: {  	[tilespmem:s3], [sflag:$0x2] =	stream.indirect_vreg.gather @!p2 [hbm4b:s22+s0], $0x80, v40, vm1, $0xb8;
	[tilespmem:$0x19900] =	vst v63  }
0x211: {  	s3 =	simm.s32 @!p2 $0xD100  }
0x212: {  	[tilespmem:s3], [sflag:$0x2] =	stream.indirect_vreg.gather @!p2 [hbm4b:s16+s0], $0x80, v40, vm1, $0xb8;
	[tilespmem:$0x19900] =	vst v63  }
0x213: {  	s3 =	simm.s32 @!p2 $0xD900  }
0x214: {  	[tilespmem:s3], [sflag:$0x2] =	stream.indirect_vreg.gather @!p2 [hbm4b:s9+s0], $0x80, v38, vm1, $0xb8;
	[tilespmem:$0x19900] =	vst v63  }
0x215: {  	s3 =	simm.s32 @!p2 $0xE100  }
0x216: {  	[tilespmem:s3], [sflag:$0x2] =	stream.indirect_vreg.gather @!p2 [hbm4b:s15+s0], $0x80, v38, vm1, $0xb8;
	[tilespmem:$0x19900] =	vst v63  }
0x217: {  	s3 =	simm.s32 @!p2 $0xE900  }
0x218: {  	[tilespmem:s3], [sflag:$0x2] =	stream.indirect_vreg.gather @!p2 [hbm4b:s18+s0], $0x80, v38, vm1, $0xb8;
	[tilespmem:$0x19900] =	vst v63  }
0x219: {  	s3 =	simm.s32 @!p2 $0xF100  }
0x21a: {  	[tilespmem:s3], [sflag:$0x2] =	stream.indirect_vreg.gather @!p2 [hbm4b:s13+s0], $0x80, v38, vm1, $0xb8;
	[tilespmem:$0x19900] =	vst v63  }
0x21b: {  	s3 =	simm.s32 @!p2 $0xF900  }
0x21c: {  	[tilespmem:s3], [sflag:$0x2] =	stream.indirect_vreg.gather @!p2 [hbm4b:s14+s0], $0x80, v38, vm1, $0xb8;
	[tilespmem:$0x19900] =	vst v63  }
0x21d: {  	s3 =	simm.s32 @!p2 $0x10100  }
0x21e: {  	[tilespmem:s3], [sflag:$0x2] =	stream.indirect_vreg.gather @!p2 [hbm4b:s10+s0], $0x80, v38, vm1, $0xb8;
	[tilespmem:$0x19900] =	vst v63  }
0x21f: {  	s3 =	simm.s32 @!p2 $0x10900  }
0x220: {  	[tilespmem:s3], [sflag:$0x2] =	stream.indirect_vreg.gather @!p2 [hbm4b:s22+s0], $0x80, v38, vm1, $0xb8;
	[tilespmem:$0x19900] =	vst v63  }
0x221: {  	s2 =	sadd.s32 $0xFFFFFFFF, s2;
	s3 =	simm.s32 @!p2 $0x11100  }
0x222: {  	[tilespmem:s3], [sflag:$0x2] =	stream.indirect_vreg.gather @!p2 [hbm4b:s16+s0], $0x80, v38, vm1, $0xb8;
	[tilespmem:$0x19900] =	vst v63  }
0x223: {  	p2 =	sne.s32 s2, $0x0  }
.Ltmp9:
0x224: {  	_ = 	snop;
	(pc) =	sbr.rel @p2 .LBB2_14-.Ltmp9, $2  }
0x225: {  	_ =	sdelay $0x2  }
0x226: {  	s7 =	smov.u32 s6;
	s4 =	sadd.s32 $0x30, s4  }
.LBB2_15:
0x227: {  	s0 =	sadd.s32 $0xFFFFFFFF, s1  }
0x228: {  	s2 =	smulhi.u32 $0x55555556, s0;
	s3 =	sshra.s32 s0, $0x1F  }
0x229: {  	s3 =	smul.u32 $0x55555556, s3;
	_ =	sdelay $0x1  }
0x22a: {  	s2 =	sadd.s32 s3, s2  }
0x22b: {  	s3 =	sshrl.u32 s2, $0x1F  }
0x22c: {  	s2 =	sadd.s32 s3, s2  }
0x22d: {  	s2 =	smul.u32 $0x3, s2;
	_ =	sdelay $0x1  }
0x22e: {  	s0 =	ssub.s32 s0, s2  }
0x22f: {  	p2 =	slt.s32 s0, $0x0;
	s2 =	sadd.s32 $0x3, s0  }
0x230: {  	s0 =	smov.u32 @p2 s2  }
0x231: {  	p2 =	seq.s32 @!p1 s0, $0x0  }
0x232: {  	p1 =	por p1, !p2  }
0x233: {  	p2 =	slt.s32 @p1 s1, $0x1  }
0x234: {  	p3 =	por p2, !p1  }
0x235: {  	p3 =	seq.s32 @!p3 s0, $0x1  }
0x236: {  	p2 =	por @p1 p2, !p3  }
0x237: {  	p2 =	por !p1, !p2  }
0x238: {  	p3 =	slt.s32 @!p2 s1, $0x1  }
0x239: {  	p4 =	por p3, p2  }
0x23a: {  	p4 =	sne.s32 @!p4 s0, $0x2  }
0x23b: {  	p3 =	por @!p2 p3, p4  }
0x23c: {  	p3 =	por p2, !p3  }
.Ltmp10:
0x23d: {  	_ = 	snop;
	(pc) =	sbr.rel @!p3 .LBB2_17-.Ltmp10, $1  }
0x23e: {  	_ =	sdelay $0x3  }
0x23f: {  	s0 =	simm.s32 $0x4  }
0x240: {  	s0 =	simm.s32 @p1 $0x5  }
0x241: {  	s0 =	simm.s32 @!p2 $0x6  }
0x242: {  	_ =	swait.ge [sflag:s0], $0x8000  }
0x243: {  	[sflag:s0] =	ssyncset.done $0x0  }
0x244: {  	[sflag:s0] =	ssyncadd.s32 $0xFFFF8000  }
.LBB2_17:
0x245: {  	s2 =	rddreg [dreg:$0x1a]  }
0x246: {  	s0 =	sadd.s32 $0xF, s2  }
0x247: {  	s1 =	sand.u32 $0xF, s0  }
0x248: {  	s18 =	sshra.s32 s0, $0x1F;
	p2 =	slt.s32 s0, $0x1;
	p1 =	sne.s32 s1, $0x0  }
0x249: {  	s5 =	rddreg [dreg:$0x1b];
	s1 =	sshrl.u32 s18, $0x1C;
	p1 =	por !p2, !p1  }
0x24a: {  	s0 =	sadd.s32 s1, s0;
	s1 =	simm.s32 $0x1;
	p1 =	por !p1, !p1  }
0x24b: {  	s8 =	rddreg [dreg:$0xf];
	s0 =	sshra.s32 s0, $0x4;
	s1 =	simm.s32 @!p1 $0x0  }
0x24c: {  	s28 =	rddreg [dreg:$0x10];
	s1 =	ssub.s32 s0, s1  }
0x24d: {  	s16 =	rddreg [dreg:$0x14];
	p1 =	slt.s32 s1, $0x1  }
.Ltmp11:
0x24e: {  	s29 =	rddreg [dreg:$0x15];
	(pc) =	sbr.rel @p1 .LBB2_19-.Ltmp11, $4  }
0x24f: {  	s30 =	rddreg [dreg:$0x16]  }
0x250: {  	s31 =	rddreg [dreg:$0x17]  }
0x251: {  	s9 =	rddreg [dreg:$0x18];
	s22 =	sadd.s32 s5, s2  }
0x252: {  	s18 =	rddreg [dreg:$0x2];
	s0 =	sadd.s32 $0xFFFFFFFF, s22  }
0x253: {  	v37 =	vbroadcast v37, $0xF;
	_ =	sdelay $0x1  }
0x254: {  	v37 =	vadd.s32 v0, v37  }
0x255: {  	vm1 =	vlt.s32 v37, s0  }
0x256: {  	v37 =	vnsel vm1, s0, v37  }
0x257: {  	v38 =	vshll.u32 v37, $0x4  }
0x258: {  	v39 =	vand.u32 $0x7, v37;
	v38 =	vand.u32 $0xFFFFFF80, v38  }
0x259: {  	v38 =	vor.u32 v39, v38  }
0x25a: {  	v39 =	vperm.xlane v38, v34;
	_ =	sdelay $0x1  }
0x25b: {  	v39 =	vadd.s32 v35, v39;
	_ =	sdelay $0x3  }
0x25c: {  	s3 =	simm.s32 $0x0;
	s2 =	simm.s32 $0x1900;
	[tilespmem:$0x1600] =	vst v37  }
0x25d: {  	[tilespmem:s2], [sflag:$0x1] =	stream.indirect_vreg.gather [hbm4b:s18+s3], $0x80, v39, vm0, $0xb8;
	[tilespmem:$0x19900] =	vst v63  }
0x25e: {  	s6 =	simm.s32 $0x2100  }
0x25f: {  	[tilespmem:s6], [sflag:$0x1] =	stream.indirect_vreg.gather [hbm4b:s8+s3], $0x80, v39, vm0, $0xb8;
	[tilespmem:$0x19900] =	vst v63  }
0x260: {  	s7 =	simm.s32 $0x2900  }
0x261: {  	[tilespmem:s7], [sflag:$0x1] =	stream.indirect_vreg.gather [hbm4b:s28+s3], $0x80, v39, vm0, $0xb8;
	[tilespmem:$0x19900] =	vst v63  }
0x262: {  	s10 =	simm.s32 $0x3100  }
0x263: {  	[tilespmem:s10], [sflag:$0x1] =	stream.indirect_vreg.gather [hbm4b:s16+s3], $0x80, v39, vm0, $0xb8;
	[tilespmem:$0x19900] =	vst v63  }
0x264: {  	s13 =	simm.s32 $0x3900  }
0x265: {  	[tilespmem:s13], [sflag:$0x1] =	stream.indirect_vreg.gather [hbm4b:s29+s3], $0x80, v39, vm0, $0xb8;
	[tilespmem:$0x19900] =	vst v63  }
0x266: {  	s14 =	simm.s32 $0x4100;
	v63 =	vperm.xlane v38, v36  }
0x267: {  	[tilespmem:s14], [sflag:$0x1] =	stream.indirect_vreg.gather [hbm4b:s30+s3], $0x80, v39, vm0, $0xb8;
	[tilespmem:$0x19900] =	vst v63  }
0x268: {  	s15 =	simm.s32 $0x4900;
	v37 =	vadd.s32 v35, v63  }
0x269: {  	[tilespmem:s15], [sflag:$0x1] =	stream.indirect_vreg.gather [hbm4b:s31+s3], $0x80, v39, vm0, $0xb8;
	[tilespmem:$0x19900] =	vst v63  }
0x26a: {  	s22 =	simm.s32 $0x5100  }
0x26b: {  	[tilespmem:s22], [sflag:$0x1] =	stream.indirect_vreg.gather [hbm4b:s9+s3], $0x80, v39, vm0, $0xb8;
	[tilespmem:$0x19900] =	vst v63  }
0x26c: {  	s4 =	simm.s32 $0x5900;
	p2 =	seq.s32 s1, $0x1  }
0x26d: {  	[tilespmem:s4], [sflag:$0x1] =	stream.indirect_vreg.gather [hbm4b:s18+s3], $0x80, v37, vm0, $0xb8;
	[tilespmem:$0x19900] =	vst v63  }
0x26e: {  	s2 =	sadd.s32 @!p2 $0x10, s5;
	s6 =	simm.s32 $0x6100  }
0x26f: {  	v38 =	vlaneseq.u32 @!p2;
	[tilespmem:s6], [sflag:$0x1] =	stream.indirect_vreg.gather [hbm4b:s8+s3], $0x80, v37, vm0, $0xb8;
	[tilespmem:$0x19900] =	vst v63  }
0x270: {  	v40 =	vadd.s32 @!p2 s2, v38;
	s7 =	simm.s32 $0x6900;
	v39 =	vmov s0  }
0x271: {  	vm1 =	vlt.s32 @!p2 v40, v39;
	[tilespmem:s7], [sflag:$0x1] =	stream.indirect_vreg.gather [hbm4b:s28+s3], $0x80, v37, vm0, $0xb8;
	[tilespmem:$0x19900] =	vst v63  }
0x272: {  	s10 =	simm.s32 $0x7100;
	v39 =	vsel @!p2 vm1, v40, v39  }
0x273: {  	v40 =	vshll.u32 @!p2 v39, $0x4;
	[tilespmem:s10], [sflag:$0x1] =	stream.indirect_vreg.gather [hbm4b:s16+s3], $0x80, v37, vm0, $0xb8;
	[tilespmem:$0x19900] =	vst v63  }
0x274: {  	s13 =	simm.s32 $0x7900;
	v41 =	vand.u32 @!p2 $0x7, v39;
	v40 =	vand.u32 @!p2 $0xFFFFFF80, v40  }
0x275: {  	v42 =	vshrl.u32 @!p2 v38, $0x3;
	v40 =	vor.u32 @!p2 v41, v40;
	v41 =	vand.u32 @!p2 $0x7, v38;
	[tilespmem:s13], [sflag:$0x1] =	stream.indirect_vreg.gather [hbm4b:s29+s3], $0x80, v37, vm0, $0xb8;
	[tilespmem:$0x19900] =	vst v63  }
0x276: {  	v42 =	vmul.u32 @!p2 $0x8, v42;
	s14 =	simm.s32 $0x8100;
	v41 =	vperm.xlane @!p2 v40, v41  }
0x277: {  	[tilespmem:s14], [sflag:$0x1] =	stream.indirect_vreg.gather [hbm4b:s30+s3], $0x80, v37, vm0, $0xb8;
	[tilespmem:$0x19900] =	vst v63  }
0x278: {  	s15 =	simm.s32 $0x8900;
	v41 =	vadd.s32 @!p2 v42, v41  }
0x279: {  	[tilespmem:s15], [sflag:$0x1] =	stream.indirect_vreg.gather [hbm4b:s31+s3], $0x80, v37, vm0, $0xb8;
	[tilespmem:$0x19900] =	vst v63  }
0x27a: {  	s22 =	simm.s32 $0x9100  }
0x27b: {  	[tilespmem:s22], [sflag:$0x1] =	stream.indirect_vreg.gather [hbm4b:s9+s3], $0x80, v37, vm0, $0xb8;
	[tilespmem:$0x19900] =	vst v63  }
0x27c: {  	s2 =	simm.s32 @!p2 $0x0;
	vm1 =	vmmov @!p2 $0xffff;
	s3 =	simm.s32 @!p2 $0x9900;
	[tilespmem:$0x1680] =	vst @!p2 v39  }
0x27d: {  	[tilespmem:s3], [sflag:$0x2] =	stream.indirect_vreg.gather @!p2 [hbm4b:s18+s2], $0x80, v41, vm1, $0xb8;
	[tilespmem:$0x19900] =	vst v63  }
0x27e: {  	s3 =	simm.s32 @!p2 $0xA100  }
0x27f: {  	[tilespmem:s3], [sflag:$0x2] =	stream.indirect_vreg.gather @!p2 [hbm4b:s8+s2], $0x80, v41, vm1, $0xb8;
	[tilespmem:$0x19900] =	vst v63  }
0x280: {  	s3 =	simm.s32 @!p2 $0xA900  }
0x281: {  	[tilespmem:s3], [sflag:$0x2] =	stream.indirect_vreg.gather @!p2 [hbm4b:s28+s2], $0x80, v41, vm1, $0xb8;
	[tilespmem:$0x19900] =	vst v63  }
0x282: {  	s3 =	simm.s32 @!p2 $0xB100  }
0x283: {  	[tilespmem:s3], [sflag:$0x2] =	stream.indirect_vreg.gather @!p2 [hbm4b:s16+s2], $0x80, v41, vm1, $0xb8;
	[tilespmem:$0x19900] =	vst v63  }
0x284: {  	s3 =	simm.s32 @!p2 $0xB900  }
0x285: {  	v37 =	vor.u32 @!p2 $0x8, v38;
	[tilespmem:s3], [sflag:$0x2] =	stream.indirect_vreg.gather @!p2 [hbm4b:s29+s2], $0x80, v41, vm1, $0xb8;
	[tilespmem:$0x19900] =	vst v63  }
0x286: {  	v37 =	vperm.xlane @!p2 v40, v37;
	s3 =	simm.s32 @!p2 $0xC100  }
0x287: {  	[tilespmem:s3], [sflag:$0x2] =	stream.indirect_vreg.gather @!p2 [hbm4b:s30+s2], $0x80, v41, vm1, $0xb8;
	[tilespmem:$0x19900] =	vst v63  }
0x288: {  	v37 =	vadd.s32 @!p2 v42, v37;
	s3 =	simm.s32 @!p2 $0xC900  }
0x289: {  	[tilespmem:s3], [sflag:$0x2] =	stream.indirect_vreg.gather @!p2 [hbm4b:s31+s2], $0x80, v41, vm1, $0xb8;
	[tilespmem:$0x19900] =	vst v63  }
0x28a: {  	s3 =	simm.s32 @!p2 $0xD100  }
0x28b: {  	[tilespmem:s3], [sflag:$0x2] =	stream.indirect_vreg.gather @!p2 [hbm4b:s9+s2], $0x80, v41, vm1, $0xb8;
	[tilespmem:$0x19900] =	vst v63  }
0x28c: {  	s3 =	simm.s32 @!p2 $0xD900  }
0x28d: {  	[tilespmem:s3], [sflag:$0x2] =	stream.indirect_vreg.gather @!p2 [hbm4b:s18+s2], $0x80, v37, vm1, $0xb8;
	[tilespmem:$0x19900] =	vst v63  }
0x28e: {  	s3 =	simm.s32 @!p2 $0xE100  }
0x28f: {  	[tilespmem:s3], [sflag:$0x2] =	stream.indirect_vreg.gather @!p2 [hbm4b:s8+s2], $0x80, v37, vm1, $0xb8;
	[tilespmem:$0x19900] =	vst v63  }
0x290: {  	s3 =	simm.s32 @!p2 $0xE900  }
0x291: {  	[tilespmem:s3], [sflag:$0x2] =	stream.indirect_vreg.gather @!p2 [hbm4b:s28+s2], $0x80, v37, vm1, $0xb8;
	[tilespmem:$0x19900] =	vst v63  }
0x292: {  	s3 =	simm.s32 @!p2 $0xF100  }
0x293: {  	[tilespmem:s3], [sflag:$0x2] =	stream.indirect_vreg.gather @!p2 [hbm4b:s16+s2], $0x80, v37, vm1, $0xb8;
	[tilespmem:$0x19900] =	vst v63  }
0x294: {  	s3 =	simm.s32 @!p2 $0xF900  }
0x295: {  	[tilespmem:s3], [sflag:$0x2] =	stream.indirect_vreg.gather @!p2 [hbm4b:s29+s2], $0x80, v37, vm1, $0xb8;
	[tilespmem:$0x19900] =	vst v63  }
0x296: {  	s3 =	simm.s32 @!p2 $0x10100  }
0x297: {  	[tilespmem:s3], [sflag:$0x2] =	stream.indirect_vreg.gather @!p2 [hbm4b:s30+s2], $0x80, v37, vm1, $0xb8;
	[tilespmem:$0x19900] =	vst v63  }
0x298: {  	s3 =	simm.s32 @!p2 $0x10900  }
0x299: {  	[tilespmem:s3], [sflag:$0x2] =	stream.indirect_vreg.gather @!p2 [hbm4b:s31+s2], $0x80, v37, vm1, $0xb8;
	[tilespmem:$0x19900] =	vst v63  }
0x29a: {  	s3 =	simm.s32 @!p2 $0x11100  }
0x29b: {  	[tilespmem:s3], [sflag:$0x2] =	stream.indirect_vreg.gather @!p2 [hbm4b:s9+s2], $0x80, v37, vm1, $0xb8;
	[tilespmem:$0x19900] =	vst v63  }
.LBB2_19:
0x29c: {  	s2 =	sadd.s32 $0x2, s1  }
0x29d: {  	s3 =	smulhi.u32 $0x55555556, s2;
	s2 =	sshra.s32 s2, $0x1F  }
0x29e: {  	s2 =	smul.u32 $0x55555556, s2;
	_ =	sdelay $0x1  }
0x29f: {  	s2 =	sadd.s32 s2, s3  }
0x2a0: {  	s3 =	sshrl.u32 s2, $0x1F  }
0x2a1: {  	s2 =	sadd.s32 s3, s2  }
0x2a2: {  	s3 =	smul.u32 $0xFFFFFFFD, s2  }
0x2a3: {  	s4 =	ssub.s32 $0xFFFFFFFE, s1  }
0x2a4: {  	p2 =	slt.s32 s1, $0xFFFFFFFF;
	p3 =	sne.s32 s3, s4  }
0x2a5: {  	p2 =	por !p2, !p3  }
0x2a6: {  	s3 =	simm.s32 $0x1;
	p2 =	por !p2, !p2  }
0x2a7: {  	s3 =	simm.s32 @!p2 $0x0  }
0x2a8: {  	s6 =	ssub.s32 s2, s3  }
0x2a9: {  	p2 =	slt.s32 s6, $0x1  }
.Ltmp12:
0x2aa: {  	_ = 	snop;
	(pc) =	sbr.rel @p2 .LBB2_22-.Ltmp12, $1  }
0x2ab: {  	_ =	sdelay $0x3  }
0x2ac: {  	v37 =	vmov s0;
	s7 =	sadd.s32 $0x40, s5;
	s4 =	simm.s32 $0x4;
	s2 =	simm.s32 $0x1220  }
.LBB2_21:
0x2ad: {  	s0 =	sadd.s32 $0xFFFFFFFC, s4  }
0x2ae: {  	p3 =	sge.s32 s0, s1  }
0x2af: {  	s0 =	simm.s32 @!p3 $0x1  }
0x2b0: {  	_ =	swait.ge @!p3 [sflag:s0], $0x8000  }
0x2b1: {  	[sflag:s0] =	ssyncset.done @!p3 $0x0  }
0x2b2: {  	[sflag:s0] =	ssyncadd.s32 @!p3 $0xFFFF8000  }
0x2b3: {  	v38 =	vld @!p3 [tilespmem:s2+$0xFFFFFFE0];
	_ =	sdelay $0x4  }
0x2b4: {  	v39 =	vshll.u32 @!p3 v38, $0x4  }
0x2b5: {  	v41 =	vlaneseq.u32 @!p3;
	v40 =	vand.u32 @!p3 $0x7, v38;
	v39 =	vand.u32 @!p3 $0xFFFFFF80, v39  }
0x2b6: {  	v42 =	vshrl.u32 @!p3 v41, $0x3;
	v39 =	vor.u32 @!p3 v40, v39;
	v40 =	vand.u32 @!p3 $0x7, v41  }
0x2b7: {  	v42 =	vmul.u32 @!p3 $0x8, v42;
	v40 =	vperm.xlane @!p3 v39, v40;
	_ =	sdelay $0x1  }
0x2b8: {  	v40 =	vadd.s32 @!p3 v42, v40;
	_ =	sdelay $0x3  }
0x2b9: {  	vm1 =	vmmov @!p3 $0xffff;
	s3 =	simm.s32 @!p3 $0x1900;
	s0 =	simm.s32 @!p3 $0x0;
	[tilespmem:$0x1780] =	vst @!p3 v38  }
0x2ba: {  	[hbm4b:s11+s0] =	stream.indirect_vreg.scatter @!p3 [tilespmem:s3], [sflag:$0x4], $0x80, v40, vm1, $0xb8;
	[tilespmem:$0x19900] =	vst v63  }
0x2bb: {  	s3 =	simm.s32 @!p3 $0x2100  }
0x2bc: {  	[hbm4b:s12+s0] =	stream.indirect_vreg.scatter @!p3 [tilespmem:s3], [sflag:$0x4], $0x80, v40, vm1, $0xb8;
	[tilespmem:$0x19900] =	vst v63  }
0x2bd: {  	s3 =	simm.s32 @!p3 $0x2900  }
0x2be: {  	[hbm4b:s17+s0] =	stream.indirect_vreg.scatter @!p3 [tilespmem:s3], [sflag:$0x4], $0x80, v40, vm1, $0xb8;
	[tilespmem:$0x19900] =	vst v63  }
0x2bf: {  	s3 =	simm.s32 @!p3 $0x3100  }
0x2c0: {  	[hbm4b:s19+s0] =	stream.indirect_vreg.scatter @!p3 [tilespmem:s3], [sflag:$0x4], $0x80, v40, vm1, $0xb8;
	[tilespmem:$0x19900] =	vst v63  }
0x2c1: {  	s3 =	simm.s32 @!p3 $0x3900  }
0x2c2: {  	v38 =	vor.u32 @!p3 $0x8, v41;
	[hbm4b:s20+s0] =	stream.indirect_vreg.scatter @!p3 [tilespmem:s3], [sflag:$0x4], $0x80, v40, vm1, $0xb8;
	[tilespmem:$0x19900] =	vst v63  }
0x2c3: {  	v38 =	vperm.xlane @!p3 v39, v38;
	s3 =	simm.s32 @!p3 $0x4100  }
0x2c4: {  	[hbm4b:s21+s0] =	stream.indirect_vreg.scatter @!p3 [tilespmem:s3], [sflag:$0x4], $0x80, v40, vm1, $0xb8;
	[tilespmem:$0x19900] =	vst v63  }
0x2c5: {  	v38 =	vadd.s32 @!p3 v42, v38;
	s3 =	simm.s32 @!p3 $0x4900  }
0x2c6: {  	[hbm4b:s23+s0] =	stream.indirect_vreg.scatter @!p3 [tilespmem:s3], [sflag:$0x4], $0x80, v40, vm1, $0xb8;
	[tilespmem:$0x19900] =	vst v63  }
0x2c7: {  	s3 =	simm.s32 @!p3 $0x5100  }
0x2c8: {  	[hbm4b:s26+s0] =	stream.indirect_vreg.scatter @!p3 [tilespmem:s3], [sflag:$0x4], $0x80, v40, vm1, $0xb8;
	[tilespmem:$0x19900] =	vst v63  }
0x2c9: {  	s3 =	simm.s32 @!p3 $0x5900  }
0x2ca: {  	[hbm4b:s11+s0] =	stream.indirect_vreg.scatter @!p3 [tilespmem:s3], [sflag:$0x4], $0x80, v38, vm1, $0xb8;
	[tilespmem:$0x19900] =	vst v63  }
0x2cb: {  	s3 =	simm.s32 @!p3 $0x6100  }
0x2cc: {  	[hbm4b:s12+s0] =	stream.indirect_vreg.scatter @!p3 [tilespmem:s3], [sflag:$0x4], $0x80, v38, vm1, $0xb8;
	[tilespmem:$0x19900] =	vst v63  }
0x2cd: {  	s3 =	simm.s32 @!p3 $0x6900  }
0x2ce: {  	[hbm4b:s17+s0] =	stream.indirect_vreg.scatter @!p3 [tilespmem:s3], [sflag:$0x4], $0x80, v38, vm1, $0xb8;
	[tilespmem:$0x19900] =	vst v63  }
0x2cf: {  	s14 =	sadd.s32 $0xFFFFFFFE, s4;
	s3 =	simm.s32 @!p3 $0x7100  }
0x2d0: {  	[hbm4b:s19+s0] =	stream.indirect_vreg.scatter @!p3 [tilespmem:s3], [sflag:$0x4], $0x80, v38, vm1, $0xb8;
	[tilespmem:$0x19900] =	vst v63  }
0x2d1: {  	p2 =	sge.s32 s14, s1;
	s3 =	simm.s32 @!p3 $0x7900  }
0x2d2: {  	[hbm4b:s20+s0] =	stream.indirect_vreg.scatter @!p3 [tilespmem:s3], [sflag:$0x4], $0x80, v38, vm1, $0xb8;
	[tilespmem:$0x19900] =	vst v63  }
0x2d3: {  	v40 =	vlaneseq.u32 @!p2;
	s3 =	sadd.s32 @!p2 $0xFFFFFFE0, s7  }
0x2d4: {  	s5 =	simm.s32 @!p3 $0x8100;
	v39 =	vadd.s32 @!p2 s3, v40  }
0x2d5: {  	[hbm4b:s21+s0] =	stream.indirect_vreg.scatter @!p3 [tilespmem:s5], [sflag:$0x4], $0x80, v38, vm1, $0xb8;
	vm2 =	vlt.s32 @!p2 v39, v37;
	[tilespmem:$0x19900] =	vst v63  }
0x2d6: {  	s3 =	simm.s32 @!p3 $0x8900;
	v41 =	vsel @!p2 vm2, v39, v37  }
0x2d7: {  	[hbm4b:s23+s0] =	stream.indirect_vreg.scatter @!p3 [tilespmem:s3], [sflag:$0x4], $0x80, v38, vm1, $0xb8;
	v39 =	vshll.u32 @!p2 v41, $0x4;
	[tilespmem:$0x19900] =	vst v63  }
0x2d8: {  	s3 =	simm.s32 @!p3 $0x9100;
	v42 =	vand.u32 @!p2 $0x7, v41;
	v39 =	vand.u32 @!p2 $0xFFFFFF80, v39  }
0x2d9: {  	[hbm4b:s26+s0] =	stream.indirect_vreg.scatter @!p3 [tilespmem:s3], [sflag:$0x4], $0x80, v38, vm1, $0xb8;
	v42 =	vor.u32 @!p2 v42, v39;
	v39 =	vand.u32 @!p2 $0x7, v40;
	v38 =	vshrl.u32 @!p2 v40, $0x3;
	[tilespmem:$0x19900] =	vst v63  }
0x2da: {  	p4 =	seq.s32 @!p3 s4, $0x4;
	v43 =	vperm.xlane @!p2 v42, v39;
	v38 =	vmul.u32 @!p2 $0x8, v38  }
0x2db: {  	p3 =	por p4, p3  }
0x2dc: {  	s0 =	simm.s32 @!p3 $0x6;
	v43 =	vadd.s32 @!p2 v38, v43  }
0x2dd: {  	_ =	swait.ge @!p3 [sflag:s0], $0x8000  }
0x2de: {  	[sflag:s0] =	ssyncset.done @!p3 $0x0  }
0x2df: {  	[sflag:s0] =	ssyncadd.s32 @!p3 $0xFFFF8000  }
0x2e0: {  	vm1 =	vmmov @!p2 $0xffff;
	s3 =	simm.s32 @!p2 $0x11900;
	s0 =	simm.s32 @!p2 $0x0;
	[tilespmem:$0x1700] =	vst @!p2 v41  }
0x2e1: {  	[tilespmem:s3], [sflag:$0x3] =	stream.indirect_vreg.gather @!p2 [hbm4b:s18+s0], $0x80, v43, vm1, $0xb8;
	[tilespmem:$0x19900] =	vst v63  }
0x2e2: {  	s3 =	simm.s32 @!p2 $0x12100  }
0x2e3: {  	[tilespmem:s3], [sflag:$0x3] =	stream.indirect_vreg.gather @!p2 [hbm4b:s8+s0], $0x80, v43, vm1, $0xb8;
	[tilespmem:$0x19900] =	vst v63  }
0x2e4: {  	s3 =	simm.s32 @!p2 $0x12900  }
0x2e5: {  	[tilespmem:s3], [sflag:$0x3] =	stream.indirect_vreg.gather @!p2 [hbm4b:s28+s0], $0x80, v43, vm1, $0xb8;
	[tilespmem:$0x19900] =	vst v63  }
0x2e6: {  	s3 =	simm.s32 @!p2 $0x13100  }
0x2e7: {  	[tilespmem:s3], [sflag:$0x3] =	stream.indirect_vreg.gather @!p2 [hbm4b:s16+s0], $0x80, v43, vm1, $0xb8;
	[tilespmem:$0x19900] =	vst v63  }
0x2e8: {  	s11 =	simm.s32 @!p2 $0x13900  }
0x2e9: {  	v40 =	vor.u32 @!p2 $0x8, v40;
	[tilespmem:s11], [sflag:$0x3] =	stream.indirect_vreg.gather @!p2 [hbm4b:s29+s0], $0x80, v43, vm1, $0xb8;
	[tilespmem:$0x19900] =	vst v63  }
0x2ea: {  	s10 =	simm.s32 @!p2 $0x14100;
	v41 =	vperm.xlane @!p2 v42, v40  }
0x2eb: {  	[tilespmem:s10], [sflag:$0x3] =	stream.indirect_vreg.gather @!p2 [hbm4b:s30+s0], $0x80, v43, vm1, $0xb8;
	[tilespmem:$0x19900] =	vst v63  }
0x2ec: {  	s13 =	simm.s32 @!p2 $0x14900;
	v41 =	vadd.s32 @!p2 v38, v41  }
0x2ed: {  	[tilespmem:s13], [sflag:$0x3] =	stream.indirect_vreg.gather @!p2 [hbm4b:s31+s0], $0x80, v43, vm1, $0xb8;
	[tilespmem:$0x19900] =	vst v63  }
0x2ee: {  	s22 =	simm.s32 @!p2 $0x15100  }
0x2ef: {  	[tilespmem:s22], [sflag:$0x3] =	stream.indirect_vreg.gather @!p2 [hbm4b:s9+s0], $0x80, v43, vm1, $0xb8;
	[tilespmem:$0x19900] =	vst v63  }
0x2f0: {  	s23 =	simm.s32 @!p2 $0x15900  }
0x2f1: {  	[tilespmem:s23], [sflag:$0x3] =	stream.indirect_vreg.gather @!p2 [hbm4b:s18+s0], $0x80, v41, vm1, $0xb8;
	[tilespmem:$0x19900] =	vst v63  }
0x2f2: {  	s28 =	simm.s32 @!p2 $0x16100  }
0x2f3: {  	[tilespmem:s28], [sflag:$0x3] =	stream.indirect_vreg.gather @!p2 [hbm4b:s8+s0], $0x80, v41, vm1, $0xb8;
	[tilespmem:$0x19900] =	vst v63  }
0x2f4: {  	s3 =	rddreg [dreg:$0x10];
	s30 =	simm.s32 @!p2 $0x16900  }
0x2f5: {  	[tilespmem:s30], [sflag:$0x3] =	stream.indirect_vreg.gather @!p2 [hbm4b:s3+s0], $0x80, v41, vm1, $0xb8;
	[tilespmem:$0x19900] =	vst v63  }
0x2f6: {  	s31 =	simm.s32 @!p2 $0x17100  }
0x2f7: {  	[tilespmem:s31], [sflag:$0x3] =	stream.indirect_vreg.gather @!p2 [hbm4b:s16+s0], $0x80, v41, vm1, $0xb8;
	[tilespmem:$0x19900] =	vst v63  }
0x2f8: {  	s29 =	simm.s32 @!p2 $0x17900;
	s3 =	rddreg [dreg:$0x15]  }
0x2f9: {  	[tilespmem:s29], [sflag:$0x3] =	stream.indirect_vreg.gather @!p2 [hbm4b:s3+s0], $0x80, v41, vm1, $0xb8;
	[tilespmem:$0x19900] =	vst v63  }
0x2fa: {  	s26 =	simm.s32 @!p2 $0x18100;
	s3 =	rddreg [dreg:$0x16]  }
0x2fb: {  	[tilespmem:s26], [sflag:$0x3] =	stream.indirect_vreg.gather @!p2 [hbm4b:s3+s0], $0x80, v41, vm1, $0xb8;
	[tilespmem:$0x19900] =	vst v63  }
0x2fc: {  	s15 =	sadd.s32 $0xFFFFFFFD, s4;
	s14 =	simm.s32 @!p2 $0x18900;
	s3 =	rddreg [dreg:$0x17]  }
0x2fd: {  	[tilespmem:s14], [sflag:$0x3] =	stream.indirect_vreg.gather @!p2 [hbm4b:s3+s0], $0x80, v41, vm1, $0xb8;
	[tilespmem:$0x19900] =	vst v63  }
0x2fe: {  	p3 =	sge.s32 s15, s1;
	s3 =	simm.s32 @!p2 $0x19100  }
0x2ff: {  	[tilespmem:s3], [sflag:$0x3] =	stream.indirect_vreg.gather @!p2 [hbm4b:s9+s0], $0x80, v41, vm1, $0xb8;
	[tilespmem:$0x19900] =	vst v63  }
0x300: {  	s3 =	simm.s32 @!p3 $0x2  }
0x301: {  	_ =	swait.ge @!p3 [sflag:s3], $0x8000  }
0x302: {  	[sflag:s3] =	ssyncset.done @!p3 $0x0  }
0x303: {  	[sflag:s3] =	ssyncadd.s32 @!p3 $0xFFFF8000  }
0x304: {  	v41 =	vld @!p3 [tilespmem:s2+$0xFFFFFFF0];
	_ =	sdelay $0x4  }
0x305: {  	v42 =	vshll.u32 @!p3 v41, $0x4  }
0x306: {  	v44 =	vlaneseq.u32 @!p3;
	v43 =	vand.u32 @!p3 $0x7, v41;
	v42 =	vand.u32 @!p3 $0xFFFFFF80, v42  }
0x307: {  	v45 =	vshrl.u32 @!p3 v44, $0x3;
	v42 =	vor.u32 @!p3 v43, v42;
	v43 =	vand.u32 @!p3 $0x7, v44  }
0x308: {  	v45 =	vmul.u32 @!p3 $0x8, v45;
	v43 =	vperm.xlane @!p3 v42, v43;
	_ =	sdelay $0x1  }
0x309: {  	v43 =	vadd.s32 @!p3 v45, v43;
	_ =	sdelay $0x3  }
0x30a: {  	vm2 =	vmmov @!p3 $0xffff;
	s5 =	simm.s32 @!p3 $0x9900;
	s3 =	simm.s32 @!p3 $0x0;
	s8 =	rddreg [dreg:$0x3];
	[tilespmem:$0x1800] =	vst @!p3 v41  }
0x30b: {  	[hbm4b:s8+s3] =	stream.indirect_vreg.scatter @!p3 [tilespmem:s5], [sflag:$0x5], $0x80, v43, vm2, $0xb8;
	[tilespmem:$0x19900] =	vst v63  }
0x30c: {  	s5 =	simm.s32 @!p3 $0xA100  }
0x30d: {  	[hbm4b:s12+s3] =	stream.indirect_vreg.scatter @!p3 [tilespmem:s5], [sflag:$0x5], $0x80, v43, vm2, $0xb8;
	[tilespmem:$0x19900] =	vst v63  }
0x30e: {  	s5 =	simm.s32 @!p3 $0xA900  }
0x30f: {  	[hbm4b:s17+s3] =	stream.indirect_vreg.scatter @!p3 [tilespmem:s5], [sflag:$0x5], $0x80, v43, vm2, $0xb8;
	[tilespmem:$0x19900] =	vst v63  }
0x310: {  	s5 =	simm.s32 @!p3 $0xB100  }
0x311: {  	[hbm4b:s19+s3] =	stream.indirect_vreg.scatter @!p3 [tilespmem:s5], [sflag:$0x5], $0x80, v43, vm2, $0xb8;
	[tilespmem:$0x19900] =	vst v63  }
0x312: {  	s5 =	simm.s32 @!p3 $0xB900  }
0x313: {  	v41 =	vor.u32 @!p3 $0x8, v44;
	[hbm4b:s20+s3] =	stream.indirect_vreg.scatter @!p3 [tilespmem:s5], [sflag:$0x5], $0x80, v43, vm2, $0xb8;
	[tilespmem:$0x19900] =	vst v63  }
0x314: {  	v41 =	vperm.xlane @!p3 v42, v41;
	s5 =	simm.s32 @!p3 $0xC100  }
0x315: {  	[hbm4b:s21+s3] =	stream.indirect_vreg.scatter @!p3 [tilespmem:s5], [sflag:$0x5], $0x80, v43, vm2, $0xb8;
	[tilespmem:$0x19900] =	vst v63  }
0x316: {  	v41 =	vadd.s32 @!p3 v45, v41;
	s8 =	rddreg [dreg:$0xd];
	s5 =	simm.s32 @!p3 $0xC900  }
0x317: {  	[hbm4b:s8+s3] =	stream.indirect_vreg.scatter @!p3 [tilespmem:s5], [sflag:$0x5], $0x80, v43, vm2, $0xb8;
	[tilespmem:$0x19900] =	vst v63  }
0x318: {  	s5 =	simm.s32 @!p3 $0xD100;
	s8 =	rddreg [dreg:$0xe]  }
0x319: {  	[hbm4b:s8+s3] =	stream.indirect_vreg.scatter @!p3 [tilespmem:s5], [sflag:$0x5], $0x80, v43, vm2, $0xb8;
	[tilespmem:$0x19900] =	vst v63  }
0x31a: {  	s5 =	simm.s32 @!p3 $0xD900;
	s8 =	rddreg [dreg:$0x3]  }
0x31b: {  	[hbm4b:s8+s3] =	stream.indirect_vreg.scatter @!p3 [tilespmem:s5], [sflag:$0x5], $0x80, v41, vm2, $0xb8;
	[tilespmem:$0x19900] =	vst v63  }
0x31c: {  	s5 =	simm.s32 @!p3 $0xE100  }
0x31d: {  	[hbm4b:s12+s3] =	stream.indirect_vreg.scatter @!p3 [tilespmem:s5], [sflag:$0x5], $0x80, v41, vm2, $0xb8;
	[tilespmem:$0x19900] =	vst v63  }
0x31e: {  	s16 =	sadd.s32 $0xFFFFFFFF, s4;
	s5 =	simm.s32 @!p3 $0xE900  }
0x31f: {  	[hbm4b:s17+s3] =	stream.indirect_vreg.scatter @!p3 [tilespmem:s5], [sflag:$0x5], $0x80, v41, vm2, $0xb8;
	[tilespmem:$0x19900] =	vst v63  }
0x320: {  	p4 =	sge.s32 s16, s1;
	s5 =	simm.s32 @!p3 $0xF100  }
0x321: {  	[hbm4b:s19+s3] =	stream.indirect_vreg.scatter @!p3 [tilespmem:s5], [sflag:$0x5], $0x80, v41, vm2, $0xb8;
	[tilespmem:$0x19900] =	vst v63  }
0x322: {  	v42 =	vlaneseq.u32 @!p4;
	s5 =	sadd.s32 @!p4 $0xFFFFFFF0, s7  }
0x323: {  	v43 =	vadd.s32 @!p4 s5, v42;
	s5 =	simm.s32 @!p3 $0xF900  }
0x324: {  	[hbm4b:s20+s3] =	stream.indirect_vreg.scatter @!p3 [tilespmem:s5], [sflag:$0x5], $0x80, v41, vm2, $0xb8;
	vm3 =	vlt.s32 @!p4 v43, v37;
	[tilespmem:$0x19900] =	vst v63  }
0x325: {  	s5 =	simm.s32 @!p3 $0x10100;
	v43 =	vsel @!p4 vm3, v43, v37  }
0x326: {  	[hbm4b:s21+s3] =	stream.indirect_vreg.scatter @!p3 [tilespmem:s5], [sflag:$0x5], $0x80, v41, vm2, $0xb8;
	v44 =	vshll.u32 @!p4 v43, $0x4;
	[tilespmem:$0x19900] =	vst v63  }
0x327: {  	s8 =	rddreg [dreg:$0xd];
	s5 =	simm.s32 @!p3 $0x10900;
	v45 =	vand.u32 @!p4 $0x7, v43;
	v44 =	vand.u32 @!p4 $0xFFFFFF80, v44  }
0x328: {  	v46 =	vshrl.u32 @!p4 v42, $0x3;
	[hbm4b:s8+s3] =	stream.indirect_vreg.scatter @!p3 [tilespmem:s5], [sflag:$0x5], $0x80, v41, vm2, $0xb8;
	v44 =	vor.u32 @!p4 v45, v44;
	v45 =	vand.u32 @!p4 $0x7, v42;
	[tilespmem:$0x19900] =	vst v63  }
0x329: {  	v46 =	vmul.u32 @!p4 $0x8, v46;
	s5 =	simm.s32 @!p3 $0x11100;
	s8 =	rddreg [dreg:$0xe];
	v45 =	vperm.xlane @!p4 v44, v45  }
0x32a: {  	[hbm4b:s8+s3] =	stream.indirect_vreg.scatter @!p3 [tilespmem:s5], [sflag:$0x5], $0x80, v41, vm2, $0xb8;
	[tilespmem:$0x19900] =	vst v63  }
0x32b: {  	s3 =	simm.s32 @!p3 $0x4;
	v41 =	vadd.s32 @!p4 v46, v45  }
0x32c: {  	s8 =	rddreg [dreg:$0xf];
	_ =	swait.ge @!p3 [sflag:s3], $0x8000  }
0x32d: {  	[sflag:s3] =	ssyncset.done @!p3 $0x0  }
0x32e: {  	[sflag:s3] =	ssyncadd.s32 @!p3 $0xFFFF8000  }
0x32f: {  	vm2 =	vmmov @!p4 $0xffff;
	s5 =	simm.s32 @!p4 $0x1900;
	s3 =	simm.s32 @!p4 $0x0;
	[tilespmem:$0x1600] =	vst @!p4 v43  }
0x330: {  	[tilespmem:s5], [sflag:$0x1] =	stream.indirect_vreg.gather @!p4 [hbm4b:s18+s3], $0x80, v41, vm2, $0xb8;
	[tilespmem:$0x19900] =	vst v63  }
0x331: {  	s5 =	simm.s32 @!p4 $0x2100  }
0x332: {  	[tilespmem:s5], [sflag:$0x1] =	stream.indirect_vreg.gather @!p4 [hbm4b:s8+s3], $0x80, v41, vm2, $0xb8;
	[tilespmem:$0x19900] =	vst v63  }
0x333: {  	s16 =	rddreg [dreg:$0x10];
	s5 =	simm.s32 @!p4 $0x2900  }
0x334: {  	[tilespmem:s5], [sflag:$0x1] =	stream.indirect_vreg.gather @!p4 [hbm4b:s16+s3], $0x80, v41, vm2, $0xb8;
	[tilespmem:$0x19900] =	vst v63  }
0x335: {  	s5 =	simm.s32 @!p4 $0x3100;
	s16 =	rddreg [dreg:$0x14]  }
0x336: {  	[tilespmem:s5], [sflag:$0x1] =	stream.indirect_vreg.gather @!p4 [hbm4b:s16+s3], $0x80, v41, vm2, $0xb8;
	[tilespmem:$0x19900] =	vst v63  }
0x337: {  	s5 =	simm.s32 @!p4 $0x3900;
	s16 =	rddreg [dreg:$0x15]  }
0x338: {  	v42 =	vor.u32 @!p4 $0x8, v42;
	[tilespmem:s5], [sflag:$0x1] =	stream.indirect_vreg.gather @!p4 [hbm4b:s16+s3], $0x80, v41, vm2, $0xb8;
	[tilespmem:$0x19900] =	vst v63  }
0x339: {  	v42 =	vperm.xlane @!p4 v44, v42;
	s15 =	rddreg [dreg:$0x16];
	s5 =	simm.s32 @!p4 $0x4100  }
0x33a: {  	[tilespmem:s5], [sflag:$0x1] =	stream.indirect_vreg.gather @!p4 [hbm4b:s15+s3], $0x80, v41, vm2, $0xb8;
	[tilespmem:$0x19900] =	vst v63  }
0x33b: {  	v42 =	vadd.s32 @!p4 v46, v42;
	s5 =	simm.s32 @!p4 $0x4900;
	s15 =	rddreg [dreg:$0x17]  }
0x33c: {  	[tilespmem:s5], [sflag:$0x1] =	stream.indirect_vreg.gather @!p4 [hbm4b:s15+s3], $0x80, v41, vm2, $0xb8;
	[tilespmem:$0x19900] =	vst v63  }
0x33d: {  	s5 =	simm.s32 @!p4 $0x5100  }
0x33e: {  	[tilespmem:s5], [sflag:$0x1] =	stream.indirect_vreg.gather @!p4 [hbm4b:s9+s3], $0x80, v41, vm2, $0xb8;
	[tilespmem:$0x19900] =	vst v63  }
0x33f: {  	s5 =	simm.s32 @!p4 $0x5900  }
0x340: {  	[tilespmem:s5], [sflag:$0x1] =	stream.indirect_vreg.gather @!p4 [hbm4b:s18+s3], $0x80, v42, vm2, $0xb8;
	[tilespmem:$0x19900] =	vst v63  }
0x341: {  	s5 =	simm.s32 @!p4 $0x6100  }
0x342: {  	[tilespmem:s5], [sflag:$0x1] =	stream.indirect_vreg.gather @!p4 [hbm4b:s8+s3], $0x80, v42, vm2, $0xb8;
	[tilespmem:$0x19900] =	vst v63  }
0x343: {  	s16 =	rddreg [dreg:$0x10];
	s5 =	simm.s32 @!p4 $0x6900  }
0x344: {  	[tilespmem:s5], [sflag:$0x1] =	stream.indirect_vreg.gather @!p4 [hbm4b:s16+s3], $0x80, v42, vm2, $0xb8;
	[tilespmem:$0x19900] =	vst v63  }
0x345: {  	s16 =	rddreg [dreg:$0x14];
	s5 =	simm.s32 @!p4 $0x7100  }
0x346: {  	[tilespmem:s5], [sflag:$0x1] =	stream.indirect_vreg.gather @!p4 [hbm4b:s16+s3], $0x80, v42, vm2, $0xb8;
	[tilespmem:$0x19900] =	vst v63  }
0x347: {  	s15 =	rddreg [dreg:$0x15];
	s5 =	simm.s32 @!p4 $0x7900  }
0x348: {  	[tilespmem:s5], [sflag:$0x1] =	stream.indirect_vreg.gather @!p4 [hbm4b:s15+s3], $0x80, v42, vm2, $0xb8;
	[tilespmem:$0x19900] =	vst v63  }
0x349: {  	s5 =	simm.s32 @!p4 $0x8100;
	s15 =	rddreg [dreg:$0x16]  }
0x34a: {  	[tilespmem:s5], [sflag:$0x1] =	stream.indirect_vreg.gather @!p4 [hbm4b:s15+s3], $0x80, v42, vm2, $0xb8;
	[tilespmem:$0x19900] =	vst v63  }
0x34b: {  	s5 =	simm.s32 @!p4 $0x8900;
	s15 =	rddreg [dreg:$0x17]  }
0x34c: {  	[tilespmem:s5], [sflag:$0x1] =	stream.indirect_vreg.gather @!p4 [hbm4b:s15+s3], $0x80, v42, vm2, $0xb8;
	[tilespmem:$0x19900] =	vst v63  }
0x34d: {  	s5 =	simm.s32 @!p4 $0x9100  }
0x34e: {  	[tilespmem:s5], [sflag:$0x1] =	stream.indirect_vreg.gather @!p4 [hbm4b:s9+s3], $0x80, v42, vm2, $0xb8;
	[tilespmem:$0x19900] =	vst v63  }
0x34f: {  	s3 =	simm.s32 @!p2 $0x3  }
0x350: {  	_ =	swait.ge @!p2 [sflag:s3], $0x8000  }
0x351: {  	[sflag:s3] =	ssyncset.done @!p2 $0x0  }
0x352: {  	[sflag:s3] =	ssyncadd.s32 @!p2 $0xFFFF8000  }
0x353: {  	v41 =	vld @!p2 [tilespmem:s2+$0x0];
	_ =	sdelay $0x4  }
0x354: {  	v42 =	vshll.u32 @!p2 v41, $0x4  }
0x355: {  	v43 =	vand.u32 @!p2 $0x7, v41;
	v42 =	vand.u32 @!p2 $0xFFFFFF80, v42  }
0x356: {  	v42 =	vor.u32 @!p2 v43, v42  }
0x357: {  	v39 =	vperm.xlane @!p2 v42, v39;
	_ =	sdelay $0x1  }
0x358: {  	v39 =	vadd.s32 @!p2 v38, v39;
	_ =	sdelay $0x3  }
0x359: {  	s5 =	simm.s32 @!p2 $0x11900;
	s3 =	rddreg [dreg:$0x3];
	[tilespmem:$0x1880] =	vst @!p2 v41  }
0x35a: {  	[hbm4b:s3+s0] =	stream.indirect_vreg.scatter @!p2 [tilespmem:s5], [sflag:$0x6], $0x80, v39, vm1, $0xb8;
	[tilespmem:$0x19900] =	vst v63  }
0x35b: {  	s3 =	simm.s32 @!p2 $0x12100  }
0x35c: {  	[hbm4b:s12+s0] =	stream.indirect_vreg.scatter @!p2 [tilespmem:s3], [sflag:$0x6], $0x80, v39, vm1, $0xb8;
	[tilespmem:$0x19900] =	vst v63  }
0x35d: {  	s3 =	simm.s32 @!p2 $0x12900  }
0x35e: {  	[hbm4b:s17+s0] =	stream.indirect_vreg.scatter @!p2 [tilespmem:s3], [sflag:$0x6], $0x80, v39, vm1, $0xb8;
	[tilespmem:$0x19900] =	vst v63  }
0x35f: {  	s3 =	simm.s32 @!p2 $0x13100  }
0x360: {  	[hbm4b:s19+s0] =	stream.indirect_vreg.scatter @!p2 [tilespmem:s3], [sflag:$0x6], $0x80, v39, vm1, $0xb8;
	[tilespmem:$0x19900] =	vst v63  }
0x361: {  	_ = 	snop  }
0x362: {  	[hbm4b:s20+s0] =	stream.indirect_vreg.scatter @!p2 [tilespmem:s11], [sflag:$0x6], $0x80, v39, vm1, $0xb8;
	[tilespmem:$0x19900] =	vst v63  }
0x363: {  	v40 =	vperm.xlane @!p2 v42, v40  }
0x364: {  	[hbm4b:s21+s0] =	stream.indirect_vreg.scatter @!p2 [tilespmem:s10], [sflag:$0x6], $0x80, v39, vm1, $0xb8;
	[tilespmem:$0x19900] =	vst v63  }
0x365: {  	v38 =	vadd.s32 @!p2 v38, v40;
	s3 =	rddreg [dreg:$0xd]  }
0x366: {  	[hbm4b:s3+s0] =	stream.indirect_vreg.scatter @!p2 [tilespmem:s13], [sflag:$0x6], $0x80, v39, vm1, $0xb8;
	[tilespmem:$0x19900] =	vst v63  }
0x367: {  	s3 =	rddreg [dreg:$0xe]  }
0x368: {  	[hbm4b:s3+s0] =	stream.indirect_vreg.scatter @!p2 [tilespmem:s22], [sflag:$0x6], $0x80, v39, vm1, $0xb8;
	[tilespmem:$0x19900] =	vst v63  }
0x369: {  	s11 =	rddreg [dreg:$0x3]  }
0x36a: {  	[hbm4b:s11+s0] =	stream.indirect_vreg.scatter @!p2 [tilespmem:s23], [sflag:$0x6], $0x80, v38, vm1, $0xb8;
	[tilespmem:$0x19900] =	vst v63  }
0x36b: {  	_ = 	snop  }
0x36c: {  	[hbm4b:s12+s0] =	stream.indirect_vreg.scatter @!p2 [tilespmem:s28], [sflag:$0x6], $0x80, v38, vm1, $0xb8;
	[tilespmem:$0x19900] =	vst v63  }
0x36d: {  	_ = 	snop  }
0x36e: {  	[hbm4b:s17+s0] =	stream.indirect_vreg.scatter @!p2 [tilespmem:s30], [sflag:$0x6], $0x80, v38, vm1, $0xb8;
	[tilespmem:$0x19900] =	vst v63  }
0x36f: {  	p3 =	sge.s32 s4, s1  }
0x370: {  	v39 =	vlaneseq.u32 @!p3;
	[hbm4b:s19+s0] =	stream.indirect_vreg.scatter @!p2 [tilespmem:s31], [sflag:$0x6], $0x80, v38, vm1, $0xb8;
	[tilespmem:$0x19900] =	vst v63  }
0x371: {  	v40 =	vadd.s32 @!p3 s7, v39;
	s23 =	rddreg [dreg:$0xd]  }
0x372: {  	vm2 =	vlt.s32 @!p3 v40, v37;
	[hbm4b:s20+s0] =	stream.indirect_vreg.scatter @!p2 [tilespmem:s29], [sflag:$0x6], $0x80, v38, vm1, $0xb8;
	[tilespmem:$0x19900] =	vst v63  }
0x373: {  	v40 =	vsel @!p3 vm2, v40, v37;
	s28 =	rddreg [dreg:$0x10]  }
0x374: {  	v41 =	vshll.u32 @!p3 v40, $0x4;
	[hbm4b:s21+s0] =	stream.indirect_vreg.scatter @!p2 [tilespmem:s26], [sflag:$0x6], $0x80, v38, vm1, $0xb8;
	[tilespmem:$0x19900] =	vst v63  }
0x375: {  	v42 =	vand.u32 @!p3 $0x7, v40;
	v41 =	vand.u32 @!p3 $0xFFFFFF80, v41;
	s30 =	rddreg [dreg:$0x16]  }
0x376: {  	v43 =	vshrl.u32 @!p3 v39, $0x3;
	v41 =	vor.u32 @!p3 v42, v41;
	v42 =	vand.u32 @!p3 $0x7, v39;
	[hbm4b:s23+s0] =	stream.indirect_vreg.scatter @!p2 [tilespmem:s14], [sflag:$0x6], $0x80, v38, vm1, $0xb8;
	[tilespmem:$0x19900] =	vst v63  }
0x377: {  	s3 =	simm.s32 @!p2 $0x19100;
	v43 =	vmul.u32 @!p3 $0x8, v43;
	v42 =	vperm.xlane @!p3 v41, v42;
	s26 =	rddreg [dreg:$0xe]  }
0x378: {  	[hbm4b:s26+s0] =	stream.indirect_vreg.scatter @!p2 [tilespmem:s3], [sflag:$0x6], $0x80, v38, vm1, $0xb8;
	[tilespmem:$0x19900] =	vst v63  }
0x379: {  	s31 =	rddreg [dreg:$0x17];
	s0 =	simm.s32 @!p2 $0x5;
	v38 =	vadd.s32 @!p3 v43, v42  }
0x37a: {  	s29 =	rddreg [dreg:$0x15];
	_ =	swait.ge @!p2 [sflag:s0], $0x8000  }
0x37b: {  	[sflag:s0] =	ssyncset.done @!p2 $0x0  }
0x37c: {  	[sflag:s0] =	ssyncadd.s32 @!p2 $0xFFFF8000  }
0x37d: {  	vm1 =	vmmov @!p3 $0xffff;
	s3 =	simm.s32 @!p3 $0x9900;
	s0 =	simm.s32 @!p3 $0x0;
	[tilespmem:$0x1680] =	vst @!p3 v40  }
0x37e: {  	[tilespmem:s3], [sflag:$0x2] =	stream.indirect_vreg.gather @!p3 [hbm4b:s18+s0], $0x80, v38, vm1, $0xb8;
	[tilespmem:$0x19900] =	vst v63  }
0x37f: {  	s3 =	simm.s32 @!p3 $0xA100  }
0x380: {  	[tilespmem:s3], [sflag:$0x2] =	stream.indirect_vreg.gather @!p3 [hbm4b:s8+s0], $0x80, v38, vm1, $0xb8;
	[tilespmem:$0x19900] =	vst v63  }
0x381: {  	s3 =	simm.s32 @!p3 $0xA900  }
0x382: {  	[tilespmem:s3], [sflag:$0x2] =	stream.indirect_vreg.gather @!p3 [hbm4b:s28+s0], $0x80, v38, vm1, $0xb8;
	[tilespmem:$0x19900] =	vst v63  }
0x383: {  	s3 =	simm.s32 @!p3 $0xB100  }
0x384: {  	[tilespmem:s3], [sflag:$0x2] =	stream.indirect_vreg.gather @!p3 [hbm4b:s16+s0], $0x80, v38, vm1, $0xb8;
	[tilespmem:$0x19900] =	vst v63  }
0x385: {  	s3 =	simm.s32 @!p3 $0xB900  }
0x386: {  	v39 =	vor.u32 @!p3 $0x8, v39;
	[tilespmem:s3], [sflag:$0x2] =	stream.indirect_vreg.gather @!p3 [hbm4b:s29+s0], $0x80, v38, vm1, $0xb8;
	[tilespmem:$0x19900] =	vst v63  }
0x387: {  	v39 =	vperm.xlane @!p3 v41, v39;
	s3 =	simm.s32 @!p3 $0xC100  }
0x388: {  	[tilespmem:s3], [sflag:$0x2] =	stream.indirect_vreg.gather @!p3 [hbm4b:s30+s0], $0x80, v38, vm1, $0xb8;
	[tilespmem:$0x19900] =	vst v63  }
0x389: {  	v39 =	vadd.s32 @!p3 v43, v39;
	s3 =	simm.s32 @!p3 $0xC900  }
0x38a: {  	[tilespmem:s3], [sflag:$0x2] =	stream.indirect_vreg.gather @!p3 [hbm4b:s31+s0], $0x80, v38, vm1, $0xb8;
	[tilespmem:$0x19900] =	vst v63  }
0x38b: {  	s3 =	simm.s32 @!p3 $0xD100  }
0x38c: {  	[tilespmem:s3], [sflag:$0x2] =	stream.indirect_vreg.gather @!p3 [hbm4b:s9+s0], $0x80, v38, vm1, $0xb8;
	[tilespmem:$0x19900] =	vst v63  }
0x38d: {  	s3 =	simm.s32 @!p3 $0xD900  }
0x38e: {  	[tilespmem:s3], [sflag:$0x2] =	stream.indirect_vreg.gather @!p3 [hbm4b:s18+s0], $0x80, v39, vm1, $0xb8;
	[tilespmem:$0x19900] =	vst v63  }
0x38f: {  	s3 =	simm.s32 @!p3 $0xE100  }
0x390: {  	[tilespmem:s3], [sflag:$0x2] =	stream.indirect_vreg.gather @!p3 [hbm4b:s8+s0], $0x80, v39, vm1, $0xb8;
	[tilespmem:$0x19900] =	vst v63  }
0x391: {  	s3 =	simm.s32 @!p3 $0xE900  }
0x392: {  	[tilespmem:s3], [sflag:$0x2] =	stream.indirect_vreg.gather @!p3 [hbm4b:s28+s0], $0x80, v39, vm1, $0xb8;
	[tilespmem:$0x19900] =	vst v63  }
0x393: {  	s3 =	simm.s32 @!p3 $0xF100  }
0x394: {  	[tilespmem:s3], [sflag:$0x2] =	stream.indirect_vreg.gather @!p3 [hbm4b:s16+s0], $0x80, v39, vm1, $0xb8;
	[tilespmem:$0x19900] =	vst v63  }
0x395: {  	s6 =	sadd.s32 $0xFFFFFFFF, s6;
	s3 =	simm.s32 @!p3 $0xF900  }
0x396: {  	[tilespmem:s3], [sflag:$0x2] =	stream.indirect_vreg.gather @!p3 [hbm4b:s29+s0], $0x80, v39, vm1, $0xb8;
	[tilespmem:$0x19900] =	vst v63  }
0x397: {  	p2 =	sne.s32 s6, $0x0;
	s3 =	simm.s32 @!p3 $0x10100  }
0x398: {  	[tilespmem:s3], [sflag:$0x2] =	stream.indirect_vreg.gather @!p3 [hbm4b:s30+s0], $0x80, v39, vm1, $0xb8;
	[tilespmem:$0x19900] =	vst v63  }
.Ltmp13:
0x399: {  	_ = 	snop;
	(pc) =	sbr.rel @p2 .LBB2_21-.Ltmp13, $4  }
0x39a: {  	s4 =	sadd.s32 $0x3, s4;
	s3 =	simm.s32 @!p3 $0x10900  }
0x39b: {  	[tilespmem:s3], [sflag:$0x2] =	stream.indirect_vreg.gather @!p3 [hbm4b:s31+s0], $0x80, v39, vm1, $0xb8;
	[tilespmem:$0x19900] =	vst v63  }
0x39c: {  	s2 =	sadd.s32 $0x30, s2;
	s7 =	sadd.s32 $0x30, s7;
	s3 =	simm.s32 @!p3 $0x11100  }
0x39d: {  	[tilespmem:s3], [sflag:$0x2] =	stream.indirect_vreg.gather @!p3 [hbm4b:s9+s0], $0x80, v39, vm1, $0xb8;
	[tilespmem:$0x19900] =	vst v63  }
.LBB2_22:
0x39e: {  	s0 =	sadd.s32 $0xFFFFFFFF, s1  }
0x39f: {  	s2 =	smulhi.u32 $0x55555556, s0;
	s3 =	sshra.s32 s0, $0x1F  }
0x3a0: {  	s3 =	smul.u32 $0x55555556, s3;
	_ =	sdelay $0x1  }
0x3a1: {  	s2 =	sadd.s32 s3, s2  }
0x3a2: {  	s3 =	sshrl.u32 s2, $0x1F  }
0x3a3: {  	s2 =	sadd.s32 s3, s2  }
0x3a4: {  	s2 =	smul.u32 $0x3, s2;
	_ =	sdelay $0x1  }
0x3a5: {  	s0 =	ssub.s32 s0, s2  }
0x3a6: {  	p2 =	slt.s32 s0, $0x0;
	s2 =	sadd.s32 $0x3, s0  }
0x3a7: {  	s0 =	smov.u32 @p2 s2  }
0x3a8: {  	p2 =	seq.s32 @!p1 s0, $0x0  }
0x3a9: {  	p1 =	por p1, !p2  }
0x3aa: {  	p2 =	slt.s32 @p1 s1, $0x1  }
0x3ab: {  	p3 =	por p2, !p1  }
0x3ac: {  	p3 =	seq.s32 @!p3 s0, $0x1  }
0x3ad: {  	p2 =	por @p1 p2, !p3  }
0x3ae: {  	p2 =	por !p1, !p2  }
0x3af: {  	p3 =	slt.s32 @!p2 s1, $0x1  }
0x3b0: {  	p4 =	por p3, p2  }
0x3b1: {  	p4 =	sne.s32 @!p4 s0, $0x2  }
0x3b2: {  	p3 =	por @!p2 p3, p4  }
0x3b3: {  	p3 =	por p2, !p3  }
.Ltmp14:
0x3b4: {  	_ = 	snop;
	(pc) =	sbr.rel @!p3 .LBB2_24-.Ltmp14, $2  }
0x3b5: {  	_ =	sdelay $0x2  }
0x3b6: {  	s1 =	rddreg [dreg:$0x19]  }
0x3b7: {  	s0 =	simm.s32 $0x4  }
.Ltmp15:
0x3b8: {  	s0 =	simm.s32 @p1 $0x5;
	(pc) =	sbr.rel .LBB2_24-.Ltmp15, $4  }
0x3b9: {  	s0 =	simm.s32 @!p2 $0x6  }
0x3ba: {  	_ =	swait.ge [sflag:s0], $0x8000  }
0x3bb: {  	[sflag:s0] =	ssyncset.done $0x0  }
0x3bc: {  	[sflag:s0] =	ssyncadd.s32 $0xFFFF8000  }
.LBB2_5:
.Ltmp16:
0x3bd: {  	(pc) =	sbr.rel .LBB2_9-.Ltmp16, $4  }
0x3be: {  	_ = 	snop  }
0x3bf: {  	v44 =	vimm.s32 $0x0;
	v48 =	vimm.s32 $0x0  }
0x3c0: {  	v47 =	vimm.s32 $0x0;
	v50 =	vimm.s32 $0x0;
	v38 =	vimm.s32 $0x0  }
0x3c1: {  	v40 =	vimm.s32 $0x0;
	v41 =	vimm.s32 $0x0;
	v42 =	vimm.s32 $0x0  }
.LBB2_7:
.Ltmp17:
0x3c2: {  	(pc) =	sbr.rel .LBB2_9-.Ltmp17, $3  }
0x3c3: {  	_ =	sdelay $0x1  }
0x3c4: {  	v44 =	vimm.s32 $0x0  }
0x3c5: {  	v48 =	vimm.s32 $0x0;
	v47 =	vimm.s32 $0x0;
	v50 =	vimm.s32 $0x0  }
.LBB2_25:
0x3c6: {  	_ =	sfence.sel $0x180000  }
0x3c7: {  	[bflag:$0x0] =	sbarrier.arrive $0xFFFF  }
0x3c8: {  	_ =	strace $0x90000047  }
0x3c9: {  	s0 =	stileid.u32;
	[bflag:$0x2] =	sbarrier.arrive $0xFFFF  }
0x3ca: {  	p0 =	sne.s32 s0, $0x0;
	s0 =	rddreg [dreg:$0x4]  }
0x3cb: {  	s0 =	sadd.s32 @!p0 $0x100000, s0  }
0x3cc: {  	[sflag:s0] =	ssyncadd.tile.s32 @!p0 $0x1;
	_ =	shalt  }
.Lfunc_end2:
_tile_overlayer_lowered:
.L_overlay_start_2:
0x3cd: {  	(tag) =	ssettag $0x2  }
0x3ce: {  	s0 =	rddreg [dreg:$0x0];
	s2 =	stileid.u32  }
0x3cf: {  	s1 =	rddreg [dreg:$0x1];
	p0 =	sne.s32 s2, $0x0  }
0x3d0: {  	s3 =	rddreg [dreg:$0x2];
	[bflag:$0x3] =	sbarrier.arrive $0xFFFF;
	s2 =	simm.s32 @!p0 $0x1C07  }
0x3d1: {  	[timem:s3], [sflag:s2] =	dma.local @!p0 [hbm:s0], s1  }
0x3d2: {  	s0 =	simm.s32 @!p0 $0x7  }
0x3d3: {  	_ =	swait.ge @!p0 [sflag:s0], s1  }
0x3d4: {  	s1 =	ssub.s32 @!p0 $0x0, s1;
	[sflag:s0] =	ssyncset.done @!p0 $0x0  }
0x3d5: {  	[sflag:s0] =	ssyncadd.s32 @!p0 s1  }
0x3d6: {  	[bflag:$0x3] =	sbarrier.arrive $0xFFFF  }
0x3d7: {  	_ =	shalt  }

</sc_bundles>
